<compile_context>
chip_gen: v7x
topology: tpu7x:2x2x1
jax: 0.10.2.dev20260603
libtpu: 0.0.44.dev20260713+nightly
codegen_flags: <defaults>
</compile_context>

<pallas_src>
import functools

import jax
import jax.numpy as jnp
from jax import lax
from jax.experimental import pallas as pl
from jax.experimental.pallas import tpu as pltpu
from jax.experimental.pallas import tpu_sc as plsc

_NC = 2
_NS = 16
_L = 16
_NW = _NC * _NS


def _node_proj_body(feat_ref, w_ref, b_ref, t_ref):
    t_ref[...] = (
        jnp.dot(feat_ref[...], w_ref[...], preferred_element_type=jnp.float32)
        + b_ref[...]
    )


def _edge_mlp_body(beh, vk2_ref, ef_ref, wek_ref, bek_ref, w1_ref, b1_ref,
                   w2_ref, b2_ref, out_ref):
    o = out_ref.shape[0]
    k = vk2_ref.shape[0] // beh
    ef = ef_ref[...]
    efc = jnp.concatenate(
        [
            jnp.concatenate(
                [ef[m * 2 * beh:m * 2 * beh + beh],
                 ef[m * 2 * beh + beh:(m + 1) * 2 * beh]],
                axis=1,
            )
            for m in range(k)
        ],
        axis=0,
    )
    ekc = jnp.dot(efc, wek_ref[...], preferred_element_type=jnp.float32)
    a = jnp.maximum(vk2_ref[...] + ekc + bek_ref[...], 0.0)
    a = jnp.maximum(
        jnp.dot(a, w1_ref[...], preferred_element_type=jnp.float32) + b1_ref[...], 0.0
    )
    at = lax.dot_general(
        w2_ref[...], a, (((0,), (1,)), ((), ())),
        preferred_element_type=jnp.float32,
    )
    at = jnp.maximum(at + b2_ref[...], 0.0)
    for m in range(k):
        out_ref[:, m * 2 * beh:m * 2 * beh + beh] = at[:o, m * beh:(m + 1) * beh]
        out_ref[:, m * 2 * beh + beh:(m + 1) * 2 * beh] = at[o:, m * beh:(m + 1) * beh]


def _make_gather_kernel(n_nodes, n_edges, h, beh, ch):
    nblk = n_edges // (2 * beh)
    ch2 = 2 * ch
    h2 = 2 * h
    rps = (n_nodes // _NS) // 8 * 8
    mesh = plsc.VectorSubcoreMesh(
        core_axis_name="c", subcore_axis_name="s", num_cores=_NC, num_subcores=_NS
    )

    @functools.partial(
        pl.kernel,
        out_type=jax.ShapeDtypeStruct((n_edges // 2 * h2,), jnp.float32),
        mesh=mesh,
        scratch_types=[
            pltpu.VMEM_SHARED((n_nodes, h), jnp.float32),
            pltpu.VMEM_SHARED((n_nodes, h), jnp.float32),
            pltpu.VMEM((ch2,), jnp.int32),
            pltpu.VMEM((ch2,), jnp.int32),
            pltpu.VMEM((ch2,), jnp.int32),
            pltpu.VMEM((ch2,), jnp.int32),
            pltpu.VMEM((ch2, h), jnp.float32),
            pltpu.VMEM((ch2, h), jnp.float32),
            pltpu.VMEM((ch2, h), jnp.float32),
            pltpu.VMEM((ch2, h), jnp.float32),
            pltpu.VMEM((ch * h2,), jnp.float32),
            pltpu.VMEM((ch * h2,), jnp.float32),
            pltpu.SemaphoreType.DMA,
            pltpu.SemaphoreType.DMA,
            pltpu.SemaphoreType.DMA,
            pltpu.SemaphoreType.DMA,
            pltpu.SemaphoreType.DMA,
        ],
        compiler_params=pltpu.CompilerParams(use_tc_tiling_on_sc=False),
    )
    def gather_add(t_hbm, ei_hbm, out_hbm,
                   vsk_sh, vrk_sh, si0, di0, si1, di1,
                   rs0, rd0, rs1, rd1, ov0, ov1,
                   semi0, semi1, semg0, semg1, semo):
        cid = lax.axis_index("c")
        sid = lax.axis_index("s")
        wid = sid * _NC + cid
        wo = wid * ch

        for s in range(_NS):
            sz = rps if s < _NS - 1 else n_nodes - rps * (_NS - 1)

            @pl.when(sid == s)
            def _stage(s=s, sz=sz):
                pltpu.sync_copy(t_hbm.at[pl.ds(s * rps, sz), pl.ds(0, h)],
                                vsk_sh.at[pl.ds(s * rps, sz)])
                pltpu.sync_copy(t_hbm.at[pl.ds(s * rps, sz), pl.ds(h, h)],
                                vrk_sh.at[pl.ds(s * rps, sz)])

        plsc.subcore_barrier()

        def issue_idx(j, si, di, semi):
            lo = pl.multiple_of(j * 2 * beh + wo, 8)
            hi = pl.multiple_of(j * 2 * beh + beh + wo, 8)
            c0 = pltpu.async_copy(ei_hbm.at[pl.ds(lo, ch)],
                                  si.at[pl.ds(0, ch)], semi)
            c1 = pltpu.async_copy(ei_hbm.at[pl.ds(hi, ch)],
                                  si.at[pl.ds(ch, ch)], semi)
            c2 = pltpu.async_copy(ei_hbm.at[pl.ds(n_edges + lo, ch)],
                                  di.at[pl.ds(0, ch)], semi)
            c3 = pltpu.async_copy(ei_hbm.at[pl.ds(n_edges + hi, ch)],
                                  di.at[pl.ds(ch, ch)], semi)
            return c0, c1, c2, c3

        def drain_idx(si, di, semi):
            pltpu.make_async_copy(ei_hbm.at[pl.ds(0, ch)],
                                  si.at[pl.ds(0, ch)], semi).wait()
            pltpu.make_async_copy(ei_hbm.at[pl.ds(0, ch)],
                                  si.at[pl.ds(ch, ch)], semi).wait()
            pltpu.make_async_copy(ei_hbm.at[pl.ds(0, ch)],
                                  di.at[pl.ds(0, ch)], semi).wait()
            pltpu.make_async_copy(ei_hbm.at[pl.ds(0, ch)],
                                  di.at[pl.ds(ch, ch)], semi).wait()

        def issue_gather(si, di, rs, rd, semg):
            cs = pltpu.async_copy(vsk_sh.at[si], rs, semg)
            cd = pltpu.async_copy(vrk_sh.at[di], rd, semg)
            return cs, cd

        def combine(rs, rd, ov):
            @plsc.parallel_loop(0, ch, unroll=8)
            def add_rows(r):
                rb = r * h2
                for c in range(h // _L):
                    sl = pl.ds(c * _L, _L)
                    ov[pl.ds(rb + c * _L, _L)] = rs[r, sl] + rd[r, sl]
                    ov[pl.ds(rb + h + c * _L, _L)] = rs[ch + r, sl] + rd[ch + r, sl]

        def flush(j, ov):
            oo = pl.multiple_of((j * beh + wo) * h2, 8)
            return pltpu.async_copy(ov, out_hbm.at[pl.ds(oo, ch * h2)], semo)

        def drain_flush(ov):
            pltpu.make_async_copy(out_hbm.at[pl.ds(0, ch * h2)], ov, semo).wait()

        issue_idx(0, si0, di0, semi0)
        issue_idx(1, si1, di1, semi1)

        def pair_body(i, carry):
            j0 = 2 * i
            j1 = 2 * i + 1
            drain_idx(si0, di0, semi0)
            g0 = issue_gather(si0, di0, rs0, rd0, semg0)
            drain_idx(si1, di1, semi1)
            g1 = issue_gather(si1, di1, rs1, rd1, semg1)
            g0[0].wait()
            g0[1].wait()

            @pl.when(j0 + 2 < nblk)
            def _pf0():
                issue_idx(j0 + 2, si0, di0, semi0)

            @pl.when(i > 0)
            def _dr0():
                drain_flush(ov0)

            combine(rs0, rd0, ov0)
            flush(j0, ov0)
            g1[0].wait()
            g1[1].wait()

            @pl.when(j1 + 2 < nblk)
            def _pf1():
                issue_idx(j1 + 2, si1, di1, semi1)

            @pl.when(i > 0)
            def _dr1():
                drain_flush(ov1)

            combine(rs1, rd1, ov1)
            flush(j1, ov1)
            return carry

        lax.fori_loop(0, nblk // 2, pair_body, 0)
        drain_flush(ov0)
        drain_flush(ov1)

        if nblk % 2:
            drain_idx(si0, di0, semi0)
            g = issue_gather(si0, di0, rs0, rd0, semg0)
            g[0].wait()
            g[1].wait()
            combine(rs0, rd0, ov0)
            flush(nblk - 1, ov0).wait()

    return gather_add


def _blkdiag(w):
    r, c = w.shape
    z = jnp.zeros((2 * r, 2 * c), w.dtype)
    return z.at[:r, :c].set(w).at[r:, c:].set(w)


def kernel(feat, efeat, edge_index, W_vsk, b_vsk, W_vrk, b_vrk, W_ek, b_ek, W1, b1,
           W2, b2):
    n, f_in = feat.shape
    e = efeat.shape[0]
    h = W_vsk.shape[0]
    o = W2.shape[0]
    half = e // 2
    beh = 1280
    ch = beh // _NW

    w_cat = jnp.concatenate([W_vsk.T, W_vrk.T], axis=1)
    b_cat = jnp.concatenate([b_vsk, b_vrk])[None, :]
    t_tab = pl.pallas_call(
        _node_proj_body,
        out_shape=jax.ShapeDtypeStruct((n, 2 * h), jnp.float32),
    )(feat, w_cat, b_cat)

    gather_add = _make_gather_kernel(n, e, h, beh, ch)
    vk2 = gather_add(t_tab, edge_index.reshape(-1)).reshape(half, 2 * h)

    nblk = half // beh
    wek_d = _blkdiag(W_ek.T)
    bek_d = jnp.concatenate([b_ek, b_ek])[None, :]
    w1_d = _blkdiag(W1.T)
    b1_d = jnp.concatenate([b1, b1])[None, :]
    w2_d = _blkdiag(W2.T)
    b2_d = jnp.concatenate([b2, b2])[:, None]
    k = 5
    out_t = pl.pallas_call(
        functools.partial(_edge_mlp_body, beh),
        grid=(nblk // k,),
        in_specs=[
            pl.BlockSpec((k * beh, 2 * h), lambda i: (i, 0)),
            pl.BlockSpec((k * 2 * beh, f_in), lambda i: (i, 0)),
            pl.BlockSpec((2 * f_in, 2 * h), lambda i: (0, 0)),
            pl.BlockSpec((1, 2 * h), lambda i: (0, 0)),
            pl.BlockSpec((2 * h, 2 * h), lambda i: (0, 0)),
            pl.BlockSpec((1, 2 * h), lambda i: (0, 0)),
            pl.BlockSpec((2 * h, 2 * o), lambda i: (0, 0)),
            pl.BlockSpec((2 * o, 1), lambda i: (0, 0)),
        ],
        out_specs=pl.BlockSpec((o, k * 2 * beh), lambda i: (0, i)),
        out_shape=jax.ShapeDtypeStruct((o, e), jnp.float32),
        compiler_params=pltpu.CompilerParams(
            dimension_semantics=("arbitrary",),
        ),
    )(vk2, efeat, wek_d, bek_d, w1_d, b1_d, w2_d, b2_d)
    return out_t.T

# --- scband reference (transcript-rebuilt; emitter-appended) ---
"""Pipeline reference for scband-edge-update-61838939128121 (READ-ONLY COPY).

The authoritative reference and input builder live on the scoring server;
editing this copy changes nothing except your own understanding.
"""

import jax, jax.numpy as jnp
import numpy as np

N, E, F_IN, H, O = 10000, 320000, 128, 64, 32


def _xavier(key, shape, gain):
    fan_out, fan_in = shape
    std = gain * np.sqrt(2.0 / (fan_in + fan_out))
    return jax.random.normal(key, shape, dtype=jnp.float32) * std


def setup_inputs(seed: int = 0) -> dict:
    key = jax.random.key(seed)
    ks = jax.random.split(key, 16)
    gain = float(np.sqrt(2.0))  # calculate_gain('relu')
    feat = jax.random.normal(ks[0], (N, F_IN), dtype=jnp.float32)
    efeat = jax.random.normal(ks[1], (E, F_IN), dtype=jnp.float32)
    edge_index = jax.random.randint(ks[2], (2, E), 0, N, dtype=jnp.int32)
    W_vsk = _xavier(ks[3], (H, F_IN), gain)
    b_vsk = jnp.zeros((H,), dtype=jnp.float32)
    W_vrk = _xavier(ks[4], (H, F_IN), gain)
    b_vrk = jnp.zeros((H,), dtype=jnp.float32)
    W_ek = _xavier(ks[5], (H, F_IN), gain)
    b_ek = jnp.zeros((H,), dtype=jnp.float32)
    W1 = _xavier(ks[6], (H, H), gain)
    b1 = jnp.zeros((H,), dtype=jnp.float32)
    W2 = _xavier(ks[7], (O, H), gain)
    b2 = jnp.zeros((O,), dtype=jnp.float32)
    return {
        "feat": feat, "efeat": efeat, "edge_index": edge_index,
        "W_vsk": W_vsk, "b_vsk": b_vsk, "W_vrk": W_vrk, "b_vrk": b_vrk,
        "W_ek": W_ek, "b_ek": b_ek, "W1": W1, "b1": b1, "W2": W2, "b2": b2,
    }


def reference(feat, efeat, edge_index, W_vsk, b_vsk, W_vrk, b_vrk, W_ek, b_ek, W1, b1, W2, b2):
    # layer 0: project node (src/dst) and edge features
    vsk = feat @ W_vsk.T + b_vsk          # [N, H]
    vrk = feat @ W_vrk.T + b_vrk          # [N, H]
    ek = efeat @ W_ek.T + b_ek            # [E, H]
    src = edge_index[0]
    dst = edge_index[1]
    # apply_edges(fn.u_add_v): gather per-edge src+dst projections
    vk = jnp.take(vsk, src, axis=0) + jnp.take(vrk, dst, axis=0)  # [E, H]
    out = jax.nn.relu(vk + ek)
    # layer 1 (hidden)
    out = jax.nn.relu(out @ W1.T + b1)
    # layer 2 (output)
    out = jax.nn.relu(out @ W2.T + b2)    # [E, O]
    return out

if __name__ == "__main__":
    import jax
    _d = setup_inputs()
    print(jax.jit(kernel)(*tuple(_d.values())))

</pallas_src>

<mosaic_0001>
#map = affine_map<(d0, d1) -> (0, 0)>
#map1 = affine_map<(d0, d1) -> (0)>
module attributes {stable_mosaic.version = 14 : i64} {
  func.func @gather_add(%arg0: i32, %arg1: i32, %arg2: memref<10000x128xf32, #tpu.memory_space<hbm>>, %arg3: memref<640000xi32, #tpu.memory_space<hbm>>, %arg4: memref<20480000xf32, #tpu.memory_space<hbm>>, %arg5: memref<10000x64xf32, #tpu.memory_space<vmem_shared>>, %arg6: memref<10000x64xf32, #tpu.memory_space<vmem_shared>>, %arg7: memref<80xi32, #tpu.memory_space<vmem>>, %arg8: memref<80xi32, #tpu.memory_space<vmem>>, %arg9: memref<80xi32, #tpu.memory_space<vmem>>, %arg10: memref<80xi32, #tpu.memory_space<vmem>>, %arg11: memref<80x64xf32, #tpu.memory_space<vmem>>, %arg12: memref<80x64xf32, #tpu.memory_space<vmem>>, %arg13: memref<80x64xf32, #tpu.memory_space<vmem>>, %arg14: memref<80x64xf32, #tpu.memory_space<vmem>>, %arg15: memref<5120xf32, #tpu.memory_space<vmem>>, %arg16: memref<5120xf32, #tpu.memory_space<vmem>>, %arg17: memref<!tpu.dma_semaphore, #tpu.memory_space<semaphore_mem>>, %arg18: memref<!tpu.dma_semaphore, #tpu.memory_space<semaphore_mem>>, %arg19: memref<!tpu.dma_semaphore, #tpu.memory_space<semaphore_mem>>, %arg20: memref<!tpu.dma_semaphore, #tpu.memory_space<semaphore_mem>>, %arg21: memref<!tpu.dma_semaphore, #tpu.memory_space<semaphore_mem>>) attributes {dimension_semantics = [#tpu.dimension_semantics<core_parallel>, #tpu.dimension_semantics<subcore_parallel>], iteration_bounds = array<i64: 2, 16>, scalar_prefetch = 0 : i64, scratch_operands = 17 : i64, tpu.core_type = #tpu.core_type<sc_vector_subcore>, window_params = [{transform_indices = #map}, {transform_indices = #map1}, {transform_indices = #map1}]} {
    %mul3A = arith.constant 2 : i32
    %mul3A_0 = arith.muli %arg1, %mul3A : i32
    %add3A = arith.addi %mul3A_0, %arg0 : i32
    %mul3A_1 = arith.constant 40 : i32
    %mul3A_2 = arith.muli %add3A, %mul3A_1 : i32
    %eq3A = arith.constant 0 : i32
    %eq3A_3 = arith.cmpi eq, %arg1, %eq3A : i32
    %convert_element_type3A = arith.extui %eq3A_3 : i1 to i32
    %cond3A = arith.constant 0 : i32
    %cond3A_4 = arith.cmpi ne, %convert_element_type3A, %cond3A : i32
    scf.if %cond3A_4 {
      "tpu.region"() ({
        %run_scoped3A = tpu.sem_alloc : memref<!tpu.dma_semaphore, #tpu.memory_space<semaphore_mem>>
        %dma_start3A_213 = arith.constant 0 : i32
        %dma_start3A_214 = arith.constant 0 : i32
        %dma_start3A_215 = tpu.memref_slice %arg5[%dma_start3A_213, %dma_start3A_214] : memref<10000x64xf32, #tpu.memory_space<vmem_shared>> -> memref<624x64xf32, #tpu.memory_space<vmem_shared>>
        %dma_start3A_216 = arith.constant 0 : i32
        %dma_start3A_217 = arith.constant 0 : i32
        %dma_start3A_218 = tpu.memref_slice %arg2[%dma_start3A_216, %dma_start3A_217] : memref<10000x128xf32, #tpu.memory_space<hbm>> -> memref<624x64xf32, #tpu.memory_space<hbm>>
        tpu.enqueue_dma source(%dma_start3A_218 : memref<624x64xf32, #tpu.memory_space<hbm>>) target(%dma_start3A_215 : memref<624x64xf32, #tpu.memory_space<vmem_shared>>) target_semaphore(%run_scoped3A : memref<!tpu.dma_semaphore, #tpu.memory_space<semaphore_mem>>)
        %dma_wait3A_219 = arith.constant 0 : i32
        %dma_wait3A_220 = arith.constant 0 : i32
        %dma_wait3A_221 = tpu.memref_slice %arg5[%dma_wait3A_219, %dma_wait3A_220] : memref<10000x64xf32, #tpu.memory_space<vmem_shared>> -> memref<624x64xf32, #tpu.memory_space<vmem_shared>>
        %dma_wait3A_222 = arith.constant 0 : i32
        %dma_wait3A_223 = arith.constant 0 : i32
        %dma_wait3A_224 = tpu.memref_slice %arg2[%dma_wait3A_222, %dma_wait3A_223] : memref<10000x128xf32, #tpu.memory_space<hbm>> -> memref<624x64xf32, #tpu.memory_space<hbm>>
        tpu.wait_dma2 semaphore(%run_scoped3A : memref<!tpu.dma_semaphore, #tpu.memory_space<semaphore_mem>>) src(%dma_wait3A_224 : memref<624x64xf32, #tpu.memory_space<hbm>>) dst(%dma_wait3A_221 : memref<624x64xf32, #tpu.memory_space<vmem_shared>>)
        tpu.yield
      }) : () -> ()
      "tpu.region"() ({
        %run_scoped3A = tpu.sem_alloc : memref<!tpu.dma_semaphore, #tpu.memory_space<semaphore_mem>>
        %dma_start3A_213 = arith.constant 0 : i32
        %dma_start3A_214 = arith.constant 0 : i32
        %dma_start3A_215 = tpu.memref_slice %arg6[%dma_start3A_213, %dma_start3A_214] : memref<10000x64xf32, #tpu.memory_space<vmem_shared>> -> memref<624x64xf32, #tpu.memory_space<vmem_shared>>
        %dma_start3A_216 = arith.constant 0 : i32
        %dma_start3A_217 = arith.constant 64 : i32
        %dma_start3A_218 = tpu.memref_slice %arg2[%dma_start3A_216, %dma_start3A_217] : memref<10000x128xf32, #tpu.memory_space<hbm>> -> memref<624x64xf32, #tpu.memory_space<hbm>>
        tpu.enqueue_dma source(%dma_start3A_218 : memref<624x64xf32, #tpu.memory_space<hbm>>) target(%dma_start3A_215 : memref<624x64xf32, #tpu.memory_space<vmem_shared>>) target_semaphore(%run_scoped3A : memref<!tpu.dma_semaphore, #tpu.memory_space<semaphore_mem>>)
        %dma_wait3A_219 = arith.constant 0 : i32
        %dma_wait3A_220 = arith.constant 0 : i32
        %dma_wait3A_221 = tpu.memref_slice %arg6[%dma_wait3A_219, %dma_wait3A_220] : memref<10000x64xf32, #tpu.memory_space<vmem_shared>> -> memref<624x64xf32, #tpu.memory_space<vmem_shared>>
        %dma_wait3A_222 = arith.constant 0 : i32
        %dma_wait3A_223 = arith.constant 64 : i32
        %dma_wait3A_224 = tpu.memref_slice %arg2[%dma_wait3A_222, %dma_wait3A_223] : memref<10000x128xf32, #tpu.memory_space<hbm>> -> memref<624x64xf32, #tpu.memory_space<hbm>>
        tpu.wait_dma2 semaphore(%run_scoped3A : memref<!tpu.dma_semaphore, #tpu.memory_space<semaphore_mem>>) src(%dma_wait3A_224 : memref<624x64xf32, #tpu.memory_space<hbm>>) dst(%dma_wait3A_221 : memref<624x64xf32, #tpu.memory_space<vmem_shared>>)
        tpu.yield
      }) : () -> ()
    } else {
    }
    %eq3A_5 = arith.constant 1 : i32
    %eq3A_6 = arith.cmpi eq, %arg1, %eq3A_5 : i32
    %convert_element_type3A_7 = arith.extui %eq3A_6 : i1 to i32
    %cond3A_8 = arith.constant 0 : i32
    %cond3A_9 = arith.cmpi ne, %convert_element_type3A_7, %cond3A_8 : i32
    scf.if %cond3A_9 {
      "tpu.region"() ({
        %run_scoped3A = tpu.sem_alloc : memref<!tpu.dma_semaphore, #tpu.memory_space<semaphore_mem>>
        %dma_start3A_213 = arith.constant 624 : i32
        %dma_start3A_214 = arith.constant 0 : i32
        %dma_start3A_215 = tpu.memref_slice %arg5[%dma_start3A_213, %dma_start3A_214] : memref<10000x64xf32, #tpu.memory_space<vmem_shared>> -> memref<624x64xf32, #tpu.memory_space<vmem_shared>>
        %dma_start3A_216 = arith.constant 624 : i32
        %dma_start3A_217 = arith.constant 0 : i32
        %dma_start3A_218 = tpu.memref_slice %arg2[%dma_start3A_216, %dma_start3A_217] : memref<10000x128xf32, #tpu.memory_space<hbm>> -> memref<624x64xf32, #tpu.memory_space<hbm>>
        tpu.enqueue_dma source(%dma_start3A_218 : memref<624x64xf32, #tpu.memory_space<hbm>>) target(%dma_start3A_215 : memref<624x64xf32, #tpu.memory_space<vmem_shared>>) target_semaphore(%run_scoped3A : memref<!tpu.dma_semaphore, #tpu.memory_space<semaphore_mem>>)
        %dma_wait3A_219 = arith.constant 624 : i32
        %dma_wait3A_220 = arith.constant 0 : i32
        %dma_wait3A_221 = tpu.memref_slice %arg5[%dma_wait3A_219, %dma_wait3A_220] : memref<10000x64xf32, #tpu.memory_space<vmem_shared>> -> memref<624x64xf32, #tpu.memory_space<vmem_shared>>
        %dma_wait3A_222 = arith.constant 624 : i32
        %dma_wait3A_223 = arith.constant 0 : i32
        %dma_wait3A_224 = tpu.memref_slice %arg2[%dma_wait3A_222, %dma_wait3A_223] : memref<10000x128xf32, #tpu.memory_space<hbm>> -> memref<624x64xf32, #tpu.memory_space<hbm>>
        tpu.wait_dma2 semaphore(%run_scoped3A : memref<!tpu.dma_semaphore, #tpu.memory_space<semaphore_mem>>) src(%dma_wait3A_224 : memref<624x64xf32, #tpu.memory_space<hbm>>) dst(%dma_wait3A_221 : memref<624x64xf32, #tpu.memory_space<vmem_shared>>)
        tpu.yield
      }) : () -> ()
      "tpu.region"() ({
        %run_scoped3A = tpu.sem_alloc : memref<!tpu.dma_semaphore, #tpu.memory_space<semaphore_mem>>
        %dma_start3A_213 = arith.constant 624 : i32
        %dma_start3A_214 = arith.constant 0 : i32
        %dma_start3A_215 = tpu.memref_slice %arg6[%dma_start3A_213, %dma_start3A_214] : memref<10000x64xf32, #tpu.memory_space<vmem_shared>> -> memref<624x64xf32, #tpu.memory_space<vmem_shared>>
        %dma_start3A_216 = arith.constant 624 : i32
        %dma_start3A_217 = arith.constant 64 : i32
        %dma_start3A_218 = tpu.memref_slice %arg2[%dma_start3A_216, %dma_start3A_217] : memref<10000x128xf32, #tpu.memory_space<hbm>> -> memref<624x64xf32, #tpu.memory_space<hbm>>
        tpu.enqueue_dma source(%dma_start3A_218 : memref<624x64xf32, #tpu.memory_space<hbm>>) target(%dma_start3A_215 : memref<624x64xf32, #tpu.memory_space<vmem_shared>>) target_semaphore(%run_scoped3A : memref<!tpu.dma_semaphore, #tpu.memory_space<semaphore_mem>>)
        %dma_wait3A_219 = arith.constant 624 : i32
        %dma_wait3A_220 = arith.constant 0 : i32
        %dma_wait3A_221 = tpu.memref_slice %arg6[%dma_wait3A_219, %dma_wait3A_220] : memref<10000x64xf32, #tpu.memory_space<vmem_shared>> -> memref<624x64xf32, #tpu.memory_space<vmem_shared>>
        %dma_wait3A_222 = arith.constant 624 : i32
        %dma_wait3A_223 = arith.constant 64 : i32
        %dma_wait3A_224 = tpu.memref_slice %arg2[%dma_wait3A_222, %dma_wait3A_223] : memref<10000x128xf32, #tpu.memory_space<hbm>> -> memref<624x64xf32, #tpu.memory_space<hbm>>
        tpu.wait_dma2 semaphore(%run_scoped3A : memref<!tpu.dma_semaphore, #tpu.memory_space<semaphore_mem>>) src(%dma_wait3A_224 : memref<624x64xf32, #tpu.memory_space<hbm>>) dst(%dma_wait3A_221 : memref<624x64xf32, #tpu.memory_space<vmem_shared>>)
        tpu.yield
      }) : () -> ()
    } else {
    }
    %eq3A_10 = arith.constant 2 : i32
    %eq3A_11 = arith.cmpi eq, %arg1, %eq3A_10 : i32
    %convert_element_type3A_12 = arith.extui %eq3A_11 : i1 to i32
    %cond3A_13 = arith.constant 0 : i32
    %cond3A_14 = arith.cmpi ne, %convert_element_type3A_12, %cond3A_13 : i32
    scf.if %cond3A_14 {
      "tpu.region"() ({
        %run_scoped3A = tpu.sem_alloc : memref<!tpu.dma_semaphore, #tpu.memory_space<semaphore_mem>>
        %dma_start3A_213 = arith.constant 1248 : i32
        %dma_start3A_214 = arith.constant 0 : i32
        %dma_start3A_215 = tpu.memref_slice %arg5[%dma_start3A_213, %dma_start3A_214] : memref<10000x64xf32, #tpu.memory_space<vmem_shared>> -> memref<624x64xf32, #tpu.memory_space<vmem_shared>>
        %dma_start3A_216 = arith.constant 1248 : i32
        %dma_start3A_217 = arith.constant 0 : i32
        %dma_start3A_218 = tpu.memref_slice %arg2[%dma_start3A_216, %dma_start3A_217] : memref<10000x128xf32, #tpu.memory_space<hbm>> -> memref<624x64xf32, #tpu.memory_space<hbm>>
        tpu.enqueue_dma source(%dma_start3A_218 : memref<624x64xf32, #tpu.memory_space<hbm>>) target(%dma_start3A_215 : memref<624x64xf32, #tpu.memory_space<vmem_shared>>) target_semaphore(%run_scoped3A : memref<!tpu.dma_semaphore, #tpu.memory_space<semaphore_mem>>)
        %dma_wait3A_219 = arith.constant 1248 : i32
        %dma_wait3A_220 = arith.constant 0 : i32
        %dma_wait3A_221 = tpu.memref_slice %arg5[%dma_wait3A_219, %dma_wait3A_220] : memref<10000x64xf32, #tpu.memory_space<vmem_shared>> -> memref<624x64xf32, #tpu.memory_space<vmem_shared>>
        %dma_wait3A_222 = arith.constant 1248 : i32
        %dma_wait3A_223 = arith.constant 0 : i32
        %dma_wait3A_224 = tpu.memref_slice %arg2[%dma_wait3A_222, %dma_wait3A_223] : memref<10000x128xf32, #tpu.memory_space<hbm>> -> memref<624x64xf32, #tpu.memory_space<hbm>>
        tpu.wait_dma2 semaphore(%run_scoped3A : memref<!tpu.dma_semaphore, #tpu.memory_space<semaphore_mem>>) src(%dma_wait3A_224 : memref<624x64xf32, #tpu.memory_space<hbm>>) dst(%dma_wait3A_221 : memref<624x64xf32, #tpu.memory_space<vmem_shared>>)
        tpu.yield
      }) : () -> ()
      "tpu.region"() ({
        %run_scoped3A = tpu.sem_alloc : memref<!tpu.dma_semaphore, #tpu.memory_space<semaphore_mem>>
        %dma_start3A_213 = arith.constant 1248 : i32
        %dma_start3A_214 = arith.constant 0 : i32
        %dma_start3A_215 = tpu.memref_slice %arg6[%dma_start3A_213, %dma_start3A_214] : memref<10000x64xf32, #tpu.memory_space<vmem_shared>> -> memref<624x64xf32, #tpu.memory_space<vmem_shared>>
        %dma_start3A_216 = arith.constant 1248 : i32
        %dma_start3A_217 = arith.constant 64 : i32
        %dma_start3A_218 = tpu.memref_slice %arg2[%dma_start3A_216, %dma_start3A_217] : memref<10000x128xf32, #tpu.memory_space<hbm>> -> memref<624x64xf32, #tpu.memory_space<hbm>>
        tpu.enqueue_dma source(%dma_start3A_218 : memref<624x64xf32, #tpu.memory_space<hbm>>) target(%dma_start3A_215 : memref<624x64xf32, #tpu.memory_space<vmem_shared>>) target_semaphore(%run_scoped3A : memref<!tpu.dma_semaphore, #tpu.memory_space<semaphore_mem>>)
        %dma_wait3A_219 = arith.constant 1248 : i32
        %dma_wait3A_220 = arith.constant 0 : i32
        %dma_wait3A_221 = tpu.memref_slice %arg6[%dma_wait3A_219, %dma_wait3A_220] : memref<10000x64xf32, #tpu.memory_space<vmem_shared>> -> memref<624x64xf32, #tpu.memory_space<vmem_shared>>
        %dma_wait3A_222 = arith.constant 1248 : i32
        %dma_wait3A_223 = arith.constant 64 : i32
        %dma_wait3A_224 = tpu.memref_slice %arg2[%dma_wait3A_222, %dma_wait3A_223] : memref<10000x128xf32, #tpu.memory_space<hbm>> -> memref<624x64xf32, #tpu.memory_space<hbm>>
        tpu.wait_dma2 semaphore(%run_scoped3A : memref<!tpu.dma_semaphore, #tpu.memory_space<semaphore_mem>>) src(%dma_wait3A_224 : memref<624x64xf32, #tpu.memory_space<hbm>>) dst(%dma_wait3A_221 : memref<624x64xf32, #tpu.memory_space<vmem_shared>>)
        tpu.yield
      }) : () -> ()
    } else {
    }
    %eq3A_15 = arith.constant 3 : i32
    %eq3A_16 = arith.cmpi eq, %arg1, %eq3A_15 : i32
    %convert_element_type3A_17 = arith.extui %eq3A_16 : i1 to i32
    %cond3A_18 = arith.constant 0 : i32
    %cond3A_19 = arith.cmpi ne, %convert_element_type3A_17, %cond3A_18 : i32
    scf.if %cond3A_19 {
      "tpu.region"() ({
        %run_scoped3A = tpu.sem_alloc : memref<!tpu.dma_semaphore, #tpu.memory_space<semaphore_mem>>
        %dma_start3A_213 = arith.constant 1872 : i32
        %dma_start3A_214 = arith.constant 0 : i32
        %dma_start3A_215 = tpu.memref_slice %arg5[%dma_start3A_213, %dma_start3A_214] : memref<10000x64xf32, #tpu.memory_space<vmem_shared>> -> memref<624x64xf32, #tpu.memory_space<vmem_shared>>
        %dma_start3A_216 = arith.constant 1872 : i32
        %dma_start3A_217 = arith.constant 0 : i32
        %dma_start3A_218 = tpu.memref_slice %arg2[%dma_start3A_216, %dma_start3A_217] : memref<10000x128xf32, #tpu.memory_space<hbm>> -> memref<624x64xf32, #tpu.memory_space<hbm>>
        tpu.enqueue_dma source(%dma_start3A_218 : memref<624x64xf32, #tpu.memory_space<hbm>>) target(%dma_start3A_215 : memref<624x64xf32, #tpu.memory_space<vmem_shared>>) target_semaphore(%run_scoped3A : memref<!tpu.dma_semaphore, #tpu.memory_space<semaphore_mem>>)
        %dma_wait3A_219 = arith.constant 1872 : i32
        %dma_wait3A_220 = arith.constant 0 : i32
        %dma_wait3A_221 = tpu.memref_slice %arg5[%dma_wait3A_219, %dma_wait3A_220] : memref<10000x64xf32, #tpu.memory_space<vmem_shared>> -> memref<624x64xf32, #tpu.memory_space<vmem_shared>>
        %dma_wait3A_222 = arith.constant 1872 : i32
        %dma_wait3A_223 = arith.constant 0 : i32
        %dma_wait3A_224 = tpu.memref_slice %arg2[%dma_wait3A_222, %dma_wait3A_223] : memref<10000x128xf32, #tpu.memory_space<hbm>> -> memref<624x64xf32, #tpu.memory_space<hbm>>
        tpu.wait_dma2 semaphore(%run_scoped3A : memref<!tpu.dma_semaphore, #tpu.memory_space<semaphore_mem>>) src(%dma_wait3A_224 : memref<624x64xf32, #tpu.memory_space<hbm>>) dst(%dma_wait3A_221 : memref<624x64xf32, #tpu.memory_space<vmem_shared>>)
        tpu.yield
      }) : () -> ()
      "tpu.region"() ({
        %run_scoped3A = tpu.sem_alloc : memref<!tpu.dma_semaphore, #tpu.memory_space<semaphore_mem>>
        %dma_start3A_213 = arith.constant 1872 : i32
        %dma_start3A_214 = arith.constant 0 : i32
        %dma_start3A_215 = tpu.memref_slice %arg6[%dma_start3A_213, %dma_start3A_214] : memref<10000x64xf32, #tpu.memory_space<vmem_shared>> -> memref<624x64xf32, #tpu.memory_space<vmem_shared>>
        %dma_start3A_216 = arith.constant 1872 : i32
        %dma_start3A_217 = arith.constant 64 : i32
        %dma_start3A_218 = tpu.memref_slice %arg2[%dma_start3A_216, %dma_start3A_217] : memref<10000x128xf32, #tpu.memory_space<hbm>> -> memref<624x64xf32, #tpu.memory_space<hbm>>
        tpu.enqueue_dma source(%dma_start3A_218 : memref<624x64xf32, #tpu.memory_space<hbm>>) target(%dma_start3A_215 : memref<624x64xf32, #tpu.memory_space<vmem_shared>>) target_semaphore(%run_scoped3A : memref<!tpu.dma_semaphore, #tpu.memory_space<semaphore_mem>>)
        %dma_wait3A_219 = arith.constant 1872 : i32
        %dma_wait3A_220 = arith.constant 0 : i32
        %dma_wait3A_221 = tpu.memref_slice %arg6[%dma_wait3A_219, %dma_wait3A_220] : memref<10000x64xf32, #tpu.memory_space<vmem_shared>> -> memref<624x64xf32, #tpu.memory_space<vmem_shared>>
        %dma_wait3A_222 = arith.constant 1872 : i32
        %dma_wait3A_223 = arith.constant 64 : i32
        %dma_wait3A_224 = tpu.memref_slice %arg2[%dma_wait3A_222, %dma_wait3A_223] : memref<10000x128xf32, #tpu.memory_space<hbm>> -> memref<624x64xf32, #tpu.memory_space<hbm>>
        tpu.wait_dma2 semaphore(%run_scoped3A : memref<!tpu.dma_semaphore, #tpu.memory_space<semaphore_mem>>) src(%dma_wait3A_224 : memref<624x64xf32, #tpu.memory_space<hbm>>) dst(%dma_wait3A_221 : memref<624x64xf32, #tpu.memory_space<vmem_shared>>)
        tpu.yield
      }) : () -> ()
    } else {
    }
    %eq3A_20 = arith.constant 4 : i32
    %eq3A_21 = arith.cmpi eq, %arg1, %eq3A_20 : i32
    %convert_element_type3A_22 = arith.extui %eq3A_21 : i1 to i32
    %cond3A_23 = arith.constant 0 : i32
    %cond3A_24 = arith.cmpi ne, %convert_element_type3A_22, %cond3A_23 : i32
    scf.if %cond3A_24 {
      "tpu.region"() ({
        %run_scoped3A = tpu.sem_alloc : memref<!tpu.dma_semaphore, #tpu.memory_space<semaphore_mem>>
        %dma_start3A_213 = arith.constant 2496 : i32
        %dma_start3A_214 = arith.constant 0 : i32
        %dma_start3A_215 = tpu.memref_slice %arg5[%dma_start3A_213, %dma_start3A_214] : memref<10000x64xf32, #tpu.memory_space<vmem_shared>> -> memref<624x64xf32, #tpu.memory_space<vmem_shared>>
        %dma_start3A_216 = arith.constant 2496 : i32
        %dma_start3A_217 = arith.constant 0 : i32
        %dma_start3A_218 = tpu.memref_slice %arg2[%dma_start3A_216, %dma_start3A_217] : memref<10000x128xf32, #tpu.memory_space<hbm>> -> memref<624x64xf32, #tpu.memory_space<hbm>>
        tpu.enqueue_dma source(%dma_start3A_218 : memref<624x64xf32, #tpu.memory_space<hbm>>) target(%dma_start3A_215 : memref<624x64xf32, #tpu.memory_space<vmem_shared>>) target_semaphore(%run_scoped3A : memref<!tpu.dma_semaphore, #tpu.memory_space<semaphore_mem>>)
        %dma_wait3A_219 = arith.constant 2496 : i32
        %dma_wait3A_220 = arith.constant 0 : i32
        %dma_wait3A_221 = tpu.memref_slice %arg5[%dma_wait3A_219, %dma_wait3A_220] : memref<10000x64xf32, #tpu.memory_space<vmem_shared>> -> memref<624x64xf32, #tpu.memory_space<vmem_shared>>
        %dma_wait3A_222 = arith.constant 2496 : i32
        %dma_wait3A_223 = arith.constant 0 : i32
        %dma_wait3A_224 = tpu.memref_slice %arg2[%dma_wait3A_222, %dma_wait3A_223] : memref<10000x128xf32, #tpu.memory_space<hbm>> -> memref<624x64xf32, #tpu.memory_space<hbm>>
        tpu.wait_dma2 semaphore(%run_scoped3A : memref<!tpu.dma_semaphore, #tpu.memory_space<semaphore_mem>>) src(%dma_wait3A_224 : memref<624x64xf32, #tpu.memory_space<hbm>>) dst(%dma_wait3A_221 : memref<624x64xf32, #tpu.memory_space<vmem_shared>>)
        tpu.yield
      }) : () -> ()
      "tpu.region"() ({
        %run_scoped3A = tpu.sem_alloc : memref<!tpu.dma_semaphore, #tpu.memory_space<semaphore_mem>>
        %dma_start3A_213 = arith.constant 2496 : i32
        %dma_start3A_214 = arith.constant 0 : i32
        %dma_start3A_215 = tpu.memref_slice %arg6[%dma_start3A_213, %dma_start3A_214] : memref<10000x64xf32, #tpu.memory_space<vmem_shared>> -> memref<624x64xf32, #tpu.memory_space<vmem_shared>>
        %dma_start3A_216 = arith.constant 2496 : i32
        %dma_start3A_217 = arith.constant 64 : i32
        %dma_start3A_218 = tpu.memref_slice %arg2[%dma_start3A_216, %dma_start3A_217] : memref<10000x128xf32, #tpu.memory_space<hbm>> -> memref<624x64xf32, #tpu.memory_space<hbm>>
        tpu.enqueue_dma source(%dma_start3A_218 : memref<624x64xf32, #tpu.memory_space<hbm>>) target(%dma_start3A_215 : memref<624x64xf32, #tpu.memory_space<vmem_shared>>) target_semaphore(%run_scoped3A : memref<!tpu.dma_semaphore, #tpu.memory_space<semaphore_mem>>)
        %dma_wait3A_219 = arith.constant 2496 : i32
        %dma_wait3A_220 = arith.constant 0 : i32
        %dma_wait3A_221 = tpu.memref_slice %arg6[%dma_wait3A_219, %dma_wait3A_220] : memref<10000x64xf32, #tpu.memory_space<vmem_shared>> -> memref<624x64xf32, #tpu.memory_space<vmem_shared>>
        %dma_wait3A_222 = arith.constant 2496 : i32
        %dma_wait3A_223 = arith.constant 64 : i32
        %dma_wait3A_224 = tpu.memref_slice %arg2[%dma_wait3A_222, %dma_wait3A_223] : memref<10000x128xf32, #tpu.memory_space<hbm>> -> memref<624x64xf32, #tpu.memory_space<hbm>>
        tpu.wait_dma2 semaphore(%run_scoped3A : memref<!tpu.dma_semaphore, #tpu.memory_space<semaphore_mem>>) src(%dma_wait3A_224 : memref<624x64xf32, #tpu.memory_space<hbm>>) dst(%dma_wait3A_221 : memref<624x64xf32, #tpu.memory_space<vmem_shared>>)
        tpu.yield
      }) : () -> ()
    } else {
    }
    %eq3A_25 = arith.constant 5 : i32
    %eq3A_26 = arith.cmpi eq, %arg1, %eq3A_25 : i32
    %convert_element_type3A_27 = arith.extui %eq3A_26 : i1 to i32
    %cond3A_28 = arith.constant 0 : i32
    %cond3A_29 = arith.cmpi ne, %convert_element_type3A_27, %cond3A_28 : i32
    scf.if %cond3A_29 {
      "tpu.region"() ({
        %run_scoped3A = tpu.sem_alloc : memref<!tpu.dma_semaphore, #tpu.memory_space<semaphore_mem>>
        %dma_start3A_213 = arith.constant 3120 : i32
        %dma_start3A_214 = arith.constant 0 : i32
        %dma_start3A_215 = tpu.memref_slice %arg5[%dma_start3A_213, %dma_start3A_214] : memref<10000x64xf32, #tpu.memory_space<vmem_shared>> -> memref<624x64xf32, #tpu.memory_space<vmem_shared>>
        %dma_start3A_216 = arith.constant 3120 : i32
        %dma_start3A_217 = arith.constant 0 : i32
        %dma_start3A_218 = tpu.memref_slice %arg2[%dma_start3A_216, %dma_start3A_217] : memref<10000x128xf32, #tpu.memory_space<hbm>> -> memref<624x64xf32, #tpu.memory_space<hbm>>
        tpu.enqueue_dma source(%dma_start3A_218 : memref<624x64xf32, #tpu.memory_space<hbm>>) target(%dma_start3A_215 : memref<624x64xf32, #tpu.memory_space<vmem_shared>>) target_semaphore(%run_scoped3A : memref<!tpu.dma_semaphore, #tpu.memory_space<semaphore_mem>>)
        %dma_wait3A_219 = arith.constant 3120 : i32
        %dma_wait3A_220 = arith.constant 0 : i32
        %dma_wait3A_221 = tpu.memref_slice %arg5[%dma_wait3A_219, %dma_wait3A_220] : memref<10000x64xf32, #tpu.memory_space<vmem_shared>> -> memref<624x64xf32, #tpu.memory_space<vmem_shared>>
        %dma_wait3A_222 = arith.constant 3120 : i32
        %dma_wait3A_223 = arith.constant 0 : i32
        %dma_wait3A_224 = tpu.memref_slice %arg2[%dma_wait3A_222, %dma_wait3A_223] : memref<10000x128xf32, #tpu.memory_space<hbm>> -> memref<624x64xf32, #tpu.memory_space<hbm>>
        tpu.wait_dma2 semaphore(%run_scoped3A : memref<!tpu.dma_semaphore, #tpu.memory_space<semaphore_mem>>) src(%dma_wait3A_224 : memref<624x64xf32, #tpu.memory_space<hbm>>) dst(%dma_wait3A_221 : memref<624x64xf32, #tpu.memory_space<vmem_shared>>)
        tpu.yield
      }) : () -> ()
      "tpu.region"() ({
        %run_scoped3A = tpu.sem_alloc : memref<!tpu.dma_semaphore, #tpu.memory_space<semaphore_mem>>
        %dma_start3A_213 = arith.constant 3120 : i32
        %dma_start3A_214 = arith.constant 0 : i32
        %dma_start3A_215 = tpu.memref_slice %arg6[%dma_start3A_213, %dma_start3A_214] : memref<10000x64xf32, #tpu.memory_space<vmem_shared>> -> memref<624x64xf32, #tpu.memory_space<vmem_shared>>
        %dma_start3A_216 = arith.constant 3120 : i32
        %dma_start3A_217 = arith.constant 64 : i32
        %dma_start3A_218 = tpu.memref_slice %arg2[%dma_start3A_216, %dma_start3A_217] : memref<10000x128xf32, #tpu.memory_space<hbm>> -> memref<624x64xf32, #tpu.memory_space<hbm>>
        tpu.enqueue_dma source(%dma_start3A_218 : memref<624x64xf32, #tpu.memory_space<hbm>>) target(%dma_start3A_215 : memref<624x64xf32, #tpu.memory_space<vmem_shared>>) target_semaphore(%run_scoped3A : memref<!tpu.dma_semaphore, #tpu.memory_space<semaphore_mem>>)
        %dma_wait3A_219 = arith.constant 3120 : i32
        %dma_wait3A_220 = arith.constant 0 : i32
        %dma_wait3A_221 = tpu.memref_slice %arg6[%dma_wait3A_219, %dma_wait3A_220] : memref<10000x64xf32, #tpu.memory_space<vmem_shared>> -> memref<624x64xf32, #tpu.memory_space<vmem_shared>>
        %dma_wait3A_222 = arith.constant 3120 : i32
        %dma_wait3A_223 = arith.constant 64 : i32
        %dma_wait3A_224 = tpu.memref_slice %arg2[%dma_wait3A_222, %dma_wait3A_223] : memref<10000x128xf32, #tpu.memory_space<hbm>> -> memref<624x64xf32, #tpu.memory_space<hbm>>
        tpu.wait_dma2 semaphore(%run_scoped3A : memref<!tpu.dma_semaphore, #tpu.memory_space<semaphore_mem>>) src(%dma_wait3A_224 : memref<624x64xf32, #tpu.memory_space<hbm>>) dst(%dma_wait3A_221 : memref<624x64xf32, #tpu.memory_space<vmem_shared>>)
        tpu.yield
      }) : () -> ()
    } else {
    }
    %eq3A_30 = arith.constant 6 : i32
    %eq3A_31 = arith.cmpi eq, %arg1, %eq3A_30 : i32
    %convert_element_type3A_32 = arith.extui %eq3A_31 : i1 to i32
    %cond3A_33 = arith.constant 0 : i32
    %cond3A_34 = arith.cmpi ne, %convert_element_type3A_32, %cond3A_33 : i32
    scf.if %cond3A_34 {
      "tpu.region"() ({
        %run_scoped3A = tpu.sem_alloc : memref<!tpu.dma_semaphore, #tpu.memory_space<semaphore_mem>>
        %dma_start3A_213 = arith.constant 3744 : i32
        %dma_start3A_214 = arith.constant 0 : i32
        %dma_start3A_215 = tpu.memref_slice %arg5[%dma_start3A_213, %dma_start3A_214] : memref<10000x64xf32, #tpu.memory_space<vmem_shared>> -> memref<624x64xf32, #tpu.memory_space<vmem_shared>>
        %dma_start3A_216 = arith.constant 3744 : i32
        %dma_start3A_217 = arith.constant 0 : i32
        %dma_start3A_218 = tpu.memref_slice %arg2[%dma_start3A_216, %dma_start3A_217] : memref<10000x128xf32, #tpu.memory_space<hbm>> -> memref<624x64xf32, #tpu.memory_space<hbm>>
        tpu.enqueue_dma source(%dma_start3A_218 : memref<624x64xf32, #tpu.memory_space<hbm>>) target(%dma_start3A_215 : memref<624x64xf32, #tpu.memory_space<vmem_shared>>) target_semaphore(%run_scoped3A : memref<!tpu.dma_semaphore, #tpu.memory_space<semaphore_mem>>)
        %dma_wait3A_219 = arith.constant 3744 : i32
        %dma_wait3A_220 = arith.constant 0 : i32
        %dma_wait3A_221 = tpu.memref_slice %arg5[%dma_wait3A_219, %dma_wait3A_220] : memref<10000x64xf32, #tpu.memory_space<vmem_shared>> -> memref<624x64xf32, #tpu.memory_space<vmem_shared>>
        %dma_wait3A_222 = arith.constant 3744 : i32
        %dma_wait3A_223 = arith.constant 0 : i32
        %dma_wait3A_224 = tpu.memref_slice %arg2[%dma_wait3A_222, %dma_wait3A_223] : memref<10000x128xf32, #tpu.memory_space<hbm>> -> memref<624x64xf32, #tpu.memory_space<hbm>>
        tpu.wait_dma2 semaphore(%run_scoped3A : memref<!tpu.dma_semaphore, #tpu.memory_space<semaphore_mem>>) src(%dma_wait3A_224 : memref<624x64xf32, #tpu.memory_space<hbm>>) dst(%dma_wait3A_221 : memref<624x64xf32, #tpu.memory_space<vmem_shared>>)
        tpu.yield
      }) : () -> ()
      "tpu.region"() ({
        %run_scoped3A = tpu.sem_alloc : memref<!tpu.dma_semaphore, #tpu.memory_space<semaphore_mem>>
        %dma_start3A_213 = arith.constant 3744 : i32
        %dma_start3A_214 = arith.constant 0 : i32
        %dma_start3A_215 = tpu.memref_slice %arg6[%dma_start3A_213, %dma_start3A_214] : memref<10000x64xf32, #tpu.memory_space<vmem_shared>> -> memref<624x64xf32, #tpu.memory_space<vmem_shared>>
        %dma_start3A_216 = arith.constant 3744 : i32
        %dma_start3A_217 = arith.constant 64 : i32
        %dma_start3A_218 = tpu.memref_slice %arg2[%dma_start3A_216, %dma_start3A_217] : memref<10000x128xf32, #tpu.memory_space<hbm>> -> memref<624x64xf32, #tpu.memory_space<hbm>>
        tpu.enqueue_dma source(%dma_start3A_218 : memref<624x64xf32, #tpu.memory_space<hbm>>) target(%dma_start3A_215 : memref<624x64xf32, #tpu.memory_space<vmem_shared>>) target_semaphore(%run_scoped3A : memref<!tpu.dma_semaphore, #tpu.memory_space<semaphore_mem>>)
        %dma_wait3A_219 = arith.constant 3744 : i32
        %dma_wait3A_220 = arith.constant 0 : i32
        %dma_wait3A_221 = tpu.memref_slice %arg6[%dma_wait3A_219, %dma_wait3A_220] : memref<10000x64xf32, #tpu.memory_space<vmem_shared>> -> memref<624x64xf32, #tpu.memory_space<vmem_shared>>
        %dma_wait3A_222 = arith.constant 3744 : i32
        %dma_wait3A_223 = arith.constant 64 : i32
        %dma_wait3A_224 = tpu.memref_slice %arg2[%dma_wait3A_222, %dma_wait3A_223] : memref<10000x128xf32, #tpu.memory_space<hbm>> -> memref<624x64xf32, #tpu.memory_space<hbm>>
        tpu.wait_dma2 semaphore(%run_scoped3A : memref<!tpu.dma_semaphore, #tpu.memory_space<semaphore_mem>>) src(%dma_wait3A_224 : memref<624x64xf32, #tpu.memory_space<hbm>>) dst(%dma_wait3A_221 : memref<624x64xf32, #tpu.memory_space<vmem_shared>>)
        tpu.yield
      }) : () -> ()
    } else {
    }
    %eq3A_35 = arith.constant 7 : i32
    %eq3A_36 = arith.cmpi eq, %arg1, %eq3A_35 : i32
    %convert_element_type3A_37 = arith.extui %eq3A_36 : i1 to i32
    %cond3A_38 = arith.constant 0 : i32
    %cond3A_39 = arith.cmpi ne, %convert_element_type3A_37, %cond3A_38 : i32
    scf.if %cond3A_39 {
      "tpu.region"() ({
        %run_scoped3A = tpu.sem_alloc : memref<!tpu.dma_semaphore, #tpu.memory_space<semaphore_mem>>
        %dma_start3A_213 = arith.constant 4368 : i32
        %dma_start3A_214 = arith.constant 0 : i32
        %dma_start3A_215 = tpu.memref_slice %arg5[%dma_start3A_213, %dma_start3A_214] : memref<10000x64xf32, #tpu.memory_space<vmem_shared>> -> memref<624x64xf32, #tpu.memory_space<vmem_shared>>
        %dma_start3A_216 = arith.constant 4368 : i32
        %dma_start3A_217 = arith.constant 0 : i32
        %dma_start3A_218 = tpu.memref_slice %arg2[%dma_start3A_216, %dma_start3A_217] : memref<10000x128xf32, #tpu.memory_space<hbm>> -> memref<624x64xf32, #tpu.memory_space<hbm>>
        tpu.enqueue_dma source(%dma_start3A_218 : memref<624x64xf32, #tpu.memory_space<hbm>>) target(%dma_start3A_215 : memref<624x64xf32, #tpu.memory_space<vmem_shared>>) target_semaphore(%run_scoped3A : memref<!tpu.dma_semaphore, #tpu.memory_space<semaphore_mem>>)
        %dma_wait3A_219 = arith.constant 4368 : i32
        %dma_wait3A_220 = arith.constant 0 : i32
        %dma_wait3A_221 = tpu.memref_slice %arg5[%dma_wait3A_219, %dma_wait3A_220] : memref<10000x64xf32, #tpu.memory_space<vmem_shared>> -> memref<624x64xf32, #tpu.memory_space<vmem_shared>>
        %dma_wait3A_222 = arith.constant 4368 : i32
        %dma_wait3A_223 = arith.constant 0 : i32
        %dma_wait3A_224 = tpu.memref_slice %arg2[%dma_wait3A_222, %dma_wait3A_223] : memref<10000x128xf32, #tpu.memory_space<hbm>> -> memref<624x64xf32, #tpu.memory_space<hbm>>
        tpu.wait_dma2 semaphore(%run_scoped3A : memref<!tpu.dma_semaphore, #tpu.memory_space<semaphore_mem>>) src(%dma_wait3A_224 : memref<624x64xf32, #tpu.memory_space<hbm>>) dst(%dma_wait3A_221 : memref<624x64xf32, #tpu.memory_space<vmem_shared>>)
        tpu.yield
      }) : () -> ()
      "tpu.region"() ({
        %run_scoped3A = tpu.sem_alloc : memref<!tpu.dma_semaphore, #tpu.memory_space<semaphore_mem>>
        %dma_start3A_213 = arith.constant 4368 : i32
        %dma_start3A_214 = arith.constant 0 : i32
        %dma_start3A_215 = tpu.memref_slice %arg6[%dma_start3A_213, %dma_start3A_214] : memref<10000x64xf32, #tpu.memory_space<vmem_shared>> -> memref<624x64xf32, #tpu.memory_space<vmem_shared>>
        %dma_start3A_216 = arith.constant 4368 : i32
        %dma_start3A_217 = arith.constant 64 : i32
        %dma_start3A_218 = tpu.memref_slice %arg2[%dma_start3A_216, %dma_start3A_217] : memref<10000x128xf32, #tpu.memory_space<hbm>> -> memref<624x64xf32, #tpu.memory_space<hbm>>
        tpu.enqueue_dma source(%dma_start3A_218 : memref<624x64xf32, #tpu.memory_space<hbm>>) target(%dma_start3A_215 : memref<624x64xf32, #tpu.memory_space<vmem_shared>>) target_semaphore(%run_scoped3A : memref<!tpu.dma_semaphore, #tpu.memory_space<semaphore_mem>>)
        %dma_wait3A_219 = arith.constant 4368 : i32
        %dma_wait3A_220 = arith.constant 0 : i32
        %dma_wait3A_221 = tpu.memref_slice %arg6[%dma_wait3A_219, %dma_wait3A_220] : memref<10000x64xf32, #tpu.memory_space<vmem_shared>> -> memref<624x64xf32, #tpu.memory_space<vmem_shared>>
        %dma_wait3A_222 = arith.constant 4368 : i32
        %dma_wait3A_223 = arith.constant 64 : i32
        %dma_wait3A_224 = tpu.memref_slice %arg2[%dma_wait3A_222, %dma_wait3A_223] : memref<10000x128xf32, #tpu.memory_space<hbm>> -> memref<624x64xf32, #tpu.memory_space<hbm>>
        tpu.wait_dma2 semaphore(%run_scoped3A : memref<!tpu.dma_semaphore, #tpu.memory_space<semaphore_mem>>) src(%dma_wait3A_224 : memref<624x64xf32, #tpu.memory_space<hbm>>) dst(%dma_wait3A_221 : memref<624x64xf32, #tpu.memory_space<vmem_shared>>)
        tpu.yield
      }) : () -> ()
    } else {
    }
    %eq3A_40 = arith.constant 8 : i32
    %eq3A_41 = arith.cmpi eq, %arg1, %eq3A_40 : i32
    %convert_element_type3A_42 = arith.extui %eq3A_41 : i1 to i32
    %cond3A_43 = arith.constant 0 : i32
    %cond3A_44 = arith.cmpi ne, %convert_element_type3A_42, %cond3A_43 : i32
    scf.if %cond3A_44 {
      "tpu.region"() ({
        %run_scoped3A = tpu.sem_alloc : memref<!tpu.dma_semaphore, #tpu.memory_space<semaphore_mem>>
        %dma_start3A_213 = arith.constant 4992 : i32
        %dma_start3A_214 = arith.constant 0 : i32
        %dma_start3A_215 = tpu.memref_slice %arg5[%dma_start3A_213, %dma_start3A_214] : memref<10000x64xf32, #tpu.memory_space<vmem_shared>> -> memref<624x64xf32, #tpu.memory_space<vmem_shared>>
        %dma_start3A_216 = arith.constant 4992 : i32
        %dma_start3A_217 = arith.constant 0 : i32
        %dma_start3A_218 = tpu.memref_slice %arg2[%dma_start3A_216, %dma_start3A_217] : memref<10000x128xf32, #tpu.memory_space<hbm>> -> memref<624x64xf32, #tpu.memory_space<hbm>>
        tpu.enqueue_dma source(%dma_start3A_218 : memref<624x64xf32, #tpu.memory_space<hbm>>) target(%dma_start3A_215 : memref<624x64xf32, #tpu.memory_space<vmem_shared>>) target_semaphore(%run_scoped3A : memref<!tpu.dma_semaphore, #tpu.memory_space<semaphore_mem>>)
        %dma_wait3A_219 = arith.constant 4992 : i32
        %dma_wait3A_220 = arith.constant 0 : i32
        %dma_wait3A_221 = tpu.memref_slice %arg5[%dma_wait3A_219, %dma_wait3A_220] : memref<10000x64xf32, #tpu.memory_space<vmem_shared>> -> memref<624x64xf32, #tpu.memory_space<vmem_shared>>
        %dma_wait3A_222 = arith.constant 4992 : i32
        %dma_wait3A_223 = arith.constant 0 : i32
        %dma_wait3A_224 = tpu.memref_slice %arg2[%dma_wait3A_222, %dma_wait3A_223] : memref<10000x128xf32, #tpu.memory_space<hbm>> -> memref<624x64xf32, #tpu.memory_space<hbm>>
        tpu.wait_dma2 semaphore(%run_scoped3A : memref<!tpu.dma_semaphore, #tpu.memory_space<semaphore_mem>>) src(%dma_wait3A_224 : memref<624x64xf32, #tpu.memory_space<hbm>>) dst(%dma_wait3A_221 : memref<624x64xf32, #tpu.memory_space<vmem_shared>>)
        tpu.yield
      }) : () -> ()
      "tpu.region"() ({
        %run_scoped3A = tpu.sem_alloc : memref<!tpu.dma_semaphore, #tpu.memory_space<semaphore_mem>>
        %dma_start3A_213 = arith.constant 4992 : i32
        %dma_start3A_214 = arith.constant 0 : i32
        %dma_start3A_215 = tpu.memref_slice %arg6[%dma_start3A_213, %dma_start3A_214] : memref<10000x64xf32, #tpu.memory_space<vmem_shared>> -> memref<624x64xf32, #tpu.memory_space<vmem_shared>>
        %dma_start3A_216 = arith.constant 4992 : i32
        %dma_start3A_217 = arith.constant 64 : i32
        %dma_start3A_218 = tpu.memref_slice %arg2[%dma_start3A_216, %dma_start3A_217] : memref<10000x128xf32, #tpu.memory_space<hbm>> -> memref<624x64xf32, #tpu.memory_space<hbm>>
        tpu.enqueue_dma source(%dma_start3A_218 : memref<624x64xf32, #tpu.memory_space<hbm>>) target(%dma_start3A_215 : memref<624x64xf32, #tpu.memory_space<vmem_shared>>) target_semaphore(%run_scoped3A : memref<!tpu.dma_semaphore, #tpu.memory_space<semaphore_mem>>)
        %dma_wait3A_219 = arith.constant 4992 : i32
        %dma_wait3A_220 = arith.constant 0 : i32
        %dma_wait3A_221 = tpu.memref_slice %arg6[%dma_wait3A_219, %dma_wait3A_220] : memref<10000x64xf32, #tpu.memory_space<vmem_shared>> -> memref<624x64xf32, #tpu.memory_space<vmem_shared>>
        %dma_wait3A_222 = arith.constant 4992 : i32
        %dma_wait3A_223 = arith.constant 64 : i32
        %dma_wait3A_224 = tpu.memref_slice %arg2[%dma_wait3A_222, %dma_wait3A_223] : memref<10000x128xf32, #tpu.memory_space<hbm>> -> memref<624x64xf32, #tpu.memory_space<hbm>>
        tpu.wait_dma2 semaphore(%run_scoped3A : memref<!tpu.dma_semaphore, #tpu.memory_space<semaphore_mem>>) src(%dma_wait3A_224 : memref<624x64xf32, #tpu.memory_space<hbm>>) dst(%dma_wait3A_221 : memref<624x64xf32, #tpu.memory_space<vmem_shared>>)
        tpu.yield
      }) : () -> ()
    } else {
    }
    %eq3A_45 = arith.constant 9 : i32
    %eq3A_46 = arith.cmpi eq, %arg1, %eq3A_45 : i32
    %convert_element_type3A_47 = arith.extui %eq3A_46 : i1 to i32
    %cond3A_48 = arith.constant 0 : i32
    %cond3A_49 = arith.cmpi ne, %convert_element_type3A_47, %cond3A_48 : i32
    scf.if %cond3A_49 {
      "tpu.region"() ({
        %run_scoped3A = tpu.sem_alloc : memref<!tpu.dma_semaphore, #tpu.memory_space<semaphore_mem>>
        %dma_start3A_213 = arith.constant 5616 : i32
        %dma_start3A_214 = arith.constant 0 : i32
        %dma_start3A_215 = tpu.memref_slice %arg5[%dma_start3A_213, %dma_start3A_214] : memref<10000x64xf32, #tpu.memory_space<vmem_shared>> -> memref<624x64xf32, #tpu.memory_space<vmem_shared>>
        %dma_start3A_216 = arith.constant 5616 : i32
        %dma_start3A_217 = arith.constant 0 : i32
        %dma_start3A_218 = tpu.memref_slice %arg2[%dma_start3A_216, %dma_start3A_217] : memref<10000x128xf32, #tpu.memory_space<hbm>> -> memref<624x64xf32, #tpu.memory_space<hbm>>
        tpu.enqueue_dma source(%dma_start3A_218 : memref<624x64xf32, #tpu.memory_space<hbm>>) target(%dma_start3A_215 : memref<624x64xf32, #tpu.memory_space<vmem_shared>>) target_semaphore(%run_scoped3A : memref<!tpu.dma_semaphore, #tpu.memory_space<semaphore_mem>>)
        %dma_wait3A_219 = arith.constant 5616 : i32
        %dma_wait3A_220 = arith.constant 0 : i32
        %dma_wait3A_221 = tpu.memref_slice %arg5[%dma_wait3A_219, %dma_wait3A_220] : memref<10000x64xf32, #tpu.memory_space<vmem_shared>> -> memref<624x64xf32, #tpu.memory_space<vmem_shared>>
        %dma_wait3A_222 = arith.constant 5616 : i32
        %dma_wait3A_223 = arith.constant 0 : i32
        %dma_wait3A_224 = tpu.memref_slice %arg2[%dma_wait3A_222, %dma_wait3A_223] : memref<10000x128xf32, #tpu.memory_space<hbm>> -> memref<624x64xf32, #tpu.memory_space<hbm>>
        tpu.wait_dma2 semaphore(%run_scoped3A : memref<!tpu.dma_semaphore, #tpu.memory_space<semaphore_mem>>) src(%dma_wait3A_224 : memref<624x64xf32, #tpu.memory_space<hbm>>) dst(%dma_wait3A_221 : memref<624x64xf32, #tpu.memory_space<vmem_shared>>)
        tpu.yield
      }) : () -> ()
      "tpu.region"() ({
        %run_scoped3A = tpu.sem_alloc : memref<!tpu.dma_semaphore, #tpu.memory_space<semaphore_mem>>
        %dma_start3A_213 = arith.constant 5616 : i32
        %dma_start3A_214 = arith.constant 0 : i32
        %dma_start3A_215 = tpu.memref_slice %arg6[%dma_start3A_213, %dma_start3A_214] : memref<10000x64xf32, #tpu.memory_space<vmem_shared>> -> memref<624x64xf32, #tpu.memory_space<vmem_shared>>
        %dma_start3A_216 = arith.constant 5616 : i32
        %dma_start3A_217 = arith.constant 64 : i32
        %dma_start3A_218 = tpu.memref_slice %arg2[%dma_start3A_216, %dma_start3A_217] : memref<10000x128xf32, #tpu.memory_space<hbm>> -> memref<624x64xf32, #tpu.memory_space<hbm>>
        tpu.enqueue_dma source(%dma_start3A_218 : memref<624x64xf32, #tpu.memory_space<hbm>>) target(%dma_start3A_215 : memref<624x64xf32, #tpu.memory_space<vmem_shared>>) target_semaphore(%run_scoped3A : memref<!tpu.dma_semaphore, #tpu.memory_space<semaphore_mem>>)
        %dma_wait3A_219 = arith.constant 5616 : i32
        %dma_wait3A_220 = arith.constant 0 : i32
        %dma_wait3A_221 = tpu.memref_slice %arg6[%dma_wait3A_219, %dma_wait3A_220] : memref<10000x64xf32, #tpu.memory_space<vmem_shared>> -> memref<624x64xf32, #tpu.memory_space<vmem_shared>>
        %dma_wait3A_222 = arith.constant 5616 : i32
        %dma_wait3A_223 = arith.constant 64 : i32
        %dma_wait3A_224 = tpu.memref_slice %arg2[%dma_wait3A_222, %dma_wait3A_223] : memref<10000x128xf32, #tpu.memory_space<hbm>> -> memref<624x64xf32, #tpu.memory_space<hbm>>
        tpu.wait_dma2 semaphore(%run_scoped3A : memref<!tpu.dma_semaphore, #tpu.memory_space<semaphore_mem>>) src(%dma_wait3A_224 : memref<624x64xf32, #tpu.memory_space<hbm>>) dst(%dma_wait3A_221 : memref<624x64xf32, #tpu.memory_space<vmem_shared>>)
        tpu.yield
      }) : () -> ()
    } else {
    }
    %eq3A_50 = arith.constant 10 : i32
    %eq3A_51 = arith.cmpi eq, %arg1, %eq3A_50 : i32
    %convert_element_type3A_52 = arith.extui %eq3A_51 : i1 to i32
    %cond3A_53 = arith.constant 0 : i32
    %cond3A_54 = arith.cmpi ne, %convert_element_type3A_52, %cond3A_53 : i32
    scf.if %cond3A_54 {
      "tpu.region"() ({
        %run_scoped3A = tpu.sem_alloc : memref<!tpu.dma_semaphore, #tpu.memory_space<semaphore_mem>>
        %dma_start3A_213 = arith.constant 6240 : i32
        %dma_start3A_214 = arith.constant 0 : i32
        %dma_start3A_215 = tpu.memref_slice %arg5[%dma_start3A_213, %dma_start3A_214] : memref<10000x64xf32, #tpu.memory_space<vmem_shared>> -> memref<624x64xf32, #tpu.memory_space<vmem_shared>>
        %dma_start3A_216 = arith.constant 6240 : i32
        %dma_start3A_217 = arith.constant 0 : i32
        %dma_start3A_218 = tpu.memref_slice %arg2[%dma_start3A_216, %dma_start3A_217] : memref<10000x128xf32, #tpu.memory_space<hbm>> -> memref<624x64xf32, #tpu.memory_space<hbm>>
        tpu.enqueue_dma source(%dma_start3A_218 : memref<624x64xf32, #tpu.memory_space<hbm>>) target(%dma_start3A_215 : memref<624x64xf32, #tpu.memory_space<vmem_shared>>) target_semaphore(%run_scoped3A : memref<!tpu.dma_semaphore, #tpu.memory_space<semaphore_mem>>)
        %dma_wait3A_219 = arith.constant 6240 : i32
        %dma_wait3A_220 = arith.constant 0 : i32
        %dma_wait3A_221 = tpu.memref_slice %arg5[%dma_wait3A_219, %dma_wait3A_220] : memref<10000x64xf32, #tpu.memory_space<vmem_shared>> -> memref<624x64xf32, #tpu.memory_space<vmem_shared>>
        %dma_wait3A_222 = arith.constant 6240 : i32
        %dma_wait3A_223 = arith.constant 0 : i32
        %dma_wait3A_224 = tpu.memref_slice %arg2[%dma_wait3A_222, %dma_wait3A_223] : memref<10000x128xf32, #tpu.memory_space<hbm>> -> memref<624x64xf32, #tpu.memory_space<hbm>>
        tpu.wait_dma2 semaphore(%run_scoped3A : memref<!tpu.dma_semaphore, #tpu.memory_space<semaphore_mem>>) src(%dma_wait3A_224 : memref<624x64xf32, #tpu.memory_space<hbm>>) dst(%dma_wait3A_221 : memref<624x64xf32, #tpu.memory_space<vmem_shared>>)
        tpu.yield
      }) : () -> ()
      "tpu.region"() ({
        %run_scoped3A = tpu.sem_alloc : memref<!tpu.dma_semaphore, #tpu.memory_space<semaphore_mem>>
        %dma_start3A_213 = arith.constant 6240 : i32
        %dma_start3A_214 = arith.constant 0 : i32
        %dma_start3A_215 = tpu.memref_slice %arg6[%dma_start3A_213, %dma_start3A_214] : memref<10000x64xf32, #tpu.memory_space<vmem_shared>> -> memref<624x64xf32, #tpu.memory_space<vmem_shared>>
        %dma_start3A_216 = arith.constant 6240 : i32
        %dma_start3A_217 = arith.constant 64 : i32
        %dma_start3A_218 = tpu.memref_slice %arg2[%dma_start3A_216, %dma_start3A_217] : memref<10000x128xf32, #tpu.memory_space<hbm>> -> memref<624x64xf32, #tpu.memory_space<hbm>>
        tpu.enqueue_dma source(%dma_start3A_218 : memref<624x64xf32, #tpu.memory_space<hbm>>) target(%dma_start3A_215 : memref<624x64xf32, #tpu.memory_space<vmem_shared>>) target_semaphore(%run_scoped3A : memref<!tpu.dma_semaphore, #tpu.memory_space<semaphore_mem>>)
        %dma_wait3A_219 = arith.constant 6240 : i32
        %dma_wait3A_220 = arith.constant 0 : i32
        %dma_wait3A_221 = tpu.memref_slice %arg6[%dma_wait3A_219, %dma_wait3A_220] : memref<10000x64xf32, #tpu.memory_space<vmem_shared>> -> memref<624x64xf32, #tpu.memory_space<vmem_shared>>
        %dma_wait3A_222 = arith.constant 6240 : i32
        %dma_wait3A_223 = arith.constant 64 : i32
        %dma_wait3A_224 = tpu.memref_slice %arg2[%dma_wait3A_222, %dma_wait3A_223] : memref<10000x128xf32, #tpu.memory_space<hbm>> -> memref<624x64xf32, #tpu.memory_space<hbm>>
        tpu.wait_dma2 semaphore(%run_scoped3A : memref<!tpu.dma_semaphore, #tpu.memory_space<semaphore_mem>>) src(%dma_wait3A_224 : memref<624x64xf32, #tpu.memory_space<hbm>>) dst(%dma_wait3A_221 : memref<624x64xf32, #tpu.memory_space<vmem_shared>>)
        tpu.yield
      }) : () -> ()
    } else {
    }
    %eq3A_55 = arith.constant 11 : i32
    %eq3A_56 = arith.cmpi eq, %arg1, %eq3A_55 : i32
    %convert_element_type3A_57 = arith.extui %eq3A_56 : i1 to i32
    %cond3A_58 = arith.constant 0 : i32
    %cond3A_59 = arith.cmpi ne, %convert_element_type3A_57, %cond3A_58 : i32
    scf.if %cond3A_59 {
      "tpu.region"() ({
        %run_scoped3A = tpu.sem_alloc : memref<!tpu.dma_semaphore, #tpu.memory_space<semaphore_mem>>
        %dma_start3A_213 = arith.constant 6864 : i32
        %dma_start3A_214 = arith.constant 0 : i32
        %dma_start3A_215 = tpu.memref_slice %arg5[%dma_start3A_213, %dma_start3A_214] : memref<10000x64xf32, #tpu.memory_space<vmem_shared>> -> memref<624x64xf32, #tpu.memory_space<vmem_shared>>
        %dma_start3A_216 = arith.constant 6864 : i32
        %dma_start3A_217 = arith.constant 0 : i32
        %dma_start3A_218 = tpu.memref_slice %arg2[%dma_start3A_216, %dma_start3A_217] : memref<10000x128xf32, #tpu.memory_space<hbm>> -> memref<624x64xf32, #tpu.memory_space<hbm>>
        tpu.enqueue_dma source(%dma_start3A_218 : memref<624x64xf32, #tpu.memory_space<hbm>>) target(%dma_start3A_215 : memref<624x64xf32, #tpu.memory_space<vmem_shared>>) target_semaphore(%run_scoped3A : memref<!tpu.dma_semaphore, #tpu.memory_space<semaphore_mem>>)
        %dma_wait3A_219 = arith.constant 6864 : i32
        %dma_wait3A_220 = arith.constant 0 : i32
        %dma_wait3A_221 = tpu.memref_slice %arg5[%dma_wait3A_219, %dma_wait3A_220] : memref<10000x64xf32, #tpu.memory_space<vmem_shared>> -> memref<624x64xf32, #tpu.memory_space<vmem_shared>>
        %dma_wait3A_222 = arith.constant 6864 : i32
        %dma_wait3A_223 = arith.constant 0 : i32
        %dma_wait3A_224 = tpu.memref_slice %arg2[%dma_wait3A_222, %dma_wait3A_223] : memref<10000x128xf32, #tpu.memory_space<hbm>> -> memref<624x64xf32, #tpu.memory_space<hbm>>
        tpu.wait_dma2 semaphore(%run_scoped3A : memref<!tpu.dma_semaphore, #tpu.memory_space<semaphore_mem>>) src(%dma_wait3A_224 : memref<624x64xf32, #tpu.memory_space<hbm>>) dst(%dma_wait3A_221 : memref<624x64xf32, #tpu.memory_space<vmem_shared>>)
        tpu.yield
      }) : () -> ()
      "tpu.region"() ({
        %run_scoped3A = tpu.sem_alloc : memref<!tpu.dma_semaphore, #tpu.memory_space<semaphore_mem>>
        %dma_start3A_213 = arith.constant 6864 : i32
        %dma_start3A_214 = arith.constant 0 : i32
        %dma_start3A_215 = tpu.memref_slice %arg6[%dma_start3A_213, %dma_start3A_214] : memref<10000x64xf32, #tpu.memory_space<vmem_shared>> -> memref<624x64xf32, #tpu.memory_space<vmem_shared>>
        %dma_start3A_216 = arith.constant 6864 : i32
        %dma_start3A_217 = arith.constant 64 : i32
        %dma_start3A_218 = tpu.memref_slice %arg2[%dma_start3A_216, %dma_start3A_217] : memref<10000x128xf32, #tpu.memory_space<hbm>> -> memref<624x64xf32, #tpu.memory_space<hbm>>
        tpu.enqueue_dma source(%dma_start3A_218 : memref<624x64xf32, #tpu.memory_space<hbm>>) target(%dma_start3A_215 : memref<624x64xf32, #tpu.memory_space<vmem_shared>>) target_semaphore(%run_scoped3A : memref<!tpu.dma_semaphore, #tpu.memory_space<semaphore_mem>>)
        %dma_wait3A_219 = arith.constant 6864 : i32
        %dma_wait3A_220 = arith.constant 0 : i32
        %dma_wait3A_221 = tpu.memref_slice %arg6[%dma_wait3A_219, %dma_wait3A_220] : memref<10000x64xf32, #tpu.memory_space<vmem_shared>> -> memref<624x64xf32, #tpu.memory_space<vmem_shared>>
        %dma_wait3A_222 = arith.constant 6864 : i32
        %dma_wait3A_223 = arith.constant 64 : i32
        %dma_wait3A_224 = tpu.memref_slice %arg2[%dma_wait3A_222, %dma_wait3A_223] : memref<10000x128xf32, #tpu.memory_space<hbm>> -> memref<624x64xf32, #tpu.memory_space<hbm>>
        tpu.wait_dma2 semaphore(%run_scoped3A : memref<!tpu.dma_semaphore, #tpu.memory_space<semaphore_mem>>) src(%dma_wait3A_224 : memref<624x64xf32, #tpu.memory_space<hbm>>) dst(%dma_wait3A_221 : memref<624x64xf32, #tpu.memory_space<vmem_shared>>)
        tpu.yield
      }) : () -> ()
    } else {
    }
    %eq3A_60 = arith.constant 12 : i32
    %eq3A_61 = arith.cmpi eq, %arg1, %eq3A_60 : i32
    %convert_element_type3A_62 = arith.extui %eq3A_61 : i1 to i32
    %cond3A_63 = arith.constant 0 : i32
    %cond3A_64 = arith.cmpi ne, %convert_element_type3A_62, %cond3A_63 : i32
    scf.if %cond3A_64 {
      "tpu.region"() ({
        %run_scoped3A = tpu.sem_alloc : memref<!tpu.dma_semaphore, #tpu.memory_space<semaphore_mem>>
        %dma_start3A_213 = arith.constant 7488 : i32
        %dma_start3A_214 = arith.constant 0 : i32
        %dma_start3A_215 = tpu.memref_slice %arg5[%dma_start3A_213, %dma_start3A_214] : memref<10000x64xf32, #tpu.memory_space<vmem_shared>> -> memref<624x64xf32, #tpu.memory_space<vmem_shared>>
        %dma_start3A_216 = arith.constant 7488 : i32
        %dma_start3A_217 = arith.constant 0 : i32
        %dma_start3A_218 = tpu.memref_slice %arg2[%dma_start3A_216, %dma_start3A_217] : memref<10000x128xf32, #tpu.memory_space<hbm>> -> memref<624x64xf32, #tpu.memory_space<hbm>>
        tpu.enqueue_dma source(%dma_start3A_218 : memref<624x64xf32, #tpu.memory_space<hbm>>) target(%dma_start3A_215 : memref<624x64xf32, #tpu.memory_space<vmem_shared>>) target_semaphore(%run_scoped3A : memref<!tpu.dma_semaphore, #tpu.memory_space<semaphore_mem>>)
        %dma_wait3A_219 = arith.constant 7488 : i32
        %dma_wait3A_220 = arith.constant 0 : i32
        %dma_wait3A_221 = tpu.memref_slice %arg5[%dma_wait3A_219, %dma_wait3A_220] : memref<10000x64xf32, #tpu.memory_space<vmem_shared>> -> memref<624x64xf32, #tpu.memory_space<vmem_shared>>
        %dma_wait3A_222 = arith.constant 7488 : i32
        %dma_wait3A_223 = arith.constant 0 : i32
        %dma_wait3A_224 = tpu.memref_slice %arg2[%dma_wait3A_222, %dma_wait3A_223] : memref<10000x128xf32, #tpu.memory_space<hbm>> -> memref<624x64xf32, #tpu.memory_space<hbm>>
        tpu.wait_dma2 semaphore(%run_scoped3A : memref<!tpu.dma_semaphore, #tpu.memory_space<semaphore_mem>>) src(%dma_wait3A_224 : memref<624x64xf32, #tpu.memory_space<hbm>>) dst(%dma_wait3A_221 : memref<624x64xf32, #tpu.memory_space<vmem_shared>>)
        tpu.yield
      }) : () -> ()
      "tpu.region"() ({
        %run_scoped3A = tpu.sem_alloc : memref<!tpu.dma_semaphore, #tpu.memory_space<semaphore_mem>>
        %dma_start3A_213 = arith.constant 7488 : i32
        %dma_start3A_214 = arith.constant 0 : i32
        %dma_start3A_215 = tpu.memref_slice %arg6[%dma_start3A_213, %dma_start3A_214] : memref<10000x64xf32, #tpu.memory_space<vmem_shared>> -> memref<624x64xf32, #tpu.memory_space<vmem_shared>>
        %dma_start3A_216 = arith.constant 7488 : i32
        %dma_start3A_217 = arith.constant 64 : i32
        %dma_start3A_218 = tpu.memref_slice %arg2[%dma_start3A_216, %dma_start3A_217] : memref<10000x128xf32, #tpu.memory_space<hbm>> -> memref<624x64xf32, #tpu.memory_space<hbm>>
        tpu.enqueue_dma source(%dma_start3A_218 : memref<624x64xf32, #tpu.memory_space<hbm>>) target(%dma_start3A_215 : memref<624x64xf32, #tpu.memory_space<vmem_shared>>) target_semaphore(%run_scoped3A : memref<!tpu.dma_semaphore, #tpu.memory_space<semaphore_mem>>)
        %dma_wait3A_219 = arith.constant 7488 : i32
        %dma_wait3A_220 = arith.constant 0 : i32
        %dma_wait3A_221 = tpu.memref_slice %arg6[%dma_wait3A_219, %dma_wait3A_220] : memref<10000x64xf32, #tpu.memory_space<vmem_shared>> -> memref<624x64xf32, #tpu.memory_space<vmem_shared>>
        %dma_wait3A_222 = arith.constant 7488 : i32
        %dma_wait3A_223 = arith.constant 64 : i32
        %dma_wait3A_224 = tpu.memref_slice %arg2[%dma_wait3A_222, %dma_wait3A_223] : memref<10000x128xf32, #tpu.memory_space<hbm>> -> memref<624x64xf32, #tpu.memory_space<hbm>>
        tpu.wait_dma2 semaphore(%run_scoped3A : memref<!tpu.dma_semaphore, #tpu.memory_space<semaphore_mem>>) src(%dma_wait3A_224 : memref<624x64xf32, #tpu.memory_space<hbm>>) dst(%dma_wait3A_221 : memref<624x64xf32, #tpu.memory_space<vmem_shared>>)
        tpu.yield
      }) : () -> ()
    } else {
    }
    %eq3A_65 = arith.constant 13 : i32
    %eq3A_66 = arith.cmpi eq, %arg1, %eq3A_65 : i32
    %convert_element_type3A_67 = arith.extui %eq3A_66 : i1 to i32
    %cond3A_68 = arith.constant 0 : i32
    %cond3A_69 = arith.cmpi ne, %convert_element_type3A_67, %cond3A_68 : i32
    scf.if %cond3A_69 {
      "tpu.region"() ({
        %run_scoped3A = tpu.sem_alloc : memref<!tpu.dma_semaphore, #tpu.memory_space<semaphore_mem>>
        %dma_start3A_213 = arith.constant 8112 : i32
        %dma_start3A_214 = arith.constant 0 : i32
        %dma_start3A_215 = tpu.memref_slice %arg5[%dma_start3A_213, %dma_start3A_214] : memref<10000x64xf32, #tpu.memory_space<vmem_shared>> -> memref<624x64xf32, #tpu.memory_space<vmem_shared>>
        %dma_start3A_216 = arith.constant 8112 : i32
        %dma_start3A_217 = arith.constant 0 : i32
        %dma_start3A_218 = tpu.memref_slice %arg2[%dma_start3A_216, %dma_start3A_217] : memref<10000x128xf32, #tpu.memory_space<hbm>> -> memref<624x64xf32, #tpu.memory_space<hbm>>
        tpu.enqueue_dma source(%dma_start3A_218 : memref<624x64xf32, #tpu.memory_space<hbm>>) target(%dma_start3A_215 : memref<624x64xf32, #tpu.memory_space<vmem_shared>>) target_semaphore(%run_scoped3A : memref<!tpu.dma_semaphore, #tpu.memory_space<semaphore_mem>>)
        %dma_wait3A_219 = arith.constant 8112 : i32
        %dma_wait3A_220 = arith.constant 0 : i32
        %dma_wait3A_221 = tpu.memref_slice %arg5[%dma_wait3A_219, %dma_wait3A_220] : memref<10000x64xf32, #tpu.memory_space<vmem_shared>> -> memref<624x64xf32, #tpu.memory_space<vmem_shared>>
        %dma_wait3A_222 = arith.constant 8112 : i32
        %dma_wait3A_223 = arith.constant 0 : i32
        %dma_wait3A_224 = tpu.memref_slice %arg2[%dma_wait3A_222, %dma_wait3A_223] : memref<10000x128xf32, #tpu.memory_space<hbm>> -> memref<624x64xf32, #tpu.memory_space<hbm>>
        tpu.wait_dma2 semaphore(%run_scoped3A : memref<!tpu.dma_semaphore, #tpu.memory_space<semaphore_mem>>) src(%dma_wait3A_224 : memref<624x64xf32, #tpu.memory_space<hbm>>) dst(%dma_wait3A_221 : memref<624x64xf32, #tpu.memory_space<vmem_shared>>)
        tpu.yield
      }) : () -> ()
      "tpu.region"() ({
        %run_scoped3A = tpu.sem_alloc : memref<!tpu.dma_semaphore, #tpu.memory_space<semaphore_mem>>
        %dma_start3A_213 = arith.constant 8112 : i32
        %dma_start3A_214 = arith.constant 0 : i32
        %dma_start3A_215 = tpu.memref_slice %arg6[%dma_start3A_213, %dma_start3A_214] : memref<10000x64xf32, #tpu.memory_space<vmem_shared>> -> memref<624x64xf32, #tpu.memory_space<vmem_shared>>
        %dma_start3A_216 = arith.constant 8112 : i32
        %dma_start3A_217 = arith.constant 64 : i32
        %dma_start3A_218 = tpu.memref_slice %arg2[%dma_start3A_216, %dma_start3A_217] : memref<10000x128xf32, #tpu.memory_space<hbm>> -> memref<624x64xf32, #tpu.memory_space<hbm>>
        tpu.enqueue_dma source(%dma_start3A_218 : memref<624x64xf32, #tpu.memory_space<hbm>>) target(%dma_start3A_215 : memref<624x64xf32, #tpu.memory_space<vmem_shared>>) target_semaphore(%run_scoped3A : memref<!tpu.dma_semaphore, #tpu.memory_space<semaphore_mem>>)
        %dma_wait3A_219 = arith.constant 8112 : i32
        %dma_wait3A_220 = arith.constant 0 : i32
        %dma_wait3A_221 = tpu.memref_slice %arg6[%dma_wait3A_219, %dma_wait3A_220] : memref<10000x64xf32, #tpu.memory_space<vmem_shared>> -> memref<624x64xf32, #tpu.memory_space<vmem_shared>>
        %dma_wait3A_222 = arith.constant 8112 : i32
        %dma_wait3A_223 = arith.constant 64 : i32
        %dma_wait3A_224 = tpu.memref_slice %arg2[%dma_wait3A_222, %dma_wait3A_223] : memref<10000x128xf32, #tpu.memory_space<hbm>> -> memref<624x64xf32, #tpu.memory_space<hbm>>
        tpu.wait_dma2 semaphore(%run_scoped3A : memref<!tpu.dma_semaphore, #tpu.memory_space<semaphore_mem>>) src(%dma_wait3A_224 : memref<624x64xf32, #tpu.memory_space<hbm>>) dst(%dma_wait3A_221 : memref<624x64xf32, #tpu.memory_space<vmem_shared>>)
        tpu.yield
      }) : () -> ()
    } else {
    }
    %eq3A_70 = arith.constant 14 : i32
    %eq3A_71 = arith.cmpi eq, %arg1, %eq3A_70 : i32
    %convert_element_type3A_72 = arith.extui %eq3A_71 : i1 to i32
    %cond3A_73 = arith.constant 0 : i32
    %cond3A_74 = arith.cmpi ne, %convert_element_type3A_72, %cond3A_73 : i32
    scf.if %cond3A_74 {
      "tpu.region"() ({
        %run_scoped3A = tpu.sem_alloc : memref<!tpu.dma_semaphore, #tpu.memory_space<semaphore_mem>>
        %dma_start3A_213 = arith.constant 8736 : i32
        %dma_start3A_214 = arith.constant 0 : i32
        %dma_start3A_215 = tpu.memref_slice %arg5[%dma_start3A_213, %dma_start3A_214] : memref<10000x64xf32, #tpu.memory_space<vmem_shared>> -> memref<624x64xf32, #tpu.memory_space<vmem_shared>>
        %dma_start3A_216 = arith.constant 8736 : i32
        %dma_start3A_217 = arith.constant 0 : i32
        %dma_start3A_218 = tpu.memref_slice %arg2[%dma_start3A_216, %dma_start3A_217] : memref<10000x128xf32, #tpu.memory_space<hbm>> -> memref<624x64xf32, #tpu.memory_space<hbm>>
        tpu.enqueue_dma source(%dma_start3A_218 : memref<624x64xf32, #tpu.memory_space<hbm>>) target(%dma_start3A_215 : memref<624x64xf32, #tpu.memory_space<vmem_shared>>) target_semaphore(%run_scoped3A : memref<!tpu.dma_semaphore, #tpu.memory_space<semaphore_mem>>)
        %dma_wait3A_219 = arith.constant 8736 : i32
        %dma_wait3A_220 = arith.constant 0 : i32
        %dma_wait3A_221 = tpu.memref_slice %arg5[%dma_wait3A_219, %dma_wait3A_220] : memref<10000x64xf32, #tpu.memory_space<vmem_shared>> -> memref<624x64xf32, #tpu.memory_space<vmem_shared>>
        %dma_wait3A_222 = arith.constant 8736 : i32
        %dma_wait3A_223 = arith.constant 0 : i32
        %dma_wait3A_224 = tpu.memref_slice %arg2[%dma_wait3A_222, %dma_wait3A_223] : memref<10000x128xf32, #tpu.memory_space<hbm>> -> memref<624x64xf32, #tpu.memory_space<hbm>>
        tpu.wait_dma2 semaphore(%run_scoped3A : memref<!tpu.dma_semaphore, #tpu.memory_space<semaphore_mem>>) src(%dma_wait3A_224 : memref<624x64xf32, #tpu.memory_space<hbm>>) dst(%dma_wait3A_221 : memref<624x64xf32, #tpu.memory_space<vmem_shared>>)
        tpu.yield
      }) : () -> ()
      "tpu.region"() ({
        %run_scoped3A = tpu.sem_alloc : memref<!tpu.dma_semaphore, #tpu.memory_space<semaphore_mem>>
        %dma_start3A_213 = arith.constant 8736 : i32
        %dma_start3A_214 = arith.constant 0 : i32
        %dma_start3A_215 = tpu.memref_slice %arg6[%dma_start3A_213, %dma_start3A_214] : memref<10000x64xf32, #tpu.memory_space<vmem_shared>> -> memref<624x64xf32, #tpu.memory_space<vmem_shared>>
        %dma_start3A_216 = arith.constant 8736 : i32
        %dma_start3A_217 = arith.constant 64 : i32
        %dma_start3A_218 = tpu.memref_slice %arg2[%dma_start3A_216, %dma_start3A_217] : memref<10000x128xf32, #tpu.memory_space<hbm>> -> memref<624x64xf32, #tpu.memory_space<hbm>>
        tpu.enqueue_dma source(%dma_start3A_218 : memref<624x64xf32, #tpu.memory_space<hbm>>) target(%dma_start3A_215 : memref<624x64xf32, #tpu.memory_space<vmem_shared>>) target_semaphore(%run_scoped3A : memref<!tpu.dma_semaphore, #tpu.memory_space<semaphore_mem>>)
        %dma_wait3A_219 = arith.constant 8736 : i32
        %dma_wait3A_220 = arith.constant 0 : i32
        %dma_wait3A_221 = tpu.memref_slice %arg6[%dma_wait3A_219, %dma_wait3A_220] : memref<10000x64xf32, #tpu.memory_space<vmem_shared>> -> memref<624x64xf32, #tpu.memory_space<vmem_shared>>
        %dma_wait3A_222 = arith.constant 8736 : i32
        %dma_wait3A_223 = arith.constant 64 : i32
        %dma_wait3A_224 = tpu.memref_slice %arg2[%dma_wait3A_222, %dma_wait3A_223] : memref<10000x128xf32, #tpu.memory_space<hbm>> -> memref<624x64xf32, #tpu.memory_space<hbm>>
        tpu.wait_dma2 semaphore(%run_scoped3A : memref<!tpu.dma_semaphore, #tpu.memory_space<semaphore_mem>>) src(%dma_wait3A_224 : memref<624x64xf32, #tpu.memory_space<hbm>>) dst(%dma_wait3A_221 : memref<624x64xf32, #tpu.memory_space<vmem_shared>>)
        tpu.yield
      }) : () -> ()
    } else {
    }
    %eq3A_75 = arith.constant 15 : i32
    %eq3A_76 = arith.cmpi eq, %arg1, %eq3A_75 : i32
    %convert_element_type3A_77 = arith.extui %eq3A_76 : i1 to i32
    %cond3A_78 = arith.constant 0 : i32
    %cond3A_79 = arith.cmpi ne, %convert_element_type3A_77, %cond3A_78 : i32
    scf.if %cond3A_79 {
      "tpu.region"() ({
        %run_scoped3A = tpu.sem_alloc : memref<!tpu.dma_semaphore, #tpu.memory_space<semaphore_mem>>
        %dma_start3A_213 = arith.constant 9360 : i32
        %dma_start3A_214 = arith.constant 0 : i32
        %dma_start3A_215 = tpu.memref_slice %arg5[%dma_start3A_213, %dma_start3A_214] : memref<10000x64xf32, #tpu.memory_space<vmem_shared>> -> memref<640x64xf32, #tpu.memory_space<vmem_shared>>
        %dma_start3A_216 = arith.constant 9360 : i32
        %dma_start3A_217 = arith.constant 0 : i32
        %dma_start3A_218 = tpu.memref_slice %arg2[%dma_start3A_216, %dma_start3A_217] : memref<10000x128xf32, #tpu.memory_space<hbm>> -> memref<640x64xf32, #tpu.memory_space<hbm>>
        tpu.enqueue_dma source(%dma_start3A_218 : memref<640x64xf32, #tpu.memory_space<hbm>>) target(%dma_start3A_215 : memref<640x64xf32, #tpu.memory_space<vmem_shared>>) target_semaphore(%run_scoped3A : memref<!tpu.dma_semaphore, #tpu.memory_space<semaphore_mem>>)
        %dma_wait3A_219 = arith.constant 9360 : i32
        %dma_wait3A_220 = arith.constant 0 : i32
        %dma_wait3A_221 = tpu.memref_slice %arg5[%dma_wait3A_219, %dma_wait3A_220] : memref<10000x64xf32, #tpu.memory_space<vmem_shared>> -> memref<640x64xf32, #tpu.memory_space<vmem_shared>>
        %dma_wait3A_222 = arith.constant 9360 : i32
        %dma_wait3A_223 = arith.constant 0 : i32
        %dma_wait3A_224 = tpu.memref_slice %arg2[%dma_wait3A_222, %dma_wait3A_223] : memref<10000x128xf32, #tpu.memory_space<hbm>> -> memref<640x64xf32, #tpu.memory_space<hbm>>
        tpu.wait_dma2 semaphore(%run_scoped3A : memref<!tpu.dma_semaphore, #tpu.memory_space<semaphore_mem>>) src(%dma_wait3A_224 : memref<640x64xf32, #tpu.memory_space<hbm>>) dst(%dma_wait3A_221 : memref<640x64xf32, #tpu.memory_space<vmem_shared>>)
        tpu.yield
      }) : () -> ()
      "tpu.region"() ({
        %run_scoped3A = tpu.sem_alloc : memref<!tpu.dma_semaphore, #tpu.memory_space<semaphore_mem>>
        %dma_start3A_213 = arith.constant 9360 : i32
        %dma_start3A_214 = arith.constant 0 : i32
        %dma_start3A_215 = tpu.memref_slice %arg6[%dma_start3A_213, %dma_start3A_214] : memref<10000x64xf32, #tpu.memory_space<vmem_shared>> -> memref<640x64xf32, #tpu.memory_space<vmem_shared>>
        %dma_start3A_216 = arith.constant 9360 : i32
        %dma_start3A_217 = arith.constant 64 : i32
        %dma_start3A_218 = tpu.memref_slice %arg2[%dma_start3A_216, %dma_start3A_217] : memref<10000x128xf32, #tpu.memory_space<hbm>> -> memref<640x64xf32, #tpu.memory_space<hbm>>
        tpu.enqueue_dma source(%dma_start3A_218 : memref<640x64xf32, #tpu.memory_space<hbm>>) target(%dma_start3A_215 : memref<640x64xf32, #tpu.memory_space<vmem_shared>>) target_semaphore(%run_scoped3A : memref<!tpu.dma_semaphore, #tpu.memory_space<semaphore_mem>>)
        %dma_wait3A_219 = arith.constant 9360 : i32
        %dma_wait3A_220 = arith.constant 0 : i32
        %dma_wait3A_221 = tpu.memref_slice %arg6[%dma_wait3A_219, %dma_wait3A_220] : memref<10000x64xf32, #tpu.memory_space<vmem_shared>> -> memref<640x64xf32, #tpu.memory_space<vmem_shared>>
        %dma_wait3A_222 = arith.constant 9360 : i32
        %dma_wait3A_223 = arith.constant 64 : i32
        %dma_wait3A_224 = tpu.memref_slice %arg2[%dma_wait3A_222, %dma_wait3A_223] : memref<10000x128xf32, #tpu.memory_space<hbm>> -> memref<640x64xf32, #tpu.memory_space<hbm>>
        tpu.wait_dma2 semaphore(%run_scoped3A : memref<!tpu.dma_semaphore, #tpu.memory_space<semaphore_mem>>) src(%dma_wait3A_224 : memref<640x64xf32, #tpu.memory_space<hbm>>) dst(%dma_wait3A_221 : memref<640x64xf32, #tpu.memory_space<vmem_shared>>)
        tpu.yield
      }) : () -> ()
    } else {
    }
    %barrier3A = arith.constant 0 : index
    tpu.barrier barrier_id(%barrier3A)
    %add3A_80 = arith.constant 0 : i32
    %add3A_81 = arith.addi %add3A_80, %mul3A_2 : i32
    %multiple_of3A = tpu.assume_multiple %add3A_81, 8 : i32
    %add3A_82 = arith.constant 1280 : i32
    %add3A_83 = arith.addi %add3A_82, %mul3A_2 : i32
    %multiple_of3A_84 = tpu.assume_multiple %add3A_83, 8 : i32
    %dma_start3A = arith.constant 0 : i32
    %dma_start3A_85 = tpu.memref_slice %arg7[%dma_start3A] : memref<80xi32, #tpu.memory_space<vmem>> -> memref<40xi32, #tpu.memory_space<vmem>>
    %dma_start3A_86 = tpu.memref_slice %arg3[%multiple_of3A] : memref<640000xi32, #tpu.memory_space<hbm>> -> memref<40xi32, #tpu.memory_space<hbm>>
    %dma_start3A_87 = arith.constant 0 : i32
    %dma_start3A_88 = tpu.memref_slice %arg7[%dma_start3A_87] : memref<80xi32, #tpu.memory_space<vmem>> -> memref<40xi32, #tpu.memory_space<vmem>>
    %dma_start3A_89 = tpu.memref_slice %arg3[%multiple_of3A] : memref<640000xi32, #tpu.memory_space<hbm>> -> memref<40xi32, #tpu.memory_space<hbm>>
    tpu.enqueue_dma source(%dma_start3A_89 : memref<40xi32, #tpu.memory_space<hbm>>) target(%dma_start3A_88 : memref<40xi32, #tpu.memory_space<vmem>>) target_semaphore(%arg17 : memref<!tpu.dma_semaphore, #tpu.memory_space<semaphore_mem>>)
    %dma_start3A_90 = arith.constant 40 : i32
    %dma_start3A_91 = tpu.memref_slice %arg7[%dma_start3A_90] : memref<80xi32, #tpu.memory_space<vmem>> -> memref<40xi32, #tpu.memory_space<vmem>>
    %dma_start3A_92 = tpu.memref_slice %arg3[%multiple_of3A_84] : memref<640000xi32, #tpu.memory_space<hbm>> -> memref<40xi32, #tpu.memory_space<hbm>>
    %dma_start3A_93 = arith.constant 40 : i32
    %dma_start3A_94 = tpu.memref_slice %arg7[%dma_start3A_93] : memref<80xi32, #tpu.memory_space<vmem>> -> memref<40xi32, #tpu.memory_space<vmem>>
    %dma_start3A_95 = tpu.memref_slice %arg3[%multiple_of3A_84] : memref<640000xi32, #tpu.memory_space<hbm>> -> memref<40xi32, #tpu.memory_space<hbm>>
    tpu.enqueue_dma source(%dma_start3A_95 : memref<40xi32, #tpu.memory_space<hbm>>) target(%dma_start3A_94 : memref<40xi32, #tpu.memory_space<vmem>>) target_semaphore(%arg17 : memref<!tpu.dma_semaphore, #tpu.memory_space<semaphore_mem>>)
    %add3A_96 = arith.constant 320000 : i32
    %add3A_97 = arith.addi %add3A_96, %multiple_of3A : i32
    %dma_start3A_98 = arith.constant 0 : i32
    %dma_start3A_99 = tpu.memref_slice %arg8[%dma_start3A_98] : memref<80xi32, #tpu.memory_space<vmem>> -> memref<40xi32, #tpu.memory_space<vmem>>
    %dma_start3A_100 = tpu.memref_slice %arg3[%add3A_97] : memref<640000xi32, #tpu.memory_space<hbm>> -> memref<40xi32, #tpu.memory_space<hbm>>
    %dma_start3A_101 = arith.constant 0 : i32
    %dma_start3A_102 = tpu.memref_slice %arg8[%dma_start3A_101] : memref<80xi32, #tpu.memory_space<vmem>> -> memref<40xi32, #tpu.memory_space<vmem>>
    %dma_start3A_103 = tpu.memref_slice %arg3[%add3A_97] : memref<640000xi32, #tpu.memory_space<hbm>> -> memref<40xi32, #tpu.memory_space<hbm>>
    tpu.enqueue_dma source(%dma_start3A_103 : memref<40xi32, #tpu.memory_space<hbm>>) target(%dma_start3A_102 : memref<40xi32, #tpu.memory_space<vmem>>) target_semaphore(%arg17 : memref<!tpu.dma_semaphore, #tpu.memory_space<semaphore_mem>>)
    %add3A_104 = arith.constant 320000 : i32
    %add3A_105 = arith.addi %add3A_104, %multiple_of3A_84 : i32
    %dma_start3A_106 = arith.constant 40 : i32
    %dma_start3A_107 = tpu.memref_slice %arg8[%dma_start3A_106] : memref<80xi32, #tpu.memory_space<vmem>> -> memref<40xi32, #tpu.memory_space<vmem>>
    %dma_start3A_108 = tpu.memref_slice %arg3[%add3A_105] : memref<640000xi32, #tpu.memory_space<hbm>> -> memref<40xi32, #tpu.memory_space<hbm>>
    %dma_start3A_109 = arith.constant 40 : i32
    %dma_start3A_110 = tpu.memref_slice %arg8[%dma_start3A_109] : memref<80xi32, #tpu.memory_space<vmem>> -> memref<40xi32, #tpu.memory_space<vmem>>
    %dma_start3A_111 = tpu.memref_slice %arg3[%add3A_105] : memref<640000xi32, #tpu.memory_space<hbm>> -> memref<40xi32, #tpu.memory_space<hbm>>
    tpu.enqueue_dma source(%dma_start3A_111 : memref<40xi32, #tpu.memory_space<hbm>>) target(%dma_start3A_110 : memref<40xi32, #tpu.memory_space<vmem>>) target_semaphore(%arg17 : memref<!tpu.dma_semaphore, #tpu.memory_space<semaphore_mem>>)
    %add3A_112 = arith.constant 2560 : i32
    %add3A_113 = arith.addi %add3A_112, %mul3A_2 : i32
    %multiple_of3A_114 = tpu.assume_multiple %add3A_113, 8 : i32
    %add3A_115 = arith.constant 3840 : i32
    %add3A_116 = arith.addi %add3A_115, %mul3A_2 : i32
    %multiple_of3A_117 = tpu.assume_multiple %add3A_116, 8 : i32
    %dma_start3A_118 = arith.constant 0 : i32
    %dma_start3A_119 = tpu.memref_slice %arg9[%dma_start3A_118] : memref<80xi32, #tpu.memory_space<vmem>> -> memref<40xi32, #tpu.memory_space<vmem>>
    %dma_start3A_120 = tpu.memref_slice %arg3[%multiple_of3A_114] : memref<640000xi32, #tpu.memory_space<hbm>> -> memref<40xi32, #tpu.memory_space<hbm>>
    %dma_start3A_121 = arith.constant 0 : i32
    %dma_start3A_122 = tpu.memref_slice %arg9[%dma_start3A_121] : memref<80xi32, #tpu.memory_space<vmem>> -> memref<40xi32, #tpu.memory_space<vmem>>
    %dma_start3A_123 = tpu.memref_slice %arg3[%multiple_of3A_114] : memref<640000xi32, #tpu.memory_space<hbm>> -> memref<40xi32, #tpu.memory_space<hbm>>
    tpu.enqueue_dma source(%dma_start3A_123 : memref<40xi32, #tpu.memory_space<hbm>>) target(%dma_start3A_122 : memref<40xi32, #tpu.memory_space<vmem>>) target_semaphore(%arg18 : memref<!tpu.dma_semaphore, #tpu.memory_space<semaphore_mem>>)
    %dma_start3A_124 = arith.constant 40 : i32
    %dma_start3A_125 = tpu.memref_slice %arg9[%dma_start3A_124] : memref<80xi32, #tpu.memory_space<vmem>> -> memref<40xi32, #tpu.memory_space<vmem>>
    %dma_start3A_126 = tpu.memref_slice %arg3[%multiple_of3A_117] : memref<640000xi32, #tpu.memory_space<hbm>> -> memref<40xi32, #tpu.memory_space<hbm>>
    %dma_start3A_127 = arith.constant 40 : i32
    %dma_start3A_128 = tpu.memref_slice %arg9[%dma_start3A_127] : memref<80xi32, #tpu.memory_space<vmem>> -> memref<40xi32, #tpu.memory_space<vmem>>
    %dma_start3A_129 = tpu.memref_slice %arg3[%multiple_of3A_117] : memref<640000xi32, #tpu.memory_space<hbm>> -> memref<40xi32, #tpu.memory_space<hbm>>
    tpu.enqueue_dma source(%dma_start3A_129 : memref<40xi32, #tpu.memory_space<hbm>>) target(%dma_start3A_128 : memref<40xi32, #tpu.memory_space<vmem>>) target_semaphore(%arg18 : memref<!tpu.dma_semaphore, #tpu.memory_space<semaphore_mem>>)
    %add3A_130 = arith.constant 320000 : i32
    %add3A_131 = arith.addi %add3A_130, %multiple_of3A_114 : i32
    %dma_start3A_132 = arith.constant 0 : i32
    %dma_start3A_133 = tpu.memref_slice %arg10[%dma_start3A_132] : memref<80xi32, #tpu.memory_space<vmem>> -> memref<40xi32, #tpu.memory_space<vmem>>
    %dma_start3A_134 = tpu.memref_slice %arg3[%add3A_131] : memref<640000xi32, #tpu.memory_space<hbm>> -> memref<40xi32, #tpu.memory_space<hbm>>
    %dma_start3A_135 = arith.constant 0 : i32
    %dma_start3A_136 = tpu.memref_slice %arg10[%dma_start3A_135] : memref<80xi32, #tpu.memory_space<vmem>> -> memref<40xi32, #tpu.memory_space<vmem>>
    %dma_start3A_137 = tpu.memref_slice %arg3[%add3A_131] : memref<640000xi32, #tpu.memory_space<hbm>> -> memref<40xi32, #tpu.memory_space<hbm>>
    tpu.enqueue_dma source(%dma_start3A_137 : memref<40xi32, #tpu.memory_space<hbm>>) target(%dma_start3A_136 : memref<40xi32, #tpu.memory_space<vmem>>) target_semaphore(%arg18 : memref<!tpu.dma_semaphore, #tpu.memory_space<semaphore_mem>>)
    %add3A_138 = arith.constant 320000 : i32
    %add3A_139 = arith.addi %add3A_138, %multiple_of3A_117 : i32
    %dma_start3A_140 = arith.constant 40 : i32
    %dma_start3A_141 = tpu.memref_slice %arg10[%dma_start3A_140] : memref<80xi32, #tpu.memory_space<vmem>> -> memref<40xi32, #tpu.memory_space<vmem>>
    %dma_start3A_142 = tpu.memref_slice %arg3[%add3A_139] : memref<640000xi32, #tpu.memory_space<hbm>> -> memref<40xi32, #tpu.memory_space<hbm>>
    %dma_start3A_143 = arith.constant 40 : i32
    %dma_start3A_144 = tpu.memref_slice %arg10[%dma_start3A_143] : memref<80xi32, #tpu.memory_space<vmem>> -> memref<40xi32, #tpu.memory_space<vmem>>
    %dma_start3A_145 = tpu.memref_slice %arg3[%add3A_139] : memref<640000xi32, #tpu.memory_space<hbm>> -> memref<40xi32, #tpu.memory_space<hbm>>
    tpu.enqueue_dma source(%dma_start3A_145 : memref<40xi32, #tpu.memory_space<hbm>>) target(%dma_start3A_144 : memref<40xi32, #tpu.memory_space<vmem>>) target_semaphore(%arg18 : memref<!tpu.dma_semaphore, #tpu.memory_space<semaphore_mem>>)
    %scan3A = arith.constant 0 : i32
    %scan3A_146 = arith.constant 0 : i32
    %scan3A_147 = arith.constant 62 : i32
    %scan3A_148 = arith.addi %scan3A_146, %scan3A_147 : i32
    %scan3A_149 = arith.constant 1 : i32
    scf.for %scan3A_213 = %scan3A_146 to %scan3A_148 step %scan3A_149  : i32 {
      %mul3A_214 = arith.constant 2 : i32
      %mul3A_215 = arith.muli %mul3A_214, %scan3A_213 : i32
      %mul3A_216 = arith.constant 2 : i32
      %mul3A_217 = arith.muli %mul3A_216, %scan3A_213 : i32
      %add3A_218 = arith.constant 1 : i32
      %add3A_219 = arith.addi %mul3A_217, %add3A_218 : i32
      %dma_wait3A_220 = arith.constant 0 : i32
      %dma_wait3A_221 = tpu.memref_slice %arg7[%dma_wait3A_220] : memref<80xi32, #tpu.memory_space<vmem>> -> memref<40xi32, #tpu.memory_space<vmem>>
      %dma_wait3A_222 = arith.constant 0 : i32
      %dma_wait3A_223 = tpu.memref_slice %arg3[%dma_wait3A_222] : memref<640000xi32, #tpu.memory_space<hbm>> -> memref<40xi32, #tpu.memory_space<hbm>>
      %dma_wait3A_224 = arith.constant 0 : i32
      %dma_wait3A_225 = tpu.memref_slice %arg7[%dma_wait3A_224] : memref<80xi32, #tpu.memory_space<vmem>> -> memref<40xi32, #tpu.memory_space<vmem>>
      %dma_wait3A_226 = arith.constant 0 : i32
      %dma_wait3A_227 = tpu.memref_slice %arg3[%dma_wait3A_226] : memref<640000xi32, #tpu.memory_space<hbm>> -> memref<40xi32, #tpu.memory_space<hbm>>
      tpu.wait_dma2 semaphore(%arg17 : memref<!tpu.dma_semaphore, #tpu.memory_space<semaphore_mem>>) src(%dma_wait3A_227 : memref<40xi32, #tpu.memory_space<hbm>>) dst(%dma_wait3A_225 : memref<40xi32, #tpu.memory_space<vmem>>)
      %dma_wait3A_228 = arith.constant 40 : i32
      %dma_wait3A_229 = tpu.memref_slice %arg7[%dma_wait3A_228] : memref<80xi32, #tpu.memory_space<vmem>> -> memref<40xi32, #tpu.memory_space<vmem>>
      %dma_wait3A_230 = arith.constant 0 : i32
      %dma_wait3A_231 = tpu.memref_slice %arg3[%dma_wait3A_230] : memref<640000xi32, #tpu.memory_space<hbm>> -> memref<40xi32, #tpu.memory_space<hbm>>
      %dma_wait3A_232 = arith.constant 40 : i32
      %dma_wait3A_233 = tpu.memref_slice %arg7[%dma_wait3A_232] : memref<80xi32, #tpu.memory_space<vmem>> -> memref<40xi32, #tpu.memory_space<vmem>>
      %dma_wait3A_234 = arith.constant 0 : i32
      %dma_wait3A_235 = tpu.memref_slice %arg3[%dma_wait3A_234] : memref<640000xi32, #tpu.memory_space<hbm>> -> memref<40xi32, #tpu.memory_space<hbm>>
      tpu.wait_dma2 semaphore(%arg17 : memref<!tpu.dma_semaphore, #tpu.memory_space<semaphore_mem>>) src(%dma_wait3A_235 : memref<40xi32, #tpu.memory_space<hbm>>) dst(%dma_wait3A_233 : memref<40xi32, #tpu.memory_space<vmem>>)
      %dma_wait3A_236 = arith.constant 0 : i32
      %dma_wait3A_237 = tpu.memref_slice %arg8[%dma_wait3A_236] : memref<80xi32, #tpu.memory_space<vmem>> -> memref<40xi32, #tpu.memory_space<vmem>>
      %dma_wait3A_238 = arith.constant 0 : i32
      %dma_wait3A_239 = tpu.memref_slice %arg3[%dma_wait3A_238] : memref<640000xi32, #tpu.memory_space<hbm>> -> memref<40xi32, #tpu.memory_space<hbm>>
      %dma_wait3A_240 = arith.constant 0 : i32
      %dma_wait3A_241 = tpu.memref_slice %arg8[%dma_wait3A_240] : memref<80xi32, #tpu.memory_space<vmem>> -> memref<40xi32, #tpu.memory_space<vmem>>
      %dma_wait3A_242 = arith.constant 0 : i32
      %dma_wait3A_243 = tpu.memref_slice %arg3[%dma_wait3A_242] : memref<640000xi32, #tpu.memory_space<hbm>> -> memref<40xi32, #tpu.memory_space<hbm>>
      tpu.wait_dma2 semaphore(%arg17 : memref<!tpu.dma_semaphore, #tpu.memory_space<semaphore_mem>>) src(%dma_wait3A_243 : memref<40xi32, #tpu.memory_space<hbm>>) dst(%dma_wait3A_241 : memref<40xi32, #tpu.memory_space<vmem>>)
      %dma_wait3A_244 = arith.constant 40 : i32
      %dma_wait3A_245 = tpu.memref_slice %arg8[%dma_wait3A_244] : memref<80xi32, #tpu.memory_space<vmem>> -> memref<40xi32, #tpu.memory_space<vmem>>
      %dma_wait3A_246 = arith.constant 0 : i32
      %dma_wait3A_247 = tpu.memref_slice %arg3[%dma_wait3A_246] : memref<640000xi32, #tpu.memory_space<hbm>> -> memref<40xi32, #tpu.memory_space<hbm>>
      %dma_wait3A_248 = arith.constant 40 : i32
      %dma_wait3A_249 = tpu.memref_slice %arg8[%dma_wait3A_248] : memref<80xi32, #tpu.memory_space<vmem>> -> memref<40xi32, #tpu.memory_space<vmem>>
      %dma_wait3A_250 = arith.constant 0 : i32
      %dma_wait3A_251 = tpu.memref_slice %arg3[%dma_wait3A_250] : memref<640000xi32, #tpu.memory_space<hbm>> -> memref<40xi32, #tpu.memory_space<hbm>>
      tpu.wait_dma2 semaphore(%arg17 : memref<!tpu.dma_semaphore, #tpu.memory_space<semaphore_mem>>) src(%dma_wait3A_251 : memref<40xi32, #tpu.memory_space<hbm>>) dst(%dma_wait3A_249 : memref<40xi32, #tpu.memory_space<vmem>>)
      %dma_start3A_252 = arith.constant 0 : i32
      %dma_start3A_253 = arith.constant 0 : i32
      %dma_start3A_254 = tpu.memref_slice %arg5[%dma_start3A_252, %dma_start3A_253] : memref<10000x64xf32, #tpu.memory_space<vmem_shared>> -> memref<10000x64xf32, #tpu.memory_space<vmem_shared>>
      tpu.enqueue_indirect_dma source(%dma_start3A_254 : memref<10000x64xf32, #tpu.memory_space<vmem_shared>>) target(%arg11 : memref<80x64xf32, #tpu.memory_space<vmem>>) offsets(%arg7 : memref<80xi32, #tpu.memory_space<vmem>>) semaphore(%arg19 : memref<!tpu.dma_semaphore, #tpu.memory_space<semaphore_mem>>)
      %dma_start3A_255 = arith.constant 0 : i32
      %dma_start3A_256 = arith.constant 0 : i32
      %dma_start3A_257 = tpu.memref_slice %arg6[%dma_start3A_255, %dma_start3A_256] : memref<10000x64xf32, #tpu.memory_space<vmem_shared>> -> memref<10000x64xf32, #tpu.memory_space<vmem_shared>>
      tpu.enqueue_indirect_dma source(%dma_start3A_257 : memref<10000x64xf32, #tpu.memory_space<vmem_shared>>) target(%arg12 : memref<80x64xf32, #tpu.memory_space<vmem>>) offsets(%arg8 : memref<80xi32, #tpu.memory_space<vmem>>) semaphore(%arg19 : memref<!tpu.dma_semaphore, #tpu.memory_space<semaphore_mem>>)
      %dma_wait3A_258 = arith.constant 0 : i32
      %dma_wait3A_259 = tpu.memref_slice %arg9[%dma_wait3A_258] : memref<80xi32, #tpu.memory_space<vmem>> -> memref<40xi32, #tpu.memory_space<vmem>>
      %dma_wait3A_260 = arith.constant 0 : i32
      %dma_wait3A_261 = tpu.memref_slice %arg3[%dma_wait3A_260] : memref<640000xi32, #tpu.memory_space<hbm>> -> memref<40xi32, #tpu.memory_space<hbm>>
      %dma_wait3A_262 = arith.constant 0 : i32
      %dma_wait3A_263 = tpu.memref_slice %arg9[%dma_wait3A_262] : memref<80xi32, #tpu.memory_space<vmem>> -> memref<40xi32, #tpu.memory_space<vmem>>
      %dma_wait3A_264 = arith.constant 0 : i32
      %dma_wait3A_265 = tpu.memref_slice %arg3[%dma_wait3A_264] : memref<640000xi32, #tpu.memory_space<hbm>> -> memref<40xi32, #tpu.memory_space<hbm>>
      tpu.wait_dma2 semaphore(%arg18 : memref<!tpu.dma_semaphore, #tpu.memory_space<semaphore_mem>>) src(%dma_wait3A_265 : memref<40xi32, #tpu.memory_space<hbm>>) dst(%dma_wait3A_263 : memref<40xi32, #tpu.memory_space<vmem>>)
      %dma_wait3A_266 = arith.constant 40 : i32
      %dma_wait3A_267 = tpu.memref_slice %arg9[%dma_wait3A_266] : memref<80xi32, #tpu.memory_space<vmem>> -> memref<40xi32, #tpu.memory_space<vmem>>
      %dma_wait3A_268 = arith.constant 0 : i32
      %dma_wait3A_269 = tpu.memref_slice %arg3[%dma_wait3A_268] : memref<640000xi32, #tpu.memory_space<hbm>> -> memref<40xi32, #tpu.memory_space<hbm>>
      %dma_wait3A_270 = arith.constant 40 : i32
      %dma_wait3A_271 = tpu.memref_slice %arg9[%dma_wait3A_270] : memref<80xi32, #tpu.memory_space<vmem>> -> memref<40xi32, #tpu.memory_space<vmem>>
      %dma_wait3A_272 = arith.constant 0 : i32
      %dma_wait3A_273 = tpu.memref_slice %arg3[%dma_wait3A_272] : memref<640000xi32, #tpu.memory_space<hbm>> -> memref<40xi32, #tpu.memory_space<hbm>>
      tpu.wait_dma2 semaphore(%arg18 : memref<!tpu.dma_semaphore, #tpu.memory_space<semaphore_mem>>) src(%dma_wait3A_273 : memref<40xi32, #tpu.memory_space<hbm>>) dst(%dma_wait3A_271 : memref<40xi32, #tpu.memory_space<vmem>>)
      %dma_wait3A_274 = arith.constant 0 : i32
      %dma_wait3A_275 = tpu.memref_slice %arg10[%dma_wait3A_274] : memref<80xi32, #tpu.memory_space<vmem>> -> memref<40xi32, #tpu.memory_space<vmem>>
      %dma_wait3A_276 = arith.constant 0 : i32
      %dma_wait3A_277 = tpu.memref_slice %arg3[%dma_wait3A_276] : memref<640000xi32, #tpu.memory_space<hbm>> -> memref<40xi32, #tpu.memory_space<hbm>>
      %dma_wait3A_278 = arith.constant 0 : i32
      %dma_wait3A_279 = tpu.memref_slice %arg10[%dma_wait3A_278] : memref<80xi32, #tpu.memory_space<vmem>> -> memref<40xi32, #tpu.memory_space<vmem>>
      %dma_wait3A_280 = arith.constant 0 : i32
      %dma_wait3A_281 = tpu.memref_slice %arg3[%dma_wait3A_280] : memref<640000xi32, #tpu.memory_space<hbm>> -> memref<40xi32, #tpu.memory_space<hbm>>
      tpu.wait_dma2 semaphore(%arg18 : memref<!tpu.dma_semaphore, #tpu.memory_space<semaphore_mem>>) src(%dma_wait3A_281 : memref<40xi32, #tpu.memory_space<hbm>>) dst(%dma_wait3A_279 : memref<40xi32, #tpu.memory_space<vmem>>)
      %dma_wait3A_282 = arith.constant 40 : i32
      %dma_wait3A_283 = tpu.memref_slice %arg10[%dma_wait3A_282] : memref<80xi32, #tpu.memory_space<vmem>> -> memref<40xi32, #tpu.memory_space<vmem>>
      %dma_wait3A_284 = arith.constant 0 : i32
      %dma_wait3A_285 = tpu.memref_slice %arg3[%dma_wait3A_284] : memref<640000xi32, #tpu.memory_space<hbm>> -> memref<40xi32, #tpu.memory_space<hbm>>
      %dma_wait3A_286 = arith.constant 40 : i32
      %dma_wait3A_287 = tpu.memref_slice %arg10[%dma_wait3A_286] : memref<80xi32, #tpu.memory_space<vmem>> -> memref<40xi32, #tpu.memory_space<vmem>>
      %dma_wait3A_288 = arith.constant 0 : i32
      %dma_wait3A_289 = tpu.memref_slice %arg3[%dma_wait3A_288] : memref<640000xi32, #tpu.memory_space<hbm>> -> memref<40xi32, #tpu.memory_space<hbm>>
      tpu.wait_dma2 semaphore(%arg18 : memref<!tpu.dma_semaphore, #tpu.memory_space<semaphore_mem>>) src(%dma_wait3A_289 : memref<40xi32, #tpu.memory_space<hbm>>) dst(%dma_wait3A_287 : memref<40xi32, #tpu.memory_space<vmem>>)
      %dma_start3A_290 = arith.constant 0 : i32
      %dma_start3A_291 = arith.constant 0 : i32
      %dma_start3A_292 = tpu.memref_slice %arg5[%dma_start3A_290, %dma_start3A_291] : memref<10000x64xf32, #tpu.memory_space<vmem_shared>> -> memref<10000x64xf32, #tpu.memory_space<vmem_shared>>
      tpu.enqueue_indirect_dma source(%dma_start3A_292 : memref<10000x64xf32, #tpu.memory_space<vmem_shared>>) target(%arg13 : memref<80x64xf32, #tpu.memory_space<vmem>>) offsets(%arg9 : memref<80xi32, #tpu.memory_space<vmem>>) semaphore(%arg20 : memref<!tpu.dma_semaphore, #tpu.memory_space<semaphore_mem>>)
      %dma_start3A_293 = arith.constant 0 : i32
      %dma_start3A_294 = arith.constant 0 : i32
      %dma_start3A_295 = tpu.memref_slice %arg6[%dma_start3A_293, %dma_start3A_294] : memref<10000x64xf32, #tpu.memory_space<vmem_shared>> -> memref<10000x64xf32, #tpu.memory_space<vmem_shared>>
      tpu.enqueue_indirect_dma source(%dma_start3A_295 : memref<10000x64xf32, #tpu.memory_space<vmem_shared>>) target(%arg14 : memref<80x64xf32, #tpu.memory_space<vmem>>) offsets(%arg10 : memref<80xi32, #tpu.memory_space<vmem>>) semaphore(%arg20 : memref<!tpu.dma_semaphore, #tpu.memory_space<semaphore_mem>>)
      %dma_wait3A_296 = arith.constant 0 : i32
      %dma_wait3A_297 = arith.constant 0 : i32
      %dma_wait3A_298 = tpu.memref_slice %arg5[%dma_wait3A_296, %dma_wait3A_297] : memref<10000x64xf32, #tpu.memory_space<vmem_shared>> -> memref<10000x64xf32, #tpu.memory_space<vmem_shared>>
      tpu.wait_indirect_dma semaphore(%arg19 : memref<!tpu.dma_semaphore, #tpu.memory_space<semaphore_mem>>) src(%dma_wait3A_298 : memref<10000x64xf32, #tpu.memory_space<vmem_shared>>) dst(%arg11 : memref<80x64xf32, #tpu.memory_space<vmem>>)
      %dma_wait3A_299 = arith.constant 0 : i32
      %dma_wait3A_300 = arith.constant 0 : i32
      %dma_wait3A_301 = tpu.memref_slice %arg6[%dma_wait3A_299, %dma_wait3A_300] : memref<10000x64xf32, #tpu.memory_space<vmem_shared>> -> memref<10000x64xf32, #tpu.memory_space<vmem_shared>>
      tpu.wait_indirect_dma semaphore(%arg19 : memref<!tpu.dma_semaphore, #tpu.memory_space<semaphore_mem>>) src(%dma_wait3A_301 : memref<10000x64xf32, #tpu.memory_space<vmem_shared>>) dst(%arg12 : memref<80x64xf32, #tpu.memory_space<vmem>>)
      %add3A_302 = arith.constant 2 : i32
      %add3A_303 = arith.addi %mul3A_215, %add3A_302 : i32
      %lt3A = arith.constant 125 : i32
      %lt3A_304 = arith.cmpi slt, %add3A_303, %lt3A : i32
      %convert_element_type3A_305 = arith.extui %lt3A_304 : i1 to i32
      %cond3A_306 = arith.constant 0 : i32
      %cond3A_307 = arith.cmpi ne, %convert_element_type3A_305, %cond3A_306 : i32
      scf.if %cond3A_307 {
        %add3A_352 = arith.constant 2 : i32
        %add3A_353 = arith.addi %mul3A_215, %add3A_352 : i32
        %mul3A_354 = arith.constant 2 : i32
        %mul3A_355 = arith.muli %add3A_353, %mul3A_354 : i32
        %mul3A_356 = arith.constant 1280 : i32
        %mul3A_357 = arith.muli %mul3A_355, %mul3A_356 : i32
        %add3A_358 = arith.addi %mul3A_357, %mul3A_2 : i32
        %multiple_of3A_359 = tpu.assume_multiple %add3A_358, 8 : i32
        %mul3A_360 = arith.constant 2 : i32
        %mul3A_361 = arith.muli %add3A_353, %mul3A_360 : i32
        %mul3A_362 = arith.constant 1280 : i32
        %mul3A_363 = arith.muli %mul3A_361, %mul3A_362 : i32
        %add3A_364 = arith.constant 1280 : i32
        %add3A_365 = arith.addi %mul3A_363, %add3A_364 : i32
        %add3A_366 = arith.addi %add3A_365, %mul3A_2 : i32
        %multiple_of3A_367 = tpu.assume_multiple %add3A_366, 8 : i32
        %dma_start3A_368 = arith.constant 0 : i32
        %dma_start3A_369 = tpu.memref_slice %arg7[%dma_start3A_368] : memref<80xi32, #tpu.memory_space<vmem>> -> memref<40xi32, #tpu.memory_space<vmem>>
        %dma_start3A_370 = tpu.memref_slice %arg3[%multiple_of3A_359] : memref<640000xi32, #tpu.memory_space<hbm>> -> memref<40xi32, #tpu.memory_space<hbm>>
        %dma_start3A_371 = arith.constant 0 : i32
        %dma_start3A_372 = tpu.memref_slice %arg7[%dma_start3A_371] : memref<80xi32, #tpu.memory_space<vmem>> -> memref<40xi32, #tpu.memory_space<vmem>>
        %dma_start3A_373 = tpu.memref_slice %arg3[%multiple_of3A_359] : memref<640000xi32, #tpu.memory_space<hbm>> -> memref<40xi32, #tpu.memory_space<hbm>>
        tpu.enqueue_dma source(%dma_start3A_373 : memref<40xi32, #tpu.memory_space<hbm>>) target(%dma_start3A_372 : memref<40xi32, #tpu.memory_space<vmem>>) target_semaphore(%arg17 : memref<!tpu.dma_semaphore, #tpu.memory_space<semaphore_mem>>)
        %dma_start3A_374 = arith.constant 40 : i32
        %dma_start3A_375 = tpu.memref_slice %arg7[%dma_start3A_374] : memref<80xi32, #tpu.memory_space<vmem>> -> memref<40xi32, #tpu.memory_space<vmem>>
        %dma_start3A_376 = tpu.memref_slice %arg3[%multiple_of3A_367] : memref<640000xi32, #tpu.memory_space<hbm>> -> memref<40xi32, #tpu.memory_space<hbm>>
        %dma_start3A_377 = arith.constant 40 : i32
        %dma_start3A_378 = tpu.memref_slice %arg7[%dma_start3A_377] : memref<80xi32, #tpu.memory_space<vmem>> -> memref<40xi32, #tpu.memory_space<vmem>>
        %dma_start3A_379 = tpu.memref_slice %arg3[%multiple_of3A_367] : memref<640000xi32, #tpu.memory_space<hbm>> -> memref<40xi32, #tpu.memory_space<hbm>>
        tpu.enqueue_dma source(%dma_start3A_379 : memref<40xi32, #tpu.memory_space<hbm>>) target(%dma_start3A_378 : memref<40xi32, #tpu.memory_space<vmem>>) target_semaphore(%arg17 : memref<!tpu.dma_semaphore, #tpu.memory_space<semaphore_mem>>)
        %add3A_380 = arith.constant 320000 : i32
        %add3A_381 = arith.addi %add3A_380, %multiple_of3A_359 : i32
        %dma_start3A_382 = arith.constant 0 : i32
        %dma_start3A_383 = tpu.memref_slice %arg8[%dma_start3A_382] : memref<80xi32, #tpu.memory_space<vmem>> -> memref<40xi32, #tpu.memory_space<vmem>>
        %dma_start3A_384 = tpu.memref_slice %arg3[%add3A_381] : memref<640000xi32, #tpu.memory_space<hbm>> -> memref<40xi32, #tpu.memory_space<hbm>>
        %dma_start3A_385 = arith.constant 0 : i32
        %dma_start3A_386 = tpu.memref_slice %arg8[%dma_start3A_385] : memref<80xi32, #tpu.memory_space<vmem>> -> memref<40xi32, #tpu.memory_space<vmem>>
        %dma_start3A_387 = tpu.memref_slice %arg3[%add3A_381] : memref<640000xi32, #tpu.memory_space<hbm>> -> memref<40xi32, #tpu.memory_space<hbm>>
        tpu.enqueue_dma source(%dma_start3A_387 : memref<40xi32, #tpu.memory_space<hbm>>) target(%dma_start3A_386 : memref<40xi32, #tpu.memory_space<vmem>>) target_semaphore(%arg17 : memref<!tpu.dma_semaphore, #tpu.memory_space<semaphore_mem>>)
        %add3A_388 = arith.constant 320000 : i32
        %add3A_389 = arith.addi %add3A_388, %multiple_of3A_367 : i32
        %dma_start3A_390 = arith.constant 40 : i32
        %dma_start3A_391 = tpu.memref_slice %arg8[%dma_start3A_390] : memref<80xi32, #tpu.memory_space<vmem>> -> memref<40xi32, #tpu.memory_space<vmem>>
        %dma_start3A_392 = tpu.memref_slice %arg3[%add3A_389] : memref<640000xi32, #tpu.memory_space<hbm>> -> memref<40xi32, #tpu.memory_space<hbm>>
        %dma_start3A_393 = arith.constant 40 : i32
        %dma_start3A_394 = tpu.memref_slice %arg8[%dma_start3A_393] : memref<80xi32, #tpu.memory_space<vmem>> -> memref<40xi32, #tpu.memory_space<vmem>>
        %dma_start3A_395 = tpu.memref_slice %arg3[%add3A_389] : memref<640000xi32, #tpu.memory_space<hbm>> -> memref<40xi32, #tpu.memory_space<hbm>>
        tpu.enqueue_dma source(%dma_start3A_395 : memref<40xi32, #tpu.memory_space<hbm>>) target(%dma_start3A_394 : memref<40xi32, #tpu.memory_space<vmem>>) target_semaphore(%arg17 : memref<!tpu.dma_semaphore, #tpu.memory_space<semaphore_mem>>)
      } else {
      }
      %gt3A = arith.constant 0 : i32
      %gt3A_308 = arith.cmpi sgt, %scan3A_213, %gt3A : i32
      %convert_element_type3A_309 = arith.extui %gt3A_308 : i1 to i32
      %cond3A_310 = arith.constant 0 : i32
      %cond3A_311 = arith.cmpi ne, %convert_element_type3A_309, %cond3A_310 : i32
      scf.if %cond3A_311 {
        %dma_wait3A_352 = arith.constant 0 : i32
        %dma_wait3A_353 = tpu.memref_slice %arg4[%dma_wait3A_352] : memref<20480000xf32, #tpu.memory_space<hbm>> -> memref<5120xf32, #tpu.memory_space<hbm>>
        %dma_wait3A_354 = arith.constant 0 : i32
        %dma_wait3A_355 = tpu.memref_slice %arg4[%dma_wait3A_354] : memref<20480000xf32, #tpu.memory_space<hbm>> -> memref<5120xf32, #tpu.memory_space<hbm>>
        tpu.wait_dma2 semaphore(%arg21 : memref<!tpu.dma_semaphore, #tpu.memory_space<semaphore_mem>>) src(%dma_wait3A_355 : memref<5120xf32, #tpu.memory_space<hbm>>) dst(%arg15 : memref<5120xf32, #tpu.memory_space<vmem>>)
      } else {
      }
      %parallel_loop3A_312 = arith.constant 0 : i32
      %parallel_loop3A_313 = arith.constant 40 : i32
      %parallel_loop3A_314 = arith.constant 1 : i32
      scf.for %parallel_loop3A_352 = %parallel_loop3A_312 to %parallel_loop3A_313 step %parallel_loop3A_314  : i32 {
        %parallel_loop3A_353 = arith.constant 128 : i32
        %parallel_loop3A_354 = arith.muli %parallel_loop3A_352, %parallel_loop3A_353 : i32
        %parallel_loop3A_355 = arith.index_cast %parallel_loop3A_352 : i32 to index
        %parallel_loop3A_356 = arith.constant 0 : index
        %parallel_loop3A_357 = tpu.vector_load %arg11[%parallel_loop3A_355, %parallel_loop3A_356] {strides = array<i32>} : memref<80x64xf32, #tpu.memory_space<vmem>>, vector<1x16xf32>,
        %parallel_loop3A_358 = vector.shape_cast %parallel_loop3A_357 : vector<1x16xf32> to vector<16xf32>
        %parallel_loop3A_359 = arith.index_cast %parallel_loop3A_352 : i32 to index
        %parallel_loop3A_360 = arith.constant 0 : index
        %parallel_loop3A_361 = tpu.vector_load %arg12[%parallel_loop3A_359, %parallel_loop3A_360] {strides = array<i32>} : memref<80x64xf32, #tpu.memory_space<vmem>>, vector<1x16xf32>,
        %parallel_loop3A_362 = vector.shape_cast %parallel_loop3A_361 : vector<1x16xf32> to vector<16xf32>
        %parallel_loop3A_363 = arith.addf %parallel_loop3A_358, %parallel_loop3A_362 : vector<16xf32>
        %parallel_loop3A_364 = arith.constant 0 : i32
        %parallel_loop3A_365 = arith.addi %parallel_loop3A_354, %parallel_loop3A_364 : i32
        %parallel_loop3A_366 = arith.index_cast %parallel_loop3A_365 : i32 to index
        %parallel_loop3A_367 = tpu.vector_load %arg15[%parallel_loop3A_366] {strides = array<i32>} : memref<5120xf32, #tpu.memory_space<vmem>>, vector<16xf32>,
        %parallel_loop3A_368 = vector.shape_cast %parallel_loop3A_367 : vector<16xf32> to vector<16xf32>
        %parallel_loop3A_369 = vector.shape_cast %parallel_loop3A_363 : vector<16xf32> to vector<16xf32>
        tpu.vector_store %arg15[%parallel_loop3A_366], %parallel_loop3A_369 {strides = array<i32>} : memref<5120xf32, #tpu.memory_space<vmem>>, vector<16xf32>,
        %parallel_loop3A_370 = arith.constant 40 : i32
        %parallel_loop3A_371 = arith.addi %parallel_loop3A_370, %parallel_loop3A_352 : i32
        %parallel_loop3A_372 = arith.index_cast %parallel_loop3A_371 : i32 to index
        %parallel_loop3A_373 = arith.constant 0 : index
        %parallel_loop3A_374 = tpu.vector_load %arg11[%parallel_loop3A_372, %parallel_loop3A_373] {strides = array<i32>} : memref<80x64xf32, #tpu.memory_space<vmem>>, vector<1x16xf32>,
        %parallel_loop3A_375 = vector.shape_cast %parallel_loop3A_374 : vector<1x16xf32> to vector<16xf32>
        %parallel_loop3A_376 = arith.constant 40 : i32
        %parallel_loop3A_377 = arith.addi %parallel_loop3A_376, %parallel_loop3A_352 : i32
        %parallel_loop3A_378 = arith.index_cast %parallel_loop3A_377 : i32 to index
        %parallel_loop3A_379 = arith.constant 0 : index
        %parallel_loop3A_380 = tpu.vector_load %arg12[%parallel_loop3A_378, %parallel_loop3A_379] {strides = array<i32>} : memref<80x64xf32, #tpu.memory_space<vmem>>, vector<1x16xf32>,
        %parallel_loop3A_381 = vector.shape_cast %parallel_loop3A_380 : vector<1x16xf32> to vector<16xf32>
        %parallel_loop3A_382 = arith.addf %parallel_loop3A_375, %parallel_loop3A_381 : vector<16xf32>
        %parallel_loop3A_383 = arith.constant 64 : i32
        %parallel_loop3A_384 = arith.addi %parallel_loop3A_354, %parallel_loop3A_383 : i32
        %parallel_loop3A_385 = arith.constant 0 : i32
        %parallel_loop3A_386 = arith.addi %parallel_loop3A_384, %parallel_loop3A_385 : i32
        %parallel_loop3A_387 = arith.index_cast %parallel_loop3A_386 : i32 to index
        %parallel_loop3A_388 = tpu.vector_load %arg15[%parallel_loop3A_387] {strides = array<i32>} : memref<5120xf32, #tpu.memory_space<vmem>>, vector<16xf32>,
        %parallel_loop3A_389 = vector.shape_cast %parallel_loop3A_388 : vector<16xf32> to vector<16xf32>
        %parallel_loop3A_390 = vector.shape_cast %parallel_loop3A_382 : vector<16xf32> to vector<16xf32>
        tpu.vector_store %arg15[%parallel_loop3A_387], %parallel_loop3A_390 {strides = array<i32>} : memref<5120xf32, #tpu.memory_space<vmem>>, vector<16xf32>,
        %parallel_loop3A_391 = arith.index_cast %parallel_loop3A_352 : i32 to index
        %parallel_loop3A_392 = arith.constant 16 : index
        %parallel_loop3A_393 = tpu.vector_load %arg11[%parallel_loop3A_391, %parallel_loop3A_392] {strides = array<i32>} : memref<80x64xf32, #tpu.memory_space<vmem>>, vector<1x16xf32>,
        %parallel_loop3A_394 = vector.shape_cast %parallel_loop3A_393 : vector<1x16xf32> to vector<16xf32>
        %parallel_loop3A_395 = arith.index_cast %parallel_loop3A_352 : i32 to index
        %parallel_loop3A_396 = arith.constant 16 : index
        %parallel_loop3A_397 = tpu.vector_load %arg12[%parallel_loop3A_395, %parallel_loop3A_396] {strides = array<i32>} : memref<80x64xf32, #tpu.memory_space<vmem>>, vector<1x16xf32>,
        %parallel_loop3A_398 = vector.shape_cast %parallel_loop3A_397 : vector<1x16xf32> to vector<16xf32>
        %parallel_loop3A_399 = arith.addf %parallel_loop3A_394, %parallel_loop3A_398 : vector<16xf32>
        %parallel_loop3A_400 = arith.constant 16 : i32
        %parallel_loop3A_401 = arith.addi %parallel_loop3A_354, %parallel_loop3A_400 : i32
        %parallel_loop3A_402 = arith.index_cast %parallel_loop3A_401 : i32 to index
        %parallel_loop3A_403 = tpu.vector_load %arg15[%parallel_loop3A_402] {strides = array<i32>} : memref<5120xf32, #tpu.memory_space<vmem>>, vector<16xf32>,
        %parallel_loop3A_404 = vector.shape_cast %parallel_loop3A_403 : vector<16xf32> to vector<16xf32>
        %parallel_loop3A_405 = vector.shape_cast %parallel_loop3A_399 : vector<16xf32> to vector<16xf32>
        tpu.vector_store %arg15[%parallel_loop3A_402], %parallel_loop3A_405 {strides = array<i32>} : memref<5120xf32, #tpu.memory_space<vmem>>, vector<16xf32>,
        %parallel_loop3A_406 = arith.constant 40 : i32
        %parallel_loop3A_407 = arith.addi %parallel_loop3A_406, %parallel_loop3A_352 : i32
        %parallel_loop3A_408 = arith.index_cast %parallel_loop3A_407 : i32 to index
        %parallel_loop3A_409 = arith.constant 16 : index
        %parallel_loop3A_410 = tpu.vector_load %arg11[%parallel_loop3A_408, %parallel_loop3A_409] {strides = array<i32>} : memref<80x64xf32, #tpu.memory_space<vmem>>, vector<1x16xf32>,
        %parallel_loop3A_411 = vector.shape_cast %parallel_loop3A_410 : vector<1x16xf32> to vector<16xf32>
        %parallel_loop3A_412 = arith.constant 40 : i32
        %parallel_loop3A_413 = arith.addi %parallel_loop3A_412, %parallel_loop3A_352 : i32
        %parallel_loop3A_414 = arith.index_cast %parallel_loop3A_413 : i32 to index
        %parallel_loop3A_415 = arith.constant 16 : index
        %parallel_loop3A_416 = tpu.vector_load %arg12[%parallel_loop3A_414, %parallel_loop3A_415] {strides = array<i32>} : memref<80x64xf32, #tpu.memory_space<vmem>>, vector<1x16xf32>,
        %parallel_loop3A_417 = vector.shape_cast %parallel_loop3A_416 : vector<1x16xf32> to vector<16xf32>
        %parallel_loop3A_418 = arith.addf %parallel_loop3A_411, %parallel_loop3A_417 : vector<16xf32>
        %parallel_loop3A_419 = arith.constant 64 : i32
        %parallel_loop3A_420 = arith.addi %parallel_loop3A_354, %parallel_loop3A_419 : i32
        %parallel_loop3A_421 = arith.constant 16 : i32
        %parallel_loop3A_422 = arith.addi %parallel_loop3A_420, %parallel_loop3A_421 : i32
        %parallel_loop3A_423 = arith.index_cast %parallel_loop3A_422 : i32 to index
        %parallel_loop3A_424 = tpu.vector_load %arg15[%parallel_loop3A_423] {strides = array<i32>} : memref<5120xf32, #tpu.memory_space<vmem>>, vector<16xf32>,
        %parallel_loop3A_425 = vector.shape_cast %parallel_loop3A_424 : vector<16xf32> to vector<16xf32>
        %parallel_loop3A_426 = vector.shape_cast %parallel_loop3A_418 : vector<16xf32> to vector<16xf32>
        tpu.vector_store %arg15[%parallel_loop3A_423], %parallel_loop3A_426 {strides = array<i32>} : memref<5120xf32, #tpu.memory_space<vmem>>, vector<16xf32>,
        %parallel_loop3A_427 = arith.index_cast %parallel_loop3A_352 : i32 to index
        %parallel_loop3A_428 = arith.constant 32 : index
        %parallel_loop3A_429 = tpu.vector_load %arg11[%parallel_loop3A_427, %parallel_loop3A_428] {strides = array<i32>} : memref<80x64xf32, #tpu.memory_space<vmem>>, vector<1x16xf32>,
        %parallel_loop3A_430 = vector.shape_cast %parallel_loop3A_429 : vector<1x16xf32> to vector<16xf32>
        %parallel_loop3A_431 = arith.index_cast %parallel_loop3A_352 : i32 to index
        %parallel_loop3A_432 = arith.constant 32 : index
        %parallel_loop3A_433 = tpu.vector_load %arg12[%parallel_loop3A_431, %parallel_loop3A_432] {strides = array<i32>} : memref<80x64xf32, #tpu.memory_space<vmem>>, vector<1x16xf32>,
        %parallel_loop3A_434 = vector.shape_cast %parallel_loop3A_433 : vector<1x16xf32> to vector<16xf32>
        %parallel_loop3A_435 = arith.addf %parallel_loop3A_430, %parallel_loop3A_434 : vector<16xf32>
        %parallel_loop3A_436 = arith.constant 32 : i32
        %parallel_loop3A_437 = arith.addi %parallel_loop3A_354, %parallel_loop3A_436 : i32
        %parallel_loop3A_438 = arith.index_cast %parallel_loop3A_437 : i32 to index
        %parallel_loop3A_439 = tpu.vector_load %arg15[%parallel_loop3A_438] {strides = array<i32>} : memref<5120xf32, #tpu.memory_space<vmem>>, vector<16xf32>,
        %parallel_loop3A_440 = vector.shape_cast %parallel_loop3A_439 : vector<16xf32> to vector<16xf32>
        %parallel_loop3A_441 = vector.shape_cast %parallel_loop3A_435 : vector<16xf32> to vector<16xf32>
        tpu.vector_store %arg15[%parallel_loop3A_438], %parallel_loop3A_441 {strides = array<i32>} : memref<5120xf32, #tpu.memory_space<vmem>>, vector<16xf32>,
        %parallel_loop3A_442 = arith.constant 40 : i32
        %parallel_loop3A_443 = arith.addi %parallel_loop3A_442, %parallel_loop3A_352 : i32
        %parallel_loop3A_444 = arith.index_cast %parallel_loop3A_443 : i32 to index
        %parallel_loop3A_445 = arith.constant 32 : index
        %parallel_loop3A_446 = tpu.vector_load %arg11[%parallel_loop3A_444, %parallel_loop3A_445] {strides = array<i32>} : memref<80x64xf32, #tpu.memory_space<vmem>>, vector<1x16xf32>,
        %parallel_loop3A_447 = vector.shape_cast %parallel_loop3A_446 : vector<1x16xf32> to vector<16xf32>
        %parallel_loop3A_448 = arith.constant 40 : i32
        %parallel_loop3A_449 = arith.addi %parallel_loop3A_448, %parallel_loop3A_352 : i32
        %parallel_loop3A_450 = arith.index_cast %parallel_loop3A_449 : i32 to index
        %parallel_loop3A_451 = arith.constant 32 : index
        %parallel_loop3A_452 = tpu.vector_load %arg12[%parallel_loop3A_450, %parallel_loop3A_451] {strides = array<i32>} : memref<80x64xf32, #tpu.memory_space<vmem>>, vector<1x16xf32>,
        %parallel_loop3A_453 = vector.shape_cast %parallel_loop3A_452 : vector<1x16xf32> to vector<16xf32>
        %parallel_loop3A_454 = arith.addf %parallel_loop3A_447, %parallel_loop3A_453 : vector<16xf32>
        %parallel_loop3A_455 = arith.constant 64 : i32
        %parallel_loop3A_456 = arith.addi %parallel_loop3A_354, %parallel_loop3A_455 : i32
        %parallel_loop3A_457 = arith.constant 32 : i32
        %parallel_loop3A_458 = arith.addi %parallel_loop3A_456, %parallel_loop3A_457 : i32
        %parallel_loop3A_459 = arith.index_cast %parallel_loop3A_458 : i32 to index
        %parallel_loop3A_460 = tpu.vector_load %arg15[%parallel_loop3A_459] {strides = array<i32>} : memref<5120xf32, #tpu.memory_space<vmem>>, vector<16xf32>,
        %parallel_loop3A_461 = vector.shape_cast %parallel_loop3A_460 : vector<16xf32> to vector<16xf32>
        %parallel_loop3A_462 = vector.shape_cast %parallel_loop3A_454 : vector<16xf32> to vector<16xf32>
        tpu.vector_store %arg15[%parallel_loop3A_459], %parallel_loop3A_462 {strides = array<i32>} : memref<5120xf32, #tpu.memory_space<vmem>>, vector<16xf32>,
        %parallel_loop3A_463 = arith.index_cast %parallel_loop3A_352 : i32 to index
        %parallel_loop3A_464 = arith.constant 48 : index
        %parallel_loop3A_465 = tpu.vector_load %arg11[%parallel_loop3A_463, %parallel_loop3A_464] {strides = array<i32>} : memref<80x64xf32, #tpu.memory_space<vmem>>, vector<1x16xf32>,
        %parallel_loop3A_466 = vector.shape_cast %parallel_loop3A_465 : vector<1x16xf32> to vector<16xf32>
        %parallel_loop3A_467 = arith.index_cast %parallel_loop3A_352 : i32 to index
        %parallel_loop3A_468 = arith.constant 48 : index
        %parallel_loop3A_469 = tpu.vector_load %arg12[%parallel_loop3A_467, %parallel_loop3A_468] {strides = array<i32>} : memref<80x64xf32, #tpu.memory_space<vmem>>, vector<1x16xf32>,
        %parallel_loop3A_470 = vector.shape_cast %parallel_loop3A_469 : vector<1x16xf32> to vector<16xf32>
        %parallel_loop3A_471 = arith.addf %parallel_loop3A_466, %parallel_loop3A_470 : vector<16xf32>
        %parallel_loop3A_472 = arith.constant 48 : i32
        %parallel_loop3A_473 = arith.addi %parallel_loop3A_354, %parallel_loop3A_472 : i32
        %parallel_loop3A_474 = arith.index_cast %parallel_loop3A_473 : i32 to index
        %parallel_loop3A_475 = tpu.vector_load %arg15[%parallel_loop3A_474] {strides = array<i32>} : memref<5120xf32, #tpu.memory_space<vmem>>, vector<16xf32>,
        %parallel_loop3A_476 = vector.shape_cast %parallel_loop3A_475 : vector<16xf32> to vector<16xf32>
        %parallel_loop3A_477 = vector.shape_cast %parallel_loop3A_471 : vector<16xf32> to vector<16xf32>
        tpu.vector_store %arg15[%parallel_loop3A_474], %parallel_loop3A_477 {strides = array<i32>} : memref<5120xf32, #tpu.memory_space<vmem>>, vector<16xf32>,
        %parallel_loop3A_478 = arith.constant 40 : i32
        %parallel_loop3A_479 = arith.addi %parallel_loop3A_478, %parallel_loop3A_352 : i32
        %parallel_loop3A_480 = arith.index_cast %parallel_loop3A_479 : i32 to index
        %parallel_loop3A_481 = arith.constant 48 : index
        %parallel_loop3A_482 = tpu.vector_load %arg11[%parallel_loop3A_480, %parallel_loop3A_481] {strides = array<i32>} : memref<80x64xf32, #tpu.memory_space<vmem>>, vector<1x16xf32>,
        %parallel_loop3A_483 = vector.shape_cast %parallel_loop3A_482 : vector<1x16xf32> to vector<16xf32>
        %parallel_loop3A_484 = arith.constant 40 : i32
        %parallel_loop3A_485 = arith.addi %parallel_loop3A_484, %parallel_loop3A_352 : i32
        %parallel_loop3A_486 = arith.index_cast %parallel_loop3A_485 : i32 to index
        %parallel_loop3A_487 = arith.constant 48 : index
        %parallel_loop3A_488 = tpu.vector_load %arg12[%parallel_loop3A_486, %parallel_loop3A_487] {strides = array<i32>} : memref<80x64xf32, #tpu.memory_space<vmem>>, vector<1x16xf32>,
        %parallel_loop3A_489 = vector.shape_cast %parallel_loop3A_488 : vector<1x16xf32> to vector<16xf32>
        %parallel_loop3A_490 = arith.addf %parallel_loop3A_483, %parallel_loop3A_489 : vector<16xf32>
        %parallel_loop3A_491 = arith.constant 64 : i32
        %parallel_loop3A_492 = arith.addi %parallel_loop3A_354, %parallel_loop3A_491 : i32
        %parallel_loop3A_493 = arith.constant 48 : i32
        %parallel_loop3A_494 = arith.addi %parallel_loop3A_492, %parallel_loop3A_493 : i32
        %parallel_loop3A_495 = arith.index_cast %parallel_loop3A_494 : i32 to index
        %parallel_loop3A_496 = tpu.vector_load %arg15[%parallel_loop3A_495] {strides = array<i32>} : memref<5120xf32, #tpu.memory_space<vmem>>, vector<16xf32>,
        %parallel_loop3A_497 = vector.shape_cast %parallel_loop3A_496 : vector<16xf32> to vector<16xf32>
        %parallel_loop3A_498 = vector.shape_cast %parallel_loop3A_490 : vector<16xf32> to vector<16xf32>
        tpu.vector_store %arg15[%parallel_loop3A_495], %parallel_loop3A_498 {strides = array<i32>} : memref<5120xf32, #tpu.memory_space<vmem>>, vector<16xf32>,
      } {sc.loop_unroll_factor = 8 : i64, sc.parallel_access}
      %mul3A_315 = arith.constant 1280 : i32
      %mul3A_316 = arith.muli %mul3A_215, %mul3A_315 : i32
      %add3A_317 = arith.addi %mul3A_316, %mul3A_2 : i32
      %mul3A_318 = arith.constant 128 : i32
      %mul3A_319 = arith.muli %add3A_317, %mul3A_318 : i32
      %multiple_of3A_320 = tpu.assume_multiple %mul3A_319, 8 : i32
      %dma_start3A_321 = tpu.memref_slice %arg4[%multiple_of3A_320] : memref<20480000xf32, #tpu.memory_space<hbm>> -> memref<5120xf32, #tpu.memory_space<hbm>>
      %dma_start3A_322 = tpu.memref_slice %arg4[%multiple_of3A_320] : memref<20480000xf32, #tpu.memory_space<hbm>> -> memref<5120xf32, #tpu.memory_space<hbm>>
      tpu.enqueue_dma source(%arg15 : memref<5120xf32, #tpu.memory_space<vmem>>) target(%dma_start3A_322 : memref<5120xf32, #tpu.memory_space<hbm>>) target_semaphore(%arg21 : memref<!tpu.dma_semaphore, #tpu.memory_space<semaphore_mem>>)
      %dma_wait3A_323 = arith.constant 0 : i32
      %dma_wait3A_324 = arith.constant 0 : i32
      %dma_wait3A_325 = tpu.memref_slice %arg5[%dma_wait3A_323, %dma_wait3A_324] : memref<10000x64xf32, #tpu.memory_space<vmem_shared>> -> memref<10000x64xf32, #tpu.memory_space<vmem_shared>>
      tpu.wait_indirect_dma semaphore(%arg20 : memref<!tpu.dma_semaphore, #tpu.memory_space<semaphore_mem>>) src(%dma_wait3A_325 : memref<10000x64xf32, #tpu.memory_space<vmem_shared>>) dst(%arg13 : memref<80x64xf32, #tpu.memory_space<vmem>>)
      %dma_wait3A_326 = arith.constant 0 : i32
      %dma_wait3A_327 = arith.constant 0 : i32
      %dma_wait3A_328 = tpu.memref_slice %arg6[%dma_wait3A_326, %dma_wait3A_327] : memref<10000x64xf32, #tpu.memory_space<vmem_shared>> -> memref<10000x64xf32, #tpu.memory_space<vmem_shared>>
      tpu.wait_indirect_dma semaphore(%arg20 : memref<!tpu.dma_semaphore, #tpu.memory_space<semaphore_mem>>) src(%dma_wait3A_328 : memref<10000x64xf32, #tpu.memory_space<vmem_shared>>) dst(%arg14 : memref<80x64xf32, #tpu.memory_space<vmem>>)
      %add3A_329 = arith.constant 2 : i32
      %add3A_330 = arith.addi %add3A_219, %add3A_329 : i32
      %lt3A_331 = arith.constant 125 : i32
      %lt3A_332 = arith.cmpi slt, %add3A_330, %lt3A_331 : i32
      %convert_element_type3A_333 = arith.extui %lt3A_332 : i1 to i32
      %cond3A_334 = arith.constant 0 : i32
      %cond3A_335 = arith.cmpi ne, %convert_element_type3A_333, %cond3A_334 : i32
      scf.if %cond3A_335 {
        %add3A_352 = arith.constant 2 : i32
        %add3A_353 = arith.addi %add3A_219, %add3A_352 : i32
        %mul3A_354 = arith.constant 2 : i32
        %mul3A_355 = arith.muli %add3A_353, %mul3A_354 : i32
        %mul3A_356 = arith.constant 1280 : i32
        %mul3A_357 = arith.muli %mul3A_355, %mul3A_356 : i32
        %add3A_358 = arith.addi %mul3A_357, %mul3A_2 : i32
        %multiple_of3A_359 = tpu.assume_multiple %add3A_358, 8 : i32
        %mul3A_360 = arith.constant 2 : i32
        %mul3A_361 = arith.muli %add3A_353, %mul3A_360 : i32
        %mul3A_362 = arith.constant 1280 : i32
        %mul3A_363 = arith.muli %mul3A_361, %mul3A_362 : i32
        %add3A_364 = arith.constant 1280 : i32
        %add3A_365 = arith.addi %mul3A_363, %add3A_364 : i32
        %add3A_366 = arith.addi %add3A_365, %mul3A_2 : i32
        %multiple_of3A_367 = tpu.assume_multiple %add3A_366, 8 : i32
        %dma_start3A_368 = arith.constant 0 : i32
        %dma_start3A_369 = tpu.memref_slice %arg9[%dma_start3A_368] : memref<80xi32, #tpu.memory_space<vmem>> -> memref<40xi32, #tpu.memory_space<vmem>>
        %dma_start3A_370 = tpu.memref_slice %arg3[%multiple_of3A_359] : memref<640000xi32, #tpu.memory_space<hbm>> -> memref<40xi32, #tpu.memory_space<hbm>>
        %dma_start3A_371 = arith.constant 0 : i32
        %dma_start3A_372 = tpu.memref_slice %arg9[%dma_start3A_371] : memref<80xi32, #tpu.memory_space<vmem>> -> memref<40xi32, #tpu.memory_space<vmem>>
        %dma_start3A_373 = tpu.memref_slice %arg3[%multiple_of3A_359] : memref<640000xi32, #tpu.memory_space<hbm>> -> memref<40xi32, #tpu.memory_space<hbm>>
        tpu.enqueue_dma source(%dma_start3A_373 : memref<40xi32, #tpu.memory_space<hbm>>) target(%dma_start3A_372 : memref<40xi32, #tpu.memory_space<vmem>>) target_semaphore(%arg18 : memref<!tpu.dma_semaphore, #tpu.memory_space<semaphore_mem>>)
        %dma_start3A_374 = arith.constant 40 : i32
        %dma_start3A_375 = tpu.memref_slice %arg9[%dma_start3A_374] : memref<80xi32, #tpu.memory_space<vmem>> -> memref<40xi32, #tpu.memory_space<vmem>>
        %dma_start3A_376 = tpu.memref_slice %arg3[%multiple_of3A_367] : memref<640000xi32, #tpu.memory_space<hbm>> -> memref<40xi32, #tpu.memory_space<hbm>>
        %dma_start3A_377 = arith.constant 40 : i32
        %dma_start3A_378 = tpu.memref_slice %arg9[%dma_start3A_377] : memref<80xi32, #tpu.memory_space<vmem>> -> memref<40xi32, #tpu.memory_space<vmem>>
        %dma_start3A_379 = tpu.memref_slice %arg3[%multiple_of3A_367] : memref<640000xi32, #tpu.memory_space<hbm>> -> memref<40xi32, #tpu.memory_space<hbm>>
        tpu.enqueue_dma source(%dma_start3A_379 : memref<40xi32, #tpu.memory_space<hbm>>) target(%dma_start3A_378 : memref<40xi32, #tpu.memory_space<vmem>>) target_semaphore(%arg18 : memref<!tpu.dma_semaphore, #tpu.memory_space<semaphore_mem>>)
        %add3A_380 = arith.constant 320000 : i32
        %add3A_381 = arith.addi %add3A_380, %multiple_of3A_359 : i32
        %dma_start3A_382 = arith.constant 0 : i32
        %dma_start3A_383 = tpu.memref_slice %arg10[%dma_start3A_382] : memref<80xi32, #tpu.memory_space<vmem>> -> memref<40xi32, #tpu.memory_space<vmem>>
        %dma_start3A_384 = tpu.memref_slice %arg3[%add3A_381] : memref<640000xi32, #tpu.memory_space<hbm>> -> memref<40xi32, #tpu.memory_space<hbm>>
        %dma_start3A_385 = arith.constant 0 : i32
        %dma_start3A_386 = tpu.memref_slice %arg10[%dma_start3A_385] : memref<80xi32, #tpu.memory_space<vmem>> -> memref<40xi32, #tpu.memory_space<vmem>>
        %dma_start3A_387 = tpu.memref_slice %arg3[%add3A_381] : memref<640000xi32, #tpu.memory_space<hbm>> -> memref<40xi32, #tpu.memory_space<hbm>>
        tpu.enqueue_dma source(%dma_start3A_387 : memref<40xi32, #tpu.memory_space<hbm>>) target(%dma_start3A_386 : memref<40xi32, #tpu.memory_space<vmem>>) target_semaphore(%arg18 : memref<!tpu.dma_semaphore, #tpu.memory_space<semaphore_mem>>)
        %add3A_388 = arith.constant 320000 : i32
        %add3A_389 = arith.addi %add3A_388, %multiple_of3A_367 : i32
        %dma_start3A_390 = arith.constant 40 : i32
        %dma_start3A_391 = tpu.memref_slice %arg10[%dma_start3A_390] : memref<80xi32, #tpu.memory_space<vmem>> -> memref<40xi32, #tpu.memory_space<vmem>>
        %dma_start3A_392 = tpu.memref_slice %arg3[%add3A_389] : memref<640000xi32, #tpu.memory_space<hbm>> -> memref<40xi32, #tpu.memory_space<hbm>>
        %dma_start3A_393 = arith.constant 40 : i32
        %dma_start3A_394 = tpu.memref_slice %arg10[%dma_start3A_393] : memref<80xi32, #tpu.memory_space<vmem>> -> memref<40xi32, #tpu.memory_space<vmem>>
        %dma_start3A_395 = tpu.memref_slice %arg3[%add3A_389] : memref<640000xi32, #tpu.memory_space<hbm>> -> memref<40xi32, #tpu.memory_space<hbm>>
        tpu.enqueue_dma source(%dma_start3A_395 : memref<40xi32, #tpu.memory_space<hbm>>) target(%dma_start3A_394 : memref<40xi32, #tpu.memory_space<vmem>>) target_semaphore(%arg18 : memref<!tpu.dma_semaphore, #tpu.memory_space<semaphore_mem>>)
      } else {
      }
      %gt3A_336 = arith.constant 0 : i32
      %gt3A_337 = arith.cmpi sgt, %scan3A_213, %gt3A_336 : i32
      %convert_element_type3A_338 = arith.extui %gt3A_337 : i1 to i32
      %cond3A_339 = arith.constant 0 : i32
      %cond3A_340 = arith.cmpi ne, %convert_element_type3A_338, %cond3A_339 : i32
      scf.if %cond3A_340 {
        %dma_wait3A_352 = arith.constant 0 : i32
        %dma_wait3A_353 = tpu.memref_slice %arg4[%dma_wait3A_352] : memref<20480000xf32, #tpu.memory_space<hbm>> -> memref<5120xf32, #tpu.memory_space<hbm>>
        %dma_wait3A_354 = arith.constant 0 : i32
        %dma_wait3A_355 = tpu.memref_slice %arg4[%dma_wait3A_354] : memref<20480000xf32, #tpu.memory_space<hbm>> -> memref<5120xf32, #tpu.memory_space<hbm>>
        tpu.wait_dma2 semaphore(%arg21 : memref<!tpu.dma_semaphore, #tpu.memory_space<semaphore_mem>>) src(%dma_wait3A_355 : memref<5120xf32, #tpu.memory_space<hbm>>) dst(%arg16 : memref<5120xf32, #tpu.memory_space<vmem>>)
      } else {
      }
      %parallel_loop3A_341 = arith.constant 0 : i32
      %parallel_loop3A_342 = arith.constant 40 : i32
      %parallel_loop3A_343 = arith.constant 1 : i32
      scf.for %parallel_loop3A_352 = %parallel_loop3A_341 to %parallel_loop3A_342 step %parallel_loop3A_343  : i32 {
        %parallel_loop3A_353 = arith.constant 128 : i32
        %parallel_loop3A_354 = arith.muli %parallel_loop3A_352, %parallel_loop3A_353 : i32
        %parallel_loop3A_355 = arith.index_cast %parallel_loop3A_352 : i32 to index
        %parallel_loop3A_356 = arith.constant 0 : index
        %parallel_loop3A_357 = tpu.vector_load %arg13[%parallel_loop3A_355, %parallel_loop3A_356] {strides = array<i32>} : memref<80x64xf32, #tpu.memory_space<vmem>>, vector<1x16xf32>,
        %parallel_loop3A_358 = vector.shape_cast %parallel_loop3A_357 : vector<1x16xf32> to vector<16xf32>
        %parallel_loop3A_359 = arith.index_cast %parallel_loop3A_352 : i32 to index
        %parallel_loop3A_360 = arith.constant 0 : index
        %parallel_loop3A_361 = tpu.vector_load %arg14[%parallel_loop3A_359, %parallel_loop3A_360] {strides = array<i32>} : memref<80x64xf32, #tpu.memory_space<vmem>>, vector<1x16xf32>,
        %parallel_loop3A_362 = vector.shape_cast %parallel_loop3A_361 : vector<1x16xf32> to vector<16xf32>
        %parallel_loop3A_363 = arith.addf %parallel_loop3A_358, %parallel_loop3A_362 : vector<16xf32>
        %parallel_loop3A_364 = arith.constant 0 : i32
        %parallel_loop3A_365 = arith.addi %parallel_loop3A_354, %parallel_loop3A_364 : i32
        %parallel_loop3A_366 = arith.index_cast %parallel_loop3A_365 : i32 to index
        %parallel_loop3A_367 = tpu.vector_load %arg16[%parallel_loop3A_366] {strides = array<i32>} : memref<5120xf32, #tpu.memory_space<vmem>>, vector<16xf32>,
        %parallel_loop3A_368 = vector.shape_cast %parallel_loop3A_367 : vector<16xf32> to vector<16xf32>
        %parallel_loop3A_369 = vector.shape_cast %parallel_loop3A_363 : vector<16xf32> to vector<16xf32>
        tpu.vector_store %arg16[%parallel_loop3A_366], %parallel_loop3A_369 {strides = array<i32>} : memref<5120xf32, #tpu.memory_space<vmem>>, vector<16xf32>,
        %parallel_loop3A_370 = arith.constant 40 : i32
        %parallel_loop3A_371 = arith.addi %parallel_loop3A_370, %parallel_loop3A_352 : i32
        %parallel_loop3A_372 = arith.index_cast %parallel_loop3A_371 : i32 to index
        %parallel_loop3A_373 = arith.constant 0 : index
        %parallel_loop3A_374 = tpu.vector_load %arg13[%parallel_loop3A_372, %parallel_loop3A_373] {strides = array<i32>} : memref<80x64xf32, #tpu.memory_space<vmem>>, vector<1x16xf32>,
        %parallel_loop3A_375 = vector.shape_cast %parallel_loop3A_374 : vector<1x16xf32> to vector<16xf32>
        %parallel_loop3A_376 = arith.constant 40 : i32
        %parallel_loop3A_377 = arith.addi %parallel_loop3A_376, %parallel_loop3A_352 : i32
        %parallel_loop3A_378 = arith.index_cast %parallel_loop3A_377 : i32 to index
        %parallel_loop3A_379 = arith.constant 0 : index
        %parallel_loop3A_380 = tpu.vector_load %arg14[%parallel_loop3A_378, %parallel_loop3A_379] {strides = array<i32>} : memref<80x64xf32, #tpu.memory_space<vmem>>, vector<1x16xf32>,
        %parallel_loop3A_381 = vector.shape_cast %parallel_loop3A_380 : vector<1x16xf32> to vector<16xf32>
        %parallel_loop3A_382 = arith.addf %parallel_loop3A_375, %parallel_loop3A_381 : vector<16xf32>
        %parallel_loop3A_383 = arith.constant 64 : i32
        %parallel_loop3A_384 = arith.addi %parallel_loop3A_354, %parallel_loop3A_383 : i32
        %parallel_loop3A_385 = arith.constant 0 : i32
        %parallel_loop3A_386 = arith.addi %parallel_loop3A_384, %parallel_loop3A_385 : i32
        %parallel_loop3A_387 = arith.index_cast %parallel_loop3A_386 : i32 to index
        %parallel_loop3A_388 = tpu.vector_load %arg16[%parallel_loop3A_387] {strides = array<i32>} : memref<5120xf32, #tpu.memory_space<vmem>>, vector<16xf32>,
        %parallel_loop3A_389 = vector.shape_cast %parallel_loop3A_388 : vector<16xf32> to vector<16xf32>
        %parallel_loop3A_390 = vector.shape_cast %parallel_loop3A_382 : vector<16xf32> to vector<16xf32>
        tpu.vector_store %arg16[%parallel_loop3A_387], %parallel_loop3A_390 {strides = array<i32>} : memref<5120xf32, #tpu.memory_space<vmem>>, vector<16xf32>,
        %parallel_loop3A_391 = arith.index_cast %parallel_loop3A_352 : i32 to index
        %parallel_loop3A_392 = arith.constant 16 : index
        %parallel_loop3A_393 = tpu.vector_load %arg13[%parallel_loop3A_391, %parallel_loop3A_392] {strides = array<i32>} : memref<80x64xf32, #tpu.memory_space<vmem>>, vector<1x16xf32>,
        %parallel_loop3A_394 = vector.shape_cast %parallel_loop3A_393 : vector<1x16xf32> to vector<16xf32>
        %parallel_loop3A_395 = arith.index_cast %parallel_loop3A_352 : i32 to index
        %parallel_loop3A_396 = arith.constant 16 : index
        %parallel_loop3A_397 = tpu.vector_load %arg14[%parallel_loop3A_395, %parallel_loop3A_396] {strides = array<i32>} : memref<80x64xf32, #tpu.memory_space<vmem>>, vector<1x16xf32>,
        %parallel_loop3A_398 = vector.shape_cast %parallel_loop3A_397 : vector<1x16xf32> to vector<16xf32>
        %parallel_loop3A_399 = arith.addf %parallel_loop3A_394, %parallel_loop3A_398 : vector<16xf32>
        %parallel_loop3A_400 = arith.constant 16 : i32
        %parallel_loop3A_401 = arith.addi %parallel_loop3A_354, %parallel_loop3A_400 : i32
        %parallel_loop3A_402 = arith.index_cast %parallel_loop3A_401 : i32 to index
        %parallel_loop3A_403 = tpu.vector_load %arg16[%parallel_loop3A_402] {strides = array<i32>} : memref<5120xf32, #tpu.memory_space<vmem>>, vector<16xf32>,
        %parallel_loop3A_404 = vector.shape_cast %parallel_loop3A_403 : vector<16xf32> to vector<16xf32>
        %parallel_loop3A_405 = vector.shape_cast %parallel_loop3A_399 : vector<16xf32> to vector<16xf32>
        tpu.vector_store %arg16[%parallel_loop3A_402], %parallel_loop3A_405 {strides = array<i32>} : memref<5120xf32, #tpu.memory_space<vmem>>, vector<16xf32>,
        %parallel_loop3A_406 = arith.constant 40 : i32
        %parallel_loop3A_407 = arith.addi %parallel_loop3A_406, %parallel_loop3A_352 : i32
        %parallel_loop3A_408 = arith.index_cast %parallel_loop3A_407 : i32 to index
        %parallel_loop3A_409 = arith.constant 16 : index
        %parallel_loop3A_410 = tpu.vector_load %arg13[%parallel_loop3A_408, %parallel_loop3A_409] {strides = array<i32>} : memref<80x64xf32, #tpu.memory_space<vmem>>, vector<1x16xf32>,
        %parallel_loop3A_411 = vector.shape_cast %parallel_loop3A_410 : vector<1x16xf32> to vector<16xf32>
        %parallel_loop3A_412 = arith.constant 40 : i32
        %parallel_loop3A_413 = arith.addi %parallel_loop3A_412, %parallel_loop3A_352 : i32
        %parallel_loop3A_414 = arith.index_cast %parallel_loop3A_413 : i32 to index
        %parallel_loop3A_415 = arith.constant 16 : index
        %parallel_loop3A_416 = tpu.vector_load %arg14[%parallel_loop3A_414, %parallel_loop3A_415] {strides = array<i32>} : memref<80x64xf32, #tpu.memory_space<vmem>>, vector<1x16xf32>,
        %parallel_loop3A_417 = vector.shape_cast %parallel_loop3A_416 : vector<1x16xf32> to vector<16xf32>
        %parallel_loop3A_418 = arith.addf %parallel_loop3A_411, %parallel_loop3A_417 : vector<16xf32>
        %parallel_loop3A_419 = arith.constant 64 : i32
        %parallel_loop3A_420 = arith.addi %parallel_loop3A_354, %parallel_loop3A_419 : i32
        %parallel_loop3A_421 = arith.constant 16 : i32
        %parallel_loop3A_422 = arith.addi %parallel_loop3A_420, %parallel_loop3A_421 : i32
        %parallel_loop3A_423 = arith.index_cast %parallel_loop3A_422 : i32 to index
        %parallel_loop3A_424 = tpu.vector_load %arg16[%parallel_loop3A_423] {strides = array<i32>} : memref<5120xf32, #tpu.memory_space<vmem>>, vector<16xf32>,
        %parallel_loop3A_425 = vector.shape_cast %parallel_loop3A_424 : vector<16xf32> to vector<16xf32>
        %parallel_loop3A_426 = vector.shape_cast %parallel_loop3A_418 : vector<16xf32> to vector<16xf32>
        tpu.vector_store %arg16[%parallel_loop3A_423], %parallel_loop3A_426 {strides = array<i32>} : memref<5120xf32, #tpu.memory_space<vmem>>, vector<16xf32>,
        %parallel_loop3A_427 = arith.index_cast %parallel_loop3A_352 : i32 to index
        %parallel_loop3A_428 = arith.constant 32 : index
        %parallel_loop3A_429 = tpu.vector_load %arg13[%parallel_loop3A_427, %parallel_loop3A_428] {strides = array<i32>} : memref<80x64xf32, #tpu.memory_space<vmem>>, vector<1x16xf32>,
        %parallel_loop3A_430 = vector.shape_cast %parallel_loop3A_429 : vector<1x16xf32> to vector<16xf32>
        %parallel_loop3A_431 = arith.index_cast %parallel_loop3A_352 : i32 to index
        %parallel_loop3A_432 = arith.constant 32 : index
        %parallel_loop3A_433 = tpu.vector_load %arg14[%parallel_loop3A_431, %parallel_loop3A_432] {strides = array<i32>} : memref<80x64xf32, #tpu.memory_space<vmem>>, vector<1x16xf32>,
        %parallel_loop3A_434 = vector.shape_cast %parallel_loop3A_433 : vector<1x16xf32> to vector<16xf32>
        %parallel_loop3A_435 = arith.addf %parallel_loop3A_430, %parallel_loop3A_434 : vector<16xf32>
        %parallel_loop3A_436 = arith.constant 32 : i32
        %parallel_loop3A_437 = arith.addi %parallel_loop3A_354, %parallel_loop3A_436 : i32
        %parallel_loop3A_438 = arith.index_cast %parallel_loop3A_437 : i32 to index
        %parallel_loop3A_439 = tpu.vector_load %arg16[%parallel_loop3A_438] {strides = array<i32>} : memref<5120xf32, #tpu.memory_space<vmem>>, vector<16xf32>,
        %parallel_loop3A_440 = vector.shape_cast %parallel_loop3A_439 : vector<16xf32> to vector<16xf32>
        %parallel_loop3A_441 = vector.shape_cast %parallel_loop3A_435 : vector<16xf32> to vector<16xf32>
        tpu.vector_store %arg16[%parallel_loop3A_438], %parallel_loop3A_441 {strides = array<i32>} : memref<5120xf32, #tpu.memory_space<vmem>>, vector<16xf32>,
        %parallel_loop3A_442 = arith.constant 40 : i32
        %parallel_loop3A_443 = arith.addi %parallel_loop3A_442, %parallel_loop3A_352 : i32
        %parallel_loop3A_444 = arith.index_cast %parallel_loop3A_443 : i32 to index
        %parallel_loop3A_445 = arith.constant 32 : index
        %parallel_loop3A_446 = tpu.vector_load %arg13[%parallel_loop3A_444, %parallel_loop3A_445] {strides = array<i32>} : memref<80x64xf32, #tpu.memory_space<vmem>>, vector<1x16xf32>,
        %parallel_loop3A_447 = vector.shape_cast %parallel_loop3A_446 : vector<1x16xf32> to vector<16xf32>
        %parallel_loop3A_448 = arith.constant 40 : i32
        %parallel_loop3A_449 = arith.addi %parallel_loop3A_448, %parallel_loop3A_352 : i32
        %parallel_loop3A_450 = arith.index_cast %parallel_loop3A_449 : i32 to index
        %parallel_loop3A_451 = arith.constant 32 : index
        %parallel_loop3A_452 = tpu.vector_load %arg14[%parallel_loop3A_450, %parallel_loop3A_451] {strides = array<i32>} : memref<80x64xf32, #tpu.memory_space<vmem>>, vector<1x16xf32>,
        %parallel_loop3A_453 = vector.shape_cast %parallel_loop3A_452 : vector<1x16xf32> to vector<16xf32>
        %parallel_loop3A_454 = arith.addf %parallel_loop3A_447, %parallel_loop3A_453 : vector<16xf32>
        %parallel_loop3A_455 = arith.constant 64 : i32
        %parallel_loop3A_456 = arith.addi %parallel_loop3A_354, %parallel_loop3A_455 : i32
        %parallel_loop3A_457 = arith.constant 32 : i32
        %parallel_loop3A_458 = arith.addi %parallel_loop3A_456, %parallel_loop3A_457 : i32
        %parallel_loop3A_459 = arith.index_cast %parallel_loop3A_458 : i32 to index
        %parallel_loop3A_460 = tpu.vector_load %arg16[%parallel_loop3A_459] {strides = array<i32>} : memref<5120xf32, #tpu.memory_space<vmem>>, vector<16xf32>,
        %parallel_loop3A_461 = vector.shape_cast %parallel_loop3A_460 : vector<16xf32> to vector<16xf32>
        %parallel_loop3A_462 = vector.shape_cast %parallel_loop3A_454 : vector<16xf32> to vector<16xf32>
        tpu.vector_store %arg16[%parallel_loop3A_459], %parallel_loop3A_462 {strides = array<i32>} : memref<5120xf32, #tpu.memory_space<vmem>>, vector<16xf32>,
        %parallel_loop3A_463 = arith.index_cast %parallel_loop3A_352 : i32 to index
        %parallel_loop3A_464 = arith.constant 48 : index
        %parallel_loop3A_465 = tpu.vector_load %arg13[%parallel_loop3A_463, %parallel_loop3A_464] {strides = array<i32>} : memref<80x64xf32, #tpu.memory_space<vmem>>, vector<1x16xf32>,
        %parallel_loop3A_466 = vector.shape_cast %parallel_loop3A_465 : vector<1x16xf32> to vector<16xf32>
        %parallel_loop3A_467 = arith.index_cast %parallel_loop3A_352 : i32 to index
        %parallel_loop3A_468 = arith.constant 48 : index
        %parallel_loop3A_469 = tpu.vector_load %arg14[%parallel_loop3A_467, %parallel_loop3A_468] {strides = array<i32>} : memref<80x64xf32, #tpu.memory_space<vmem>>, vector<1x16xf32>,
        %parallel_loop3A_470 = vector.shape_cast %parallel_loop3A_469 : vector<1x16xf32> to vector<16xf32>
        %parallel_loop3A_471 = arith.addf %parallel_loop3A_466, %parallel_loop3A_470 : vector<16xf32>
        %parallel_loop3A_472 = arith.constant 48 : i32
        %parallel_loop3A_473 = arith.addi %parallel_loop3A_354, %parallel_loop3A_472 : i32
        %parallel_loop3A_474 = arith.index_cast %parallel_loop3A_473 : i32 to index
        %parallel_loop3A_475 = tpu.vector_load %arg16[%parallel_loop3A_474] {strides = array<i32>} : memref<5120xf32, #tpu.memory_space<vmem>>, vector<16xf32>,
        %parallel_loop3A_476 = vector.shape_cast %parallel_loop3A_475 : vector<16xf32> to vector<16xf32>
        %parallel_loop3A_477 = vector.shape_cast %parallel_loop3A_471 : vector<16xf32> to vector<16xf32>
        tpu.vector_store %arg16[%parallel_loop3A_474], %parallel_loop3A_477 {strides = array<i32>} : memref<5120xf32, #tpu.memory_space<vmem>>, vector<16xf32>,
        %parallel_loop3A_478 = arith.constant 40 : i32
        %parallel_loop3A_479 = arith.addi %parallel_loop3A_478, %parallel_loop3A_352 : i32
        %parallel_loop3A_480 = arith.index_cast %parallel_loop3A_479 : i32 to index
        %parallel_loop3A_481 = arith.constant 48 : index
        %parallel_loop3A_482 = tpu.vector_load %arg13[%parallel_loop3A_480, %parallel_loop3A_481] {strides = array<i32>} : memref<80x64xf32, #tpu.memory_space<vmem>>, vector<1x16xf32>,
        %parallel_loop3A_483 = vector.shape_cast %parallel_loop3A_482 : vector<1x16xf32> to vector<16xf32>
        %parallel_loop3A_484 = arith.constant 40 : i32
        %parallel_loop3A_485 = arith.addi %parallel_loop3A_484, %parallel_loop3A_352 : i32
        %parallel_loop3A_486 = arith.index_cast %parallel_loop3A_485 : i32 to index
        %parallel_loop3A_487 = arith.constant 48 : index
        %parallel_loop3A_488 = tpu.vector_load %arg14[%parallel_loop3A_486, %parallel_loop3A_487] {strides = array<i32>} : memref<80x64xf32, #tpu.memory_space<vmem>>, vector<1x16xf32>,
        %parallel_loop3A_489 = vector.shape_cast %parallel_loop3A_488 : vector<1x16xf32> to vector<16xf32>
        %parallel_loop3A_490 = arith.addf %parallel_loop3A_483, %parallel_loop3A_489 : vector<16xf32>
        %parallel_loop3A_491 = arith.constant 64 : i32
        %parallel_loop3A_492 = arith.addi %parallel_loop3A_354, %parallel_loop3A_491 : i32
        %parallel_loop3A_493 = arith.constant 48 : i32
        %parallel_loop3A_494 = arith.addi %parallel_loop3A_492, %parallel_loop3A_493 : i32
        %parallel_loop3A_495 = arith.index_cast %parallel_loop3A_494 : i32 to index
        %parallel_loop3A_496 = tpu.vector_load %arg16[%parallel_loop3A_495] {strides = array<i32>} : memref<5120xf32, #tpu.memory_space<vmem>>, vector<16xf32>,
        %parallel_loop3A_497 = vector.shape_cast %parallel_loop3A_496 : vector<16xf32> to vector<16xf32>
        %parallel_loop3A_498 = vector.shape_cast %parallel_loop3A_490 : vector<16xf32> to vector<16xf32>
        tpu.vector_store %arg16[%parallel_loop3A_495], %parallel_loop3A_498 {strides = array<i32>} : memref<5120xf32, #tpu.memory_space<vmem>>, vector<16xf32>,
      } {sc.loop_unroll_factor = 8 : i64, sc.parallel_access}
      %mul3A_344 = arith.constant 1280 : i32
      %mul3A_345 = arith.muli %add3A_219, %mul3A_344 : i32
      %add3A_346 = arith.addi %mul3A_345, %mul3A_2 : i32
      %mul3A_347 = arith.constant 128 : i32
      %mul3A_348 = arith.muli %add3A_346, %mul3A_347 : i32
      %multiple_of3A_349 = tpu.assume_multiple %mul3A_348, 8 : i32
      %dma_start3A_350 = tpu.memref_slice %arg4[%multiple_of3A_349] : memref<20480000xf32, #tpu.memory_space<hbm>> -> memref<5120xf32, #tpu.memory_space<hbm>>
      %dma_start3A_351 = tpu.memref_slice %arg4[%multiple_of3A_349] : memref<20480000xf32, #tpu.memory_space<hbm>> -> memref<5120xf32, #tpu.memory_space<hbm>>
      tpu.enqueue_dma source(%arg16 : memref<5120xf32, #tpu.memory_space<vmem>>) target(%dma_start3A_351 : memref<5120xf32, #tpu.memory_space<hbm>>) target_semaphore(%arg21 : memref<!tpu.dma_semaphore, #tpu.memory_space<semaphore_mem>>)
    }
    %scan3A_150 = arith.constant 62 : i32
    %dma_wait3A = arith.constant 0 : i32
    %dma_wait3A_151 = tpu.memref_slice %arg4[%dma_wait3A] : memref<20480000xf32, #tpu.memory_space<hbm>> -> memref<5120xf32, #tpu.memory_space<hbm>>
    %dma_wait3A_152 = arith.constant 0 : i32
    %dma_wait3A_153 = tpu.memref_slice %arg4[%dma_wait3A_152] : memref<20480000xf32, #tpu.memory_space<hbm>> -> memref<5120xf32, #tpu.memory_space<hbm>>
    tpu.wait_dma2 semaphore(%arg21 : memref<!tpu.dma_semaphore, #tpu.memory_space<semaphore_mem>>) src(%dma_wait3A_153 : memref<5120xf32, #tpu.memory_space<hbm>>) dst(%arg15 : memref<5120xf32, #tpu.memory_space<vmem>>)
    %dma_wait3A_154 = arith.constant 0 : i32
    %dma_wait3A_155 = tpu.memref_slice %arg4[%dma_wait3A_154] : memref<20480000xf32, #tpu.memory_space<hbm>> -> memref<5120xf32, #tpu.memory_space<hbm>>
    %dma_wait3A_156 = arith.constant 0 : i32
    %dma_wait3A_157 = tpu.memref_slice %arg4[%dma_wait3A_156] : memref<20480000xf32, #tpu.memory_space<hbm>> -> memref<5120xf32, #tpu.memory_space<hbm>>
    tpu.wait_dma2 semaphore(%arg21 : memref<!tpu.dma_semaphore, #tpu.memory_space<semaphore_mem>>) src(%dma_wait3A_157 : memref<5120xf32, #tpu.memory_space<hbm>>) dst(%arg16 : memref<5120xf32, #tpu.memory_space<vmem>>)
    %dma_wait3A_158 = arith.constant 0 : i32
    %dma_wait3A_159 = tpu.memref_slice %arg7[%dma_wait3A_158] : memref<80xi32, #tpu.memory_space<vmem>> -> memref<40xi32, #tpu.memory_space<vmem>>
    %dma_wait3A_160 = arith.constant 0 : i32
    %dma_wait3A_161 = tpu.memref_slice %arg3[%dma_wait3A_160] : memref<640000xi32, #tpu.memory_space<hbm>> -> memref<40xi32, #tpu.memory_space<hbm>>
    %dma_wait3A_162 = arith.constant 0 : i32
    %dma_wait3A_163 = tpu.memref_slice %arg7[%dma_wait3A_162] : memref<80xi32, #tpu.memory_space<vmem>> -> memref<40xi32, #tpu.memory_space<vmem>>
    %dma_wait3A_164 = arith.constant 0 : i32
    %dma_wait3A_165 = tpu.memref_slice %arg3[%dma_wait3A_164] : memref<640000xi32, #tpu.memory_space<hbm>> -> memref<40xi32, #tpu.memory_space<hbm>>
    tpu.wait_dma2 semaphore(%arg17 : memref<!tpu.dma_semaphore, #tpu.memory_space<semaphore_mem>>) src(%dma_wait3A_165 : memref<40xi32, #tpu.memory_space<hbm>>) dst(%dma_wait3A_163 : memref<40xi32, #tpu.memory_space<vmem>>)
    %dma_wait3A_166 = arith.constant 40 : i32
    %dma_wait3A_167 = tpu.memref_slice %arg7[%dma_wait3A_166] : memref<80xi32, #tpu.memory_space<vmem>> -> memref<40xi32, #tpu.memory_space<vmem>>
    %dma_wait3A_168 = arith.constant 0 : i32
    %dma_wait3A_169 = tpu.memref_slice %arg3[%dma_wait3A_168] : memref<640000xi32, #tpu.memory_space<hbm>> -> memref<40xi32, #tpu.memory_space<hbm>>
    %dma_wait3A_170 = arith.constant 40 : i32
    %dma_wait3A_171 = tpu.memref_slice %arg7[%dma_wait3A_170] : memref<80xi32, #tpu.memory_space<vmem>> -> memref<40xi32, #tpu.memory_space<vmem>>
    %dma_wait3A_172 = arith.constant 0 : i32
    %dma_wait3A_173 = tpu.memref_slice %arg3[%dma_wait3A_172] : memref<640000xi32, #tpu.memory_space<hbm>> -> memref<40xi32, #tpu.memory_space<hbm>>
    tpu.wait_dma2 semaphore(%arg17 : memref<!tpu.dma_semaphore, #tpu.memory_space<semaphore_mem>>) src(%dma_wait3A_173 : memref<40xi32, #tpu.memory_space<hbm>>) dst(%dma_wait3A_171 : memref<40xi32, #tpu.memory_space<vmem>>)
    %dma_wait3A_174 = arith.constant 0 : i32
    %dma_wait3A_175 = tpu.memref_slice %arg8[%dma_wait3A_174] : memref<80xi32, #tpu.memory_space<vmem>> -> memref<40xi32, #tpu.memory_space<vmem>>
    %dma_wait3A_176 = arith.constant 0 : i32
    %dma_wait3A_177 = tpu.memref_slice %arg3[%dma_wait3A_176] : memref<640000xi32, #tpu.memory_space<hbm>> -> memref<40xi32, #tpu.memory_space<hbm>>
    %dma_wait3A_178 = arith.constant 0 : i32
    %dma_wait3A_179 = tpu.memref_slice %arg8[%dma_wait3A_178] : memref<80xi32, #tpu.memory_space<vmem>> -> memref<40xi32, #tpu.memory_space<vmem>>
    %dma_wait3A_180 = arith.constant 0 : i32
    %dma_wait3A_181 = tpu.memref_slice %arg3[%dma_wait3A_180] : memref<640000xi32, #tpu.memory_space<hbm>> -> memref<40xi32, #tpu.memory_space<hbm>>
    tpu.wait_dma2 semaphore(%arg17 : memref<!tpu.dma_semaphore, #tpu.memory_space<semaphore_mem>>) src(%dma_wait3A_181 : memref<40xi32, #tpu.memory_space<hbm>>) dst(%dma_wait3A_179 : memref<40xi32, #tpu.memory_space<vmem>>)
    %dma_wait3A_182 = arith.constant 40 : i32
    %dma_wait3A_183 = tpu.memref_slice %arg8[%dma_wait3A_182] : memref<80xi32, #tpu.memory_space<vmem>> -> memref<40xi32, #tpu.memory_space<vmem>>
    %dma_wait3A_184 = arith.constant 0 : i32
    %dma_wait3A_185 = tpu.memref_slice %arg3[%dma_wait3A_184] : memref<640000xi32, #tpu.memory_space<hbm>> -> memref<40xi32, #tpu.memory_space<hbm>>
    %dma_wait3A_186 = arith.constant 40 : i32
    %dma_wait3A_187 = tpu.memref_slice %arg8[%dma_wait3A_186] : memref<80xi32, #tpu.memory_space<vmem>> -> memref<40xi32, #tpu.memory_space<vmem>>
    %dma_wait3A_188 = arith.constant 0 : i32
    %dma_wait3A_189 = tpu.memref_slice %arg3[%dma_wait3A_188] : memref<640000xi32, #tpu.memory_space<hbm>> -> memref<40xi32, #tpu.memory_space<hbm>>
    tpu.wait_dma2 semaphore(%arg17 : memref<!tpu.dma_semaphore, #tpu.memory_space<semaphore_mem>>) src(%dma_wait3A_189 : memref<40xi32, #tpu.memory_space<hbm>>) dst(%dma_wait3A_187 : memref<40xi32, #tpu.memory_space<vmem>>)
    %dma_start3A_190 = arith.constant 0 : i32
    %dma_start3A_191 = arith.constant 0 : i32
    %dma_start3A_192 = tpu.memref_slice %arg5[%dma_start3A_190, %dma_start3A_191] : memref<10000x64xf32, #tpu.memory_space<vmem_shared>> -> memref<10000x64xf32, #tpu.memory_space<vmem_shared>>
    tpu.enqueue_indirect_dma source(%dma_start3A_192 : memref<10000x64xf32, #tpu.memory_space<vmem_shared>>) target(%arg11 : memref<80x64xf32, #tpu.memory_space<vmem>>) offsets(%arg7 : memref<80xi32, #tpu.memory_space<vmem>>) semaphore(%arg19 : memref<!tpu.dma_semaphore, #tpu.memory_space<semaphore_mem>>)
    %dma_start3A_193 = arith.constant 0 : i32
    %dma_start3A_194 = arith.constant 0 : i32
    %dma_start3A_195 = tpu.memref_slice %arg6[%dma_start3A_193, %dma_start3A_194] : memref<10000x64xf32, #tpu.memory_space<vmem_shared>> -> memref<10000x64xf32, #tpu.memory_space<vmem_shared>>
    tpu.enqueue_indirect_dma source(%dma_start3A_195 : memref<10000x64xf32, #tpu.memory_space<vmem_shared>>) target(%arg12 : memref<80x64xf32, #tpu.memory_space<vmem>>) offsets(%arg8 : memref<80xi32, #tpu.memory_space<vmem>>) semaphore(%arg19 : memref<!tpu.dma_semaphore, #tpu.memory_space<semaphore_mem>>)
    %dma_wait3A_196 = arith.constant 0 : i32
    %dma_wait3A_197 = arith.constant 0 : i32
    %dma_wait3A_198 = tpu.memref_slice %arg5[%dma_wait3A_196, %dma_wait3A_197] : memref<10000x64xf32, #tpu.memory_space<vmem_shared>> -> memref<10000x64xf32, #tpu.memory_space<vmem_shared>>
    tpu.wait_indirect_dma semaphore(%arg19 : memref<!tpu.dma_semaphore, #tpu.memory_space<semaphore_mem>>) src(%dma_wait3A_198 : memref<10000x64xf32, #tpu.memory_space<vmem_shared>>) dst(%arg11 : memref<80x64xf32, #tpu.memory_space<vmem>>)
    %dma_wait3A_199 = arith.constant 0 : i32
    %dma_wait3A_200 = arith.constant 0 : i32
    %dma_wait3A_201 = tpu.memref_slice %arg6[%dma_wait3A_199, %dma_wait3A_200] : memref<10000x64xf32, #tpu.memory_space<vmem_shared>> -> memref<10000x64xf32, #tpu.memory_space<vmem_shared>>
    tpu.wait_indirect_dma semaphore(%arg19 : memref<!tpu.dma_semaphore, #tpu.memory_space<semaphore_mem>>) src(%dma_wait3A_201 : memref<10000x64xf32, #tpu.memory_space<vmem_shared>>) dst(%arg12 : memref<80x64xf32, #tpu.memory_space<vmem>>)
    %parallel_loop3A = arith.constant 0 : i32
    %parallel_loop3A_202 = arith.constant 40 : i32
    %parallel_loop3A_203 = arith.constant 1 : i32
    scf.for %parallel_loop3A_213 = %parallel_loop3A to %parallel_loop3A_202 step %parallel_loop3A_203  : i32 {
      %parallel_loop3A_214 = arith.constant 128 : i32
      %parallel_loop3A_215 = arith.muli %parallel_loop3A_213, %parallel_loop3A_214 : i32
      %parallel_loop3A_216 = arith.index_cast %parallel_loop3A_213 : i32 to index
      %parallel_loop3A_217 = arith.constant 0 : index
      %parallel_loop3A_218 = tpu.vector_load %arg11[%parallel_loop3A_216, %parallel_loop3A_217] {strides = array<i32>} : memref<80x64xf32, #tpu.memory_space<vmem>>, vector<1x16xf32>,
      %parallel_loop3A_219 = vector.shape_cast %parallel_loop3A_218 : vector<1x16xf32> to vector<16xf32>
      %parallel_loop3A_220 = arith.index_cast %parallel_loop3A_213 : i32 to index
      %parallel_loop3A_221 = arith.constant 0 : index
      %parallel_loop3A_222 = tpu.vector_load %arg12[%parallel_loop3A_220, %parallel_loop3A_221] {strides = array<i32>} : memref<80x64xf32, #tpu.memory_space<vmem>>, vector<1x16xf32>,
      %parallel_loop3A_223 = vector.shape_cast %parallel_loop3A_222 : vector<1x16xf32> to vector<16xf32>
      %parallel_loop3A_224 = arith.addf %parallel_loop3A_219, %parallel_loop3A_223 : vector<16xf32>
      %parallel_loop3A_225 = arith.constant 0 : i32
      %parallel_loop3A_226 = arith.addi %parallel_loop3A_215, %parallel_loop3A_225 : i32
      %parallel_loop3A_227 = arith.index_cast %parallel_loop3A_226 : i32 to index
      %parallel_loop3A_228 = tpu.vector_load %arg15[%parallel_loop3A_227] {strides = array<i32>} : memref<5120xf32, #tpu.memory_space<vmem>>, vector<16xf32>,
      %parallel_loop3A_229 = vector.shape_cast %parallel_loop3A_228 : vector<16xf32> to vector<16xf32>
      %parallel_loop3A_230 = vector.shape_cast %parallel_loop3A_224 : vector<16xf32> to vector<16xf32>
      tpu.vector_store %arg15[%parallel_loop3A_227], %parallel_loop3A_230 {strides = array<i32>} : memref<5120xf32, #tpu.memory_space<vmem>>, vector<16xf32>,
      %parallel_loop3A_231 = arith.constant 40 : i32
      %parallel_loop3A_232 = arith.addi %parallel_loop3A_231, %parallel_loop3A_213 : i32
      %parallel_loop3A_233 = arith.index_cast %parallel_loop3A_232 : i32 to index
      %parallel_loop3A_234 = arith.constant 0 : index
      %parallel_loop3A_235 = tpu.vector_load %arg11[%parallel_loop3A_233, %parallel_loop3A_234] {strides = array<i32>} : memref<80x64xf32, #tpu.memory_space<vmem>>, vector<1x16xf32>,
      %parallel_loop3A_236 = vector.shape_cast %parallel_loop3A_235 : vector<1x16xf32> to vector<16xf32>
      %parallel_loop3A_237 = arith.constant 40 : i32
      %parallel_loop3A_238 = arith.addi %parallel_loop3A_237, %parallel_loop3A_213 : i32
      %parallel_loop3A_239 = arith.index_cast %parallel_loop3A_238 : i32 to index
      %parallel_loop3A_240 = arith.constant 0 : index
      %parallel_loop3A_241 = tpu.vector_load %arg12[%parallel_loop3A_239, %parallel_loop3A_240] {strides = array<i32>} : memref<80x64xf32, #tpu.memory_space<vmem>>, vector<1x16xf32>,
      %parallel_loop3A_242 = vector.shape_cast %parallel_loop3A_241 : vector<1x16xf32> to vector<16xf32>
      %parallel_loop3A_243 = arith.addf %parallel_loop3A_236, %parallel_loop3A_242 : vector<16xf32>
      %parallel_loop3A_244 = arith.constant 64 : i32
      %parallel_loop3A_245 = arith.addi %parallel_loop3A_215, %parallel_loop3A_244 : i32
      %parallel_loop3A_246 = arith.constant 0 : i32
      %parallel_loop3A_247 = arith.addi %parallel_loop3A_245, %parallel_loop3A_246 : i32
      %parallel_loop3A_248 = arith.index_cast %parallel_loop3A_247 : i32 to index
      %parallel_loop3A_249 = tpu.vector_load %arg15[%parallel_loop3A_248] {strides = array<i32>} : memref<5120xf32, #tpu.memory_space<vmem>>, vector<16xf32>,
      %parallel_loop3A_250 = vector.shape_cast %parallel_loop3A_249 : vector<16xf32> to vector<16xf32>
      %parallel_loop3A_251 = vector.shape_cast %parallel_loop3A_243 : vector<16xf32> to vector<16xf32>
      tpu.vector_store %arg15[%parallel_loop3A_248], %parallel_loop3A_251 {strides = array<i32>} : memref<5120xf32, #tpu.memory_space<vmem>>, vector<16xf32>,
      %parallel_loop3A_252 = arith.index_cast %parallel_loop3A_213 : i32 to index
      %parallel_loop3A_253 = arith.constant 16 : index
      %parallel_loop3A_254 = tpu.vector_load %arg11[%parallel_loop3A_252, %parallel_loop3A_253] {strides = array<i32>} : memref<80x64xf32, #tpu.memory_space<vmem>>, vector<1x16xf32>,
      %parallel_loop3A_255 = vector.shape_cast %parallel_loop3A_254 : vector<1x16xf32> to vector<16xf32>
      %parallel_loop3A_256 = arith.index_cast %parallel_loop3A_213 : i32 to index
      %parallel_loop3A_257 = arith.constant 16 : index
      %parallel_loop3A_258 = tpu.vector_load %arg12[%parallel_loop3A_256, %parallel_loop3A_257] {strides = array<i32>} : memref<80x64xf32, #tpu.memory_space<vmem>>, vector<1x16xf32>,
      %parallel_loop3A_259 = vector.shape_cast %parallel_loop3A_258 : vector<1x16xf32> to vector<16xf32>
      %parallel_loop3A_260 = arith.addf %parallel_loop3A_255, %parallel_loop3A_259 : vector<16xf32>
      %parallel_loop3A_261 = arith.constant 16 : i32
      %parallel_loop3A_262 = arith.addi %parallel_loop3A_215, %parallel_loop3A_261 : i32
      %parallel_loop3A_263 = arith.index_cast %parallel_loop3A_262 : i32 to index
      %parallel_loop3A_264 = tpu.vector_load %arg15[%parallel_loop3A_263] {strides = array<i32>} : memref<5120xf32, #tpu.memory_space<vmem>>, vector<16xf32>,
      %parallel_loop3A_265 = vector.shape_cast %parallel_loop3A_264 : vector<16xf32> to vector<16xf32>
      %parallel_loop3A_266 = vector.shape_cast %parallel_loop3A_260 : vector<16xf32> to vector<16xf32>
      tpu.vector_store %arg15[%parallel_loop3A_263], %parallel_loop3A_266 {strides = array<i32>} : memref<5120xf32, #tpu.memory_space<vmem>>, vector<16xf32>,
      %parallel_loop3A_267 = arith.constant 40 : i32
      %parallel_loop3A_268 = arith.addi %parallel_loop3A_267, %parallel_loop3A_213 : i32
      %parallel_loop3A_269 = arith.index_cast %parallel_loop3A_268 : i32 to index
      %parallel_loop3A_270 = arith.constant 16 : index
      %parallel_loop3A_271 = tpu.vector_load %arg11[%parallel_loop3A_269, %parallel_loop3A_270] {strides = array<i32>} : memref<80x64xf32, #tpu.memory_space<vmem>>, vector<1x16xf32>,
      %parallel_loop3A_272 = vector.shape_cast %parallel_loop3A_271 : vector<1x16xf32> to vector<16xf32>
      %parallel_loop3A_273 = arith.constant 40 : i32
      %parallel_loop3A_274 = arith.addi %parallel_loop3A_273, %parallel_loop3A_213 : i32
      %parallel_loop3A_275 = arith.index_cast %parallel_loop3A_274 : i32 to index
      %parallel_loop3A_276 = arith.constant 16 : index
      %parallel_loop3A_277 = tpu.vector_load %arg12[%parallel_loop3A_275, %parallel_loop3A_276] {strides = array<i32>} : memref<80x64xf32, #tpu.memory_space<vmem>>, vector<1x16xf32>,
      %parallel_loop3A_278 = vector.shape_cast %parallel_loop3A_277 : vector<1x16xf32> to vector<16xf32>
      %parallel_loop3A_279 = arith.addf %parallel_loop3A_272, %parallel_loop3A_278 : vector<16xf32>
      %parallel_loop3A_280 = arith.constant 64 : i32
      %parallel_loop3A_281 = arith.addi %parallel_loop3A_215, %parallel_loop3A_280 : i32
      %parallel_loop3A_282 = arith.constant 16 : i32
      %parallel_loop3A_283 = arith.addi %parallel_loop3A_281, %parallel_loop3A_282 : i32
      %parallel_loop3A_284 = arith.index_cast %parallel_loop3A_283 : i32 to index
      %parallel_loop3A_285 = tpu.vector_load %arg15[%parallel_loop3A_284] {strides = array<i32>} : memref<5120xf32, #tpu.memory_space<vmem>>, vector<16xf32>,
      %parallel_loop3A_286 = vector.shape_cast %parallel_loop3A_285 : vector<16xf32> to vector<16xf32>
      %parallel_loop3A_287 = vector.shape_cast %parallel_loop3A_279 : vector<16xf32> to vector<16xf32>
      tpu.vector_store %arg15[%parallel_loop3A_284], %parallel_loop3A_287 {strides = array<i32>} : memref<5120xf32, #tpu.memory_space<vmem>>, vector<16xf32>,
      %parallel_loop3A_288 = arith.index_cast %parallel_loop3A_213 : i32 to index
      %parallel_loop3A_289 = arith.constant 32 : index
      %parallel_loop3A_290 = tpu.vector_load %arg11[%parallel_loop3A_288, %parallel_loop3A_289] {strides = array<i32>} : memref<80x64xf32, #tpu.memory_space<vmem>>, vector<1x16xf32>,
      %parallel_loop3A_291 = vector.shape_cast %parallel_loop3A_290 : vector<1x16xf32> to vector<16xf32>
      %parallel_loop3A_292 = arith.index_cast %parallel_loop3A_213 : i32 to index
      %parallel_loop3A_293 = arith.constant 32 : index
      %parallel_loop3A_294 = tpu.vector_load %arg12[%parallel_loop3A_292, %parallel_loop3A_293] {strides = array<i32>} : memref<80x64xf32, #tpu.memory_space<vmem>>, vector<1x16xf32>,
      %parallel_loop3A_295 = vector.shape_cast %parallel_loop3A_294 : vector<1x16xf32> to vector<16xf32>
      %parallel_loop3A_296 = arith.addf %parallel_loop3A_291, %parallel_loop3A_295 : vector<16xf32>
      %parallel_loop3A_297 = arith.constant 32 : i32
      %parallel_loop3A_298 = arith.addi %parallel_loop3A_215, %parallel_loop3A_297 : i32
      %parallel_loop3A_299 = arith.index_cast %parallel_loop3A_298 : i32 to index
      %parallel_loop3A_300 = tpu.vector_load %arg15[%parallel_loop3A_299] {strides = array<i32>} : memref<5120xf32, #tpu.memory_space<vmem>>, vector<16xf32>,
      %parallel_loop3A_301 = vector.shape_cast %parallel_loop3A_300 : vector<16xf32> to vector<16xf32>
      %parallel_loop3A_302 = vector.shape_cast %parallel_loop3A_296 : vector<16xf32> to vector<16xf32>
      tpu.vector_store %arg15[%parallel_loop3A_299], %parallel_loop3A_302 {strides = array<i32>} : memref<5120xf32, #tpu.memory_space<vmem>>, vector<16xf32>,
      %parallel_loop3A_303 = arith.constant 40 : i32
      %parallel_loop3A_304 = arith.addi %parallel_loop3A_303, %parallel_loop3A_213 : i32
      %parallel_loop3A_305 = arith.index_cast %parallel_loop3A_304 : i32 to index
      %parallel_loop3A_306 = arith.constant 32 : index
      %parallel_loop3A_307 = tpu.vector_load %arg11[%parallel_loop3A_305, %parallel_loop3A_306] {strides = array<i32>} : memref<80x64xf32, #tpu.memory_space<vmem>>, vector<1x16xf32>,
      %parallel_loop3A_308 = vector.shape_cast %parallel_loop3A_307 : vector<1x16xf32> to vector<16xf32>
      %parallel_loop3A_309 = arith.constant 40 : i32
      %parallel_loop3A_310 = arith.addi %parallel_loop3A_309, %parallel_loop3A_213 : i32
      %parallel_loop3A_311 = arith.index_cast %parallel_loop3A_310 : i32 to index
      %parallel_loop3A_312 = arith.constant 32 : index
      %parallel_loop3A_313 = tpu.vector_load %arg12[%parallel_loop3A_311, %parallel_loop3A_312] {strides = array<i32>} : memref<80x64xf32, #tpu.memory_space<vmem>>, vector<1x16xf32>,
      %parallel_loop3A_314 = vector.shape_cast %parallel_loop3A_313 : vector<1x16xf32> to vector<16xf32>
      %parallel_loop3A_315 = arith.addf %parallel_loop3A_308, %parallel_loop3A_314 : vector<16xf32>
      %parallel_loop3A_316 = arith.constant 64 : i32
      %parallel_loop3A_317 = arith.addi %parallel_loop3A_215, %parallel_loop3A_316 : i32
      %parallel_loop3A_318 = arith.constant 32 : i32
      %parallel_loop3A_319 = arith.addi %parallel_loop3A_317, %parallel_loop3A_318 : i32
      %parallel_loop3A_320 = arith.index_cast %parallel_loop3A_319 : i32 to index
      %parallel_loop3A_321 = tpu.vector_load %arg15[%parallel_loop3A_320] {strides = array<i32>} : memref<5120xf32, #tpu.memory_space<vmem>>, vector<16xf32>,
      %parallel_loop3A_322 = vector.shape_cast %parallel_loop3A_321 : vector<16xf32> to vector<16xf32>
      %parallel_loop3A_323 = vector.shape_cast %parallel_loop3A_315 : vector<16xf32> to vector<16xf32>
      tpu.vector_store %arg15[%parallel_loop3A_320], %parallel_loop3A_323 {strides = array<i32>} : memref<5120xf32, #tpu.memory_space<vmem>>, vector<16xf32>,
      %parallel_loop3A_324 = arith.index_cast %parallel_loop3A_213 : i32 to index
      %parallel_loop3A_325 = arith.constant 48 : index
      %parallel_loop3A_326 = tpu.vector_load %arg11[%parallel_loop3A_324, %parallel_loop3A_325] {strides = array<i32>} : memref<80x64xf32, #tpu.memory_space<vmem>>, vector<1x16xf32>,
      %parallel_loop3A_327 = vector.shape_cast %parallel_loop3A_326 : vector<1x16xf32> to vector<16xf32>
      %parallel_loop3A_328 = arith.index_cast %parallel_loop3A_213 : i32 to index
      %parallel_loop3A_329 = arith.constant 48 : index
      %parallel_loop3A_330 = tpu.vector_load %arg12[%parallel_loop3A_328, %parallel_loop3A_329] {strides = array<i32>} : memref<80x64xf32, #tpu.memory_space<vmem>>, vector<1x16xf32>,
      %parallel_loop3A_331 = vector.shape_cast %parallel_loop3A_330 : vector<1x16xf32> to vector<16xf32>
      %parallel_loop3A_332 = arith.addf %parallel_loop3A_327, %parallel_loop3A_331 : vector<16xf32>
      %parallel_loop3A_333 = arith.constant 48 : i32
      %parallel_loop3A_334 = arith.addi %parallel_loop3A_215, %parallel_loop3A_333 : i32
      %parallel_loop3A_335 = arith.index_cast %parallel_loop3A_334 : i32 to index
      %parallel_loop3A_336 = tpu.vector_load %arg15[%parallel_loop3A_335] {strides = array<i32>} : memref<5120xf32, #tpu.memory_space<vmem>>, vector<16xf32>,
      %parallel_loop3A_337 = vector.shape_cast %parallel_loop3A_336 : vector<16xf32> to vector<16xf32>
      %parallel_loop3A_338 = vector.shape_cast %parallel_loop3A_332 : vector<16xf32> to vector<16xf32>
      tpu.vector_store %arg15[%parallel_loop3A_335], %parallel_loop3A_338 {strides = array<i32>} : memref<5120xf32, #tpu.memory_space<vmem>>, vector<16xf32>,
      %parallel_loop3A_339 = arith.constant 40 : i32
      %parallel_loop3A_340 = arith.addi %parallel_loop3A_339, %parallel_loop3A_213 : i32
      %parallel_loop3A_341 = arith.index_cast %parallel_loop3A_340 : i32 to index
      %parallel_loop3A_342 = arith.constant 48 : index
      %parallel_loop3A_343 = tpu.vector_load %arg11[%parallel_loop3A_341, %parallel_loop3A_342] {strides = array<i32>} : memref<80x64xf32, #tpu.memory_space<vmem>>, vector<1x16xf32>,
      %parallel_loop3A_344 = vector.shape_cast %parallel_loop3A_343 : vector<1x16xf32> to vector<16xf32>
      %parallel_loop3A_345 = arith.constant 40 : i32
      %parallel_loop3A_346 = arith.addi %parallel_loop3A_345, %parallel_loop3A_213 : i32
      %parallel_loop3A_347 = arith.index_cast %parallel_loop3A_346 : i32 to index
      %parallel_loop3A_348 = arith.constant 48 : index
      %parallel_loop3A_349 = tpu.vector_load %arg12[%parallel_loop3A_347, %parallel_loop3A_348] {strides = array<i32>} : memref<80x64xf32, #tpu.memory_space<vmem>>, vector<1x16xf32>,
      %parallel_loop3A_350 = vector.shape_cast %parallel_loop3A_349 : vector<1x16xf32> to vector<16xf32>
      %parallel_loop3A_351 = arith.addf %parallel_loop3A_344, %parallel_loop3A_350 : vector<16xf32>
      %parallel_loop3A_352 = arith.constant 64 : i32
      %parallel_loop3A_353 = arith.addi %parallel_loop3A_215, %parallel_loop3A_352 : i32
      %parallel_loop3A_354 = arith.constant 48 : i32
      %parallel_loop3A_355 = arith.addi %parallel_loop3A_353, %parallel_loop3A_354 : i32
      %parallel_loop3A_356 = arith.index_cast %parallel_loop3A_355 : i32 to index
      %parallel_loop3A_357 = tpu.vector_load %arg15[%parallel_loop3A_356] {strides = array<i32>} : memref<5120xf32, #tpu.memory_space<vmem>>, vector<16xf32>,
      %parallel_loop3A_358 = vector.shape_cast %parallel_loop3A_357 : vector<16xf32> to vector<16xf32>
      %parallel_loop3A_359 = vector.shape_cast %parallel_loop3A_351 : vector<16xf32> to vector<16xf32>
      tpu.vector_store %arg15[%parallel_loop3A_356], %parallel_loop3A_359 {strides = array<i32>} : memref<5120xf32, #tpu.memory_space<vmem>>, vector<16xf32>,
    } {sc.loop_unroll_factor = 8 : i64, sc.parallel_access}
    %add3A_204 = arith.constant 158720 : i32
    %add3A_205 = arith.addi %add3A_204, %mul3A_2 : i32
    %mul3A_206 = arith.constant 128 : i32
    %mul3A_207 = arith.muli %add3A_205, %mul3A_206 : i32
    %multiple_of3A_208 = tpu.assume_multiple %mul3A_207, 8 : i32
    %dma_start3A_209 = tpu.memref_slice %arg4[%multiple_of3A_208] : memref<20480000xf32, #tpu.memory_space<hbm>> -> memref<5120xf32, #tpu.memory_space<hbm>>
    %dma_start3A_210 = tpu.memref_slice %arg4[%multiple_of3A_208] : memref<20480000xf32, #tpu.memory_space<hbm>> -> memref<5120xf32, #tpu.memory_space<hbm>>
    tpu.enqueue_dma source(%arg15 : memref<5120xf32, #tpu.memory_space<vmem>>) target(%dma_start3A_210 : memref<5120xf32, #tpu.memory_space<hbm>>) target_semaphore(%arg21 : memref<!tpu.dma_semaphore, #tpu.memory_space<semaphore_mem>>)
    %dma_wait3A_211 = tpu.memref_slice %arg4[%multiple_of3A_208] : memref<20480000xf32, #tpu.memory_space<hbm>> -> memref<5120xf32, #tpu.memory_space<hbm>>
    %dma_wait3A_212 = tpu.memref_slice %arg4[%multiple_of3A_208] : memref<20480000xf32, #tpu.memory_space<hbm>> -> memref<5120xf32, #tpu.memory_space<hbm>>
    tpu.wait_dma2 semaphore(%arg21 : memref<!tpu.dma_semaphore, #tpu.memory_space<semaphore_mem>>) src(%arg15 : memref<5120xf32, #tpu.memory_space<vmem>>) dst(%dma_wait3A_212 : memref<5120xf32, #tpu.memory_space<hbm>>)
    return
  }
}

module attributes {stable_mosaic.version = 14 : i64} {
  func.func @_node_proj_body(%arg0: memref<10000x128xf32, #tpu.memory_space<vmem>>, %arg1: memref<128x128xf32, #tpu.memory_space<vmem>>, %arg2: memref<1x128xf32, #tpu.memory_space<vmem>>, %arg3: memref<10000x128xf32, #tpu.memory_space<vmem>>) attributes {dimension_semantics = [], scalar_prefetch = 0 : i64, scratch_operands = 0 : i64, tpu.core_type = #tpu.core_type<tc>} {
    %get3A = arith.constant 0 : index
    %get3A_0 = arith.constant 0 : index
    %get3A_1 = vector.load %arg0[%get3A, %get3A_0] : memref<10000x128xf32, #tpu.memory_space<vmem>>, vector<10000x128xf32>
    %get3A_2 = arith.constant 0 : index
    %get3A_3 = arith.constant 0 : index
    %get3A_4 = vector.load %arg1[%get3A_2, %get3A_3] : memref<128x128xf32, #tpu.memory_space<vmem>>, vector<128x128xf32>
    %dot_general3A = arith.constant dense<0.000000e+00> : vector<10000x128xf32>
    %dot_general3A_5 = tpu.matmul %get3A_1, %get3A_4, %dot_general3A {dimension_numbers = #tpu.dot_dimension_numbers<[1], [0], [0], [1], [0, 0, 1, 1], [], []>, transpose_lhs_hint = false} : vector<10000x128xf32>, vector<128x128xf32>, vector<10000x128xf32> -> vector<10000x128xf32>
    %get3A_6 = arith.constant 0 : index
    %get3A_7 = arith.constant 0 : index
    %get3A_8 = vector.load %arg2[%get3A_6, %get3A_7] : memref<1x128xf32, #tpu.memory_space<vmem>>, vector<1x128xf32>
    %add3A = vector.broadcast %get3A_8 : vector<1x128xf32> to vector<10000x128xf32>
    %add3A_9 = arith.addf %dot_general3A_5, %add3A : vector<10000x128xf32>
    %swap3A = arith.constant 0 : index
    %swap3A_10 = arith.constant 0 : index
    %swap3A_11 = vector.load %arg3[%swap3A, %swap3A_10] : memref<10000x128xf32, #tpu.memory_space<vmem>>, vector<10000x128xf32>
    tpu.vector_store %arg3[%swap3A, %swap3A_10], %add3A_9 {strides = array<i32>} : memref<10000x128xf32, #tpu.memory_space<vmem>>, vector<10000x128xf32>,
    return
  }
}

module attributes {stable_mosaic.version = 14 : i64} {
  func.func @_edge_mlp_body(%arg0: i32, %arg1: memref<6400x128xf32, #tpu.memory_space<vmem>>, %arg2: memref<12800x128xf32, #tpu.memory_space<vmem>>, %arg3: memref<256x128xf32, #tpu.memory_space<vmem>>, %arg4: memref<1x128xf32, #tpu.memory_space<vmem>>, %arg5: memref<128x128xf32, #tpu.memory_space<vmem>>, %arg6: memref<1x128xf32, #tpu.memory_space<vmem>>, %arg7: memref<128x64xf32, #tpu.memory_space<vmem>>, %arg8: memref<64x1xf32, #tpu.memory_space<vmem>>, %arg9: memref<32x12800xf32, #tpu.memory_space<vmem>>) attributes {dimension_semantics = [#tpu.dimension_semantics<arbitrary>], iteration_bounds = array<i64: 25>, scalar_prefetch = 0 : i64, scratch_operands = 0 : i64, tpu.core_type = #tpu.core_type<tc>, window_params = [{transform_indices = @transform_0, window_bounds = array<i64: 6400, 128>}, {transform_indices = @transform_1, window_bounds = array<i64: 12800, 128>}, {pipeline_mode = #tpu.pipeline_mode<synchronous>, transform_indices = @transform_2, window_bounds = array<i64: 256, 128>}, {pipeline_mode = #tpu.pipeline_mode<synchronous>, transform_indices = @transform_3, window_bounds = array<i64: 1, 128>}, {pipeline_mode = #tpu.pipeline_mode<synchronous>, transform_indices = @transform_4, window_bounds = array<i64: 128, 128>}, {pipeline_mode = #tpu.pipeline_mode<synchronous>, transform_indices = @transform_5, window_bounds = array<i64: 1, 128>}, {pipeline_mode = #tpu.pipeline_mode<synchronous>, transform_indices = @transform_6, window_bounds = array<i64: 128, 64>}, {pipeline_mode = #tpu.pipeline_mode<synchronous>, transform_indices = @transform_7, window_bounds = array<i64: 64, 1>}, {transform_indices = @transform_8, window_bounds = array<i64: 32, 12800>}]} {
    %get3A = arith.constant 0 : index
    %get3A_0 = arith.constant 0 : index
    %get3A_1 = vector.load %arg2[%get3A, %get3A_0] : memref<12800x128xf32, #tpu.memory_space<vmem>>, vector<12800x128xf32>
    %slice3A = vector.extract_strided_slice %get3A_1 {offsets = [0, 0], sizes = [1280, 128], strides = [1, 1]} : vector<12800x128xf32> to vector<1280x128xf32>
    %slice3A_2 = vector.extract_strided_slice %get3A_1 {offsets = [1280, 0], sizes = [1280, 128], strides = [1, 1]} : vector<12800x128xf32> to vector<1280x128xf32>
    %concatenate3A = tpu.concatenate %slice3A, %slice3A_2 in 1 : vector<1280x128xf32>, vector<1280x128xf32> -> vector<1280x256xf32>
    %slice3A_3 = vector.extract_strided_slice %get3A_1 {offsets = [2560, 0], sizes = [1280, 128], strides = [1, 1]} : vector<12800x128xf32> to vector<1280x128xf32>
    %slice3A_4 = vector.extract_strided_slice %get3A_1 {offsets = [3840, 0], sizes = [1280, 128], strides = [1, 1]} : vector<12800x128xf32> to vector<1280x128xf32>
    %concatenate3A_5 = tpu.concatenate %slice3A_3, %slice3A_4 in 1 : vector<1280x128xf32>, vector<1280x128xf32> -> vector<1280x256xf32>
    %slice3A_6 = vector.extract_strided_slice %get3A_1 {offsets = [5120, 0], sizes = [1280, 128], strides = [1, 1]} : vector<12800x128xf32> to vector<1280x128xf32>
    %slice3A_7 = vector.extract_strided_slice %get3A_1 {offsets = [6400, 0], sizes = [1280, 128], strides = [1, 1]} : vector<12800x128xf32> to vector<1280x128xf32>
    %concatenate3A_8 = tpu.concatenate %slice3A_6, %slice3A_7 in 1 : vector<1280x128xf32>, vector<1280x128xf32> -> vector<1280x256xf32>
    %slice3A_9 = vector.extract_strided_slice %get3A_1 {offsets = [7680, 0], sizes = [1280, 128], strides = [1, 1]} : vector<12800x128xf32> to vector<1280x128xf32>
    %slice3A_10 = vector.extract_strided_slice %get3A_1 {offsets = [8960, 0], sizes = [1280, 128], strides = [1, 1]} : vector<12800x128xf32> to vector<1280x128xf32>
    %concatenate3A_11 = tpu.concatenate %slice3A_9, %slice3A_10 in 1 : vector<1280x128xf32>, vector<1280x128xf32> -> vector<1280x256xf32>
    %slice3A_12 = vector.extract_strided_slice %get3A_1 {offsets = [10240, 0], sizes = [1280, 128], strides = [1, 1]} : vector<12800x128xf32> to vector<1280x128xf32>
    %slice3A_13 = vector.extract_strided_slice %get3A_1 {offsets = [11520, 0], sizes = [1280, 128], strides = [1, 1]} : vector<12800x128xf32> to vector<1280x128xf32>
    %concatenate3A_14 = tpu.concatenate %slice3A_12, %slice3A_13 in 1 : vector<1280x128xf32>, vector<1280x128xf32> -> vector<1280x256xf32>
    %concatenate3A_15 = tpu.concatenate %concatenate3A, %concatenate3A_5, %concatenate3A_8, %concatenate3A_11, %concatenate3A_14 in 0 : vector<1280x256xf32>, vector<1280x256xf32>, vector<1280x256xf32>, vector<1280x256xf32>, vector<1280x256xf32> -> vector<6400x256xf32>
    %get3A_16 = arith.constant 0 : index
    %get3A_17 = arith.constant 0 : index
    %get3A_18 = vector.load %arg3[%get3A_16, %get3A_17] : memref<256x128xf32, #tpu.memory_space<vmem>>, vector<256x128xf32>
    %dot_general3A = arith.constant dense<0.000000e+00> : vector<6400x128xf32>
    %dot_general3A_19 = tpu.matmul %concatenate3A_15, %get3A_18, %dot_general3A {dimension_numbers = #tpu.dot_dimension_numbers<[1], [0], [0], [1], [0, 0, 1, 1], [], []>, transpose_lhs_hint = false} : vector<6400x256xf32>, vector<256x128xf32>, vector<6400x128xf32> -> vector<6400x128xf32>
    %get3A_20 = arith.constant 0 : index
    %get3A_21 = arith.constant 0 : index
    %get3A_22 = vector.load %arg1[%get3A_20, %get3A_21] : memref<6400x128xf32, #tpu.memory_space<vmem>>, vector<6400x128xf32>
    %add3A = arith.addf %get3A_22, %dot_general3A_19 : vector<6400x128xf32>
    %get3A_23 = arith.constant 0 : index
    %get3A_24 = arith.constant 0 : index
    %get3A_25 = vector.load %arg4[%get3A_23, %get3A_24] : memref<1x128xf32, #tpu.memory_space<vmem>>, vector<1x128xf32>
    %add3A_26 = vector.broadcast %get3A_25 : vector<1x128xf32> to vector<6400x128xf32>
    %add3A_27 = arith.addf %add3A, %add3A_26 : vector<6400x128xf32>
    %max3A = arith.constant 0.000000e+00 : f32
    %max3A_28 = vector.broadcast %max3A : f32 to vector<6400x128xf32>
    %max3A_29 = arith.maximumf %add3A_27, %max3A_28 : vector<6400x128xf32>
    %get3A_30 = arith.constant 0 : index
    %get3A_31 = arith.constant 0 : index
    %get3A_32 = vector.load %arg5[%get3A_30, %get3A_31] : memref<128x128xf32, #tpu.memory_space<vmem>>, vector<128x128xf32>
    %dot_general3A_33 = arith.constant dense<0.000000e+00> : vector<6400x128xf32>
    %dot_general3A_34 = tpu.matmul %max3A_29, %get3A_32, %dot_general3A_33 {dimension_numbers = #tpu.dot_dimension_numbers<[1], [0], [0], [1], [0, 0, 1, 1], [], []>, transpose_lhs_hint = false} : vector<6400x128xf32>, vector<128x128xf32>, vector<6400x128xf32> -> vector<6400x128xf32>
    %get3A_35 = arith.constant 0 : index
    %get3A_36 = arith.constant 0 : index
    %get3A_37 = vector.load %arg6[%get3A_35, %get3A_36] : memref<1x128xf32, #tpu.memory_space<vmem>>, vector<1x128xf32>
    %add3A_38 = vector.broadcast %get3A_37 : vector<1x128xf32> to vector<6400x128xf32>
    %add3A_39 = arith.addf %dot_general3A_34, %add3A_38 : vector<6400x128xf32>
    %max3A_40 = arith.constant 0.000000e+00 : f32
    %max3A_41 = vector.broadcast %max3A_40 : f32 to vector<6400x128xf32>
    %max3A_42 = arith.maximumf %add3A_39, %max3A_41 : vector<6400x128xf32>
    %get3A_43 = arith.constant 0 : index
    %get3A_44 = arith.constant 0 : index
    %get3A_45 = vector.load %arg7[%get3A_43, %get3A_44] : memref<128x64xf32, #tpu.memory_space<vmem>>, vector<128x64xf32>
    %dot_general3A_46 = arith.constant dense<0.000000e+00> : vector<64x6400xf32>
    %dot_general3A_47 = tpu.matmul %get3A_45, %max3A_42, %dot_general3A_46 {dimension_numbers = #tpu.dot_dimension_numbers<[0], [1], [1], [0], [0, 1, 1, 0], [], []>, transpose_lhs_hint = false} : vector<128x64xf32>, vector<6400x128xf32>, vector<64x6400xf32> -> vector<64x6400xf32>
    %get3A_48 = arith.constant 0 : index
    %get3A_49 = arith.constant 0 : index
    %get3A_50 = vector.load %arg8[%get3A_48, %get3A_49] : memref<64x1xf32, #tpu.memory_space<vmem>>, vector<64x1xf32>
    %add3A_51 = vector.broadcast %get3A_50 : vector<64x1xf32> to vector<64x6400xf32>
    %add3A_52 = arith.addf %dot_general3A_47, %add3A_51 : vector<64x6400xf32>
    %max3A_53 = arith.constant 0.000000e+00 : f32
    %max3A_54 = vector.broadcast %max3A_53 : f32 to vector<64x6400xf32>
    %max3A_55 = arith.maximumf %add3A_52, %max3A_54 : vector<64x6400xf32>
    %slice3A_56 = vector.extract_strided_slice %max3A_55 {offsets = [0, 0], sizes = [32, 1280], strides = [1, 1]} : vector<64x6400xf32> to vector<32x1280xf32>
    %swap3A = arith.constant 0 : index
    %swap3A_57 = arith.constant 0 : index
    %swap3A_58 = vector.load %arg9[%swap3A, %swap3A_57] : memref<32x12800xf32, #tpu.memory_space<vmem>>, vector<32x1280xf32>
    tpu.vector_store %arg9[%swap3A, %swap3A_57], %slice3A_56 {strides = array<i32>} : memref<32x12800xf32, #tpu.memory_space<vmem>>, vector<32x1280xf32>,
    %slice3A_59 = vector.extract_strided_slice %max3A_55 {offsets = [32, 0], sizes = [32, 1280], strides = [1, 1]} : vector<64x6400xf32> to vector<32x1280xf32>
    %swap3A_60 = arith.constant 0 : index
    %swap3A_61 = arith.constant 1280 : index
    %swap3A_62 = vector.load %arg9[%swap3A_60, %swap3A_61] : memref<32x12800xf32, #tpu.memory_space<vmem>>, vector<32x1280xf32>
    tpu.vector_store %arg9[%swap3A_60, %swap3A_61], %slice3A_59 {strides = array<i32>} : memref<32x12800xf32, #tpu.memory_space<vmem>>, vector<32x1280xf32>,
    %slice3A_63 = vector.extract_strided_slice %max3A_55 {offsets = [0, 1280], sizes = [32, 1280], strides = [1, 1]} : vector<64x6400xf32> to vector<32x1280xf32>
    %swap3A_64 = arith.constant 0 : index
    %swap3A_65 = arith.constant 2560 : index
    %swap3A_66 = vector.load %arg9[%swap3A_64, %swap3A_65] : memref<32x12800xf32, #tpu.memory_space<vmem>>, vector<32x1280xf32>
    tpu.vector_store %arg9[%swap3A_64, %swap3A_65], %slice3A_63 {strides = array<i32>} : memref<32x12800xf32, #tpu.memory_space<vmem>>, vector<32x1280xf32>,
    %slice3A_67 = vector.extract_strided_slice %max3A_55 {offsets = [32, 1280], sizes = [32, 1280], strides = [1, 1]} : vector<64x6400xf32> to vector<32x1280xf32>
    %swap3A_68 = arith.constant 0 : index
    %swap3A_69 = arith.constant 3840 : index
    %swap3A_70 = vector.load %arg9[%swap3A_68, %swap3A_69] : memref<32x12800xf32, #tpu.memory_space<vmem>>, vector<32x1280xf32>
    tpu.vector_store %arg9[%swap3A_68, %swap3A_69], %slice3A_67 {strides = array<i32>} : memref<32x12800xf32, #tpu.memory_space<vmem>>, vector<32x1280xf32>,
    %slice3A_71 = vector.extract_strided_slice %max3A_55 {offsets = [0, 2560], sizes = [32, 1280], strides = [1, 1]} : vector<64x6400xf32> to vector<32x1280xf32>
    %swap3A_72 = arith.constant 0 : index
    %swap3A_73 = arith.constant 5120 : index
    %swap3A_74 = vector.load %arg9[%swap3A_72, %swap3A_73] : memref<32x12800xf32, #tpu.memory_space<vmem>>, vector<32x1280xf32>
    tpu.vector_store %arg9[%swap3A_72, %swap3A_73], %slice3A_71 {strides = array<i32>} : memref<32x12800xf32, #tpu.memory_space<vmem>>, vector<32x1280xf32>,
    %slice3A_75 = vector.extract_strided_slice %max3A_55 {offsets = [32, 2560], sizes = [32, 1280], strides = [1, 1]} : vector<64x6400xf32> to vector<32x1280xf32>
    %swap3A_76 = arith.constant 0 : index
    %swap3A_77 = arith.constant 6400 : index
    %swap3A_78 = vector.load %arg9[%swap3A_76, %swap3A_77] : memref<32x12800xf32, #tpu.memory_space<vmem>>, vector<32x1280xf32>
    tpu.vector_store %arg9[%swap3A_76, %swap3A_77], %slice3A_75 {strides = array<i32>} : memref<32x12800xf32, #tpu.memory_space<vmem>>, vector<32x1280xf32>,
    %slice3A_79 = vector.extract_strided_slice %max3A_55 {offsets = [0, 3840], sizes = [32, 1280], strides = [1, 1]} : vector<64x6400xf32> to vector<32x1280xf32>
    %swap3A_80 = arith.constant 0 : index
    %swap3A_81 = arith.constant 7680 : index
    %swap3A_82 = vector.load %arg9[%swap3A_80, %swap3A_81] : memref<32x12800xf32, #tpu.memory_space<vmem>>, vector<32x1280xf32>
    tpu.vector_store %arg9[%swap3A_80, %swap3A_81], %slice3A_79 {strides = array<i32>} : memref<32x12800xf32, #tpu.memory_space<vmem>>, vector<32x1280xf32>,
    %slice3A_83 = vector.extract_strided_slice %max3A_55 {offsets = [32, 3840], sizes = [32, 1280], strides = [1, 1]} : vector<64x6400xf32> to vector<32x1280xf32>
    %swap3A_84 = arith.constant 0 : index
    %swap3A_85 = arith.constant 8960 : index
    %swap3A_86 = vector.load %arg9[%swap3A_84, %swap3A_85] : memref<32x12800xf32, #tpu.memory_space<vmem>>, vector<32x1280xf32>
    tpu.vector_store %arg9[%swap3A_84, %swap3A_85], %slice3A_83 {strides = array<i32>} : memref<32x12800xf32, #tpu.memory_space<vmem>>, vector<32x1280xf32>,
    %slice3A_87 = vector.extract_strided_slice %max3A_55 {offsets = [0, 5120], sizes = [32, 1280], strides = [1, 1]} : vector<64x6400xf32> to vector<32x1280xf32>
    %swap3A_88 = arith.constant 0 : index
    %swap3A_89 = arith.constant 10240 : index
    %swap3A_90 = vector.load %arg9[%swap3A_88, %swap3A_89] : memref<32x12800xf32, #tpu.memory_space<vmem>>, vector<32x1280xf32>
    tpu.vector_store %arg9[%swap3A_88, %swap3A_89], %slice3A_87 {strides = array<i32>} : memref<32x12800xf32, #tpu.memory_space<vmem>>, vector<32x1280xf32>,
    %slice3A_91 = vector.extract_strided_slice %max3A_55 {offsets = [32, 5120], sizes = [32, 1280], strides = [1, 1]} : vector<64x6400xf32> to vector<32x1280xf32>
    %swap3A_92 = arith.constant 0 : index
    %swap3A_93 = arith.constant 11520 : index
    %swap3A_94 = vector.load %arg9[%swap3A_92, %swap3A_93] : memref<32x12800xf32, #tpu.memory_space<vmem>>, vector<32x1280xf32>
    tpu.vector_store %arg9[%swap3A_92, %swap3A_93], %slice3A_91 {strides = array<i32>} : memref<32x12800xf32, #tpu.memory_space<vmem>>, vector<32x1280xf32>,
    return
  }
  func.func @transform_0(%arg0: i32) -> (i32, i32) {
    %c0_i32 = arith.constant 0 : i32
    %c0_i32_0 = arith.constant 0 : i32
    return %arg0, %c0_i32 : i32, i32
  }
  func.func @transform_1(%arg0: i32) -> (i32, i32) {
    %c0_i32 = arith.constant 0 : i32
    %c0_i32_0 = arith.constant 0 : i32
    return %arg0, %c0_i32 : i32, i32
  }
  func.func @transform_2(%arg0: i32) -> (i32, i32) {
    %c0_i32 = arith.constant 0 : i32
    %c0_i32_0 = arith.constant 0 : i32
    %c0_i32_1 = arith.constant 0 : i32
    return %c0_i32, %c0_i32_0 : i32, i32
  }
  func.func @transform_3(%arg0: i32) -> (i32, i32) {
    %c0_i32 = arith.constant 0 : i32
    %c0_i32_0 = arith.constant 0 : i32
    %c0_i32_1 = arith.constant 0 : i32
    return %c0_i32, %c0_i32_0 : i32, i32
  }
  func.func @transform_4(%arg0: i32) -> (i32, i32) {
    %c0_i32 = arith.constant 0 : i32
    %c0_i32_0 = arith.constant 0 : i32
    %c0_i32_1 = arith.constant 0 : i32
    return %c0_i32, %c0_i32_0 : i32, i32
  }
  func.func @transform_5(%arg0: i32) -> (i32, i32) {
    %c0_i32 = arith.constant 0 : i32
    %c0_i32_0 = arith.constant 0 : i32
    %c0_i32_1 = arith.constant 0 : i32
    return %c0_i32, %c0_i32_0 : i32, i32
  }
  func.func @transform_6(%arg0: i32) -> (i32, i32) {
    %c0_i32 = arith.constant 0 : i32
    %c0_i32_0 = arith.constant 0 : i32
    %c0_i32_1 = arith.constant 0 : i32
    return %c0_i32, %c0_i32_0 : i32, i32
  }
  func.func @transform_7(%arg0: i32) -> (i32, i32) {
    %c0_i32 = arith.constant 0 : i32
    %c0_i32_0 = arith.constant 0 : i32
    %c0_i32_1 = arith.constant 0 : i32
    return %c0_i32, %c0_i32_0 : i32, i32
  }
  func.func @transform_8(%arg0: i32) -> (i32, i32) {
    %c0_i32 = arith.constant 0 : i32
    %c0_i32_0 = arith.constant 0 : i32
    return %c0_i32, %arg0 : i32, i32
  }
}

</mosaic_0001>

<sc_bundles>
// kernel: kernel.5.cloned.1.call-start
scs
__scs_entry_jumppad:
0x0: {  	(pc) =	sbr.rel $0x88, $3  }
0x1: {  	(tag) =	ssettag $0x0;
	lr =	simm.s32 $0x1  }
0x2: {  	[smem:$0x3F94] =	sst lr;
	_ =	strace $0xD0000000  }
0x3: {  	_ = 	snop  }
0x4: {  	_ = 	snop  }
0x5: {  	_ = 	snop  }
0x6: {  	_ = 	snop  }
0x7: {  	_ = 	snop  }
__scs_overlays_trampoline_lowered:
0x8: {  	[smem:$0x3FA3] =	sst s0  }
0x9: {  	[smem:$0x3FA4] =	sst s1  }
0xa: {  	[smem:$0x3FA5] =	sst s2  }
0xb: {  	[smem:$0x3FA6] =	sst s3  }
0xc: {  	[smem:$0x3FA7] =	sst s4  }
0xd: {  	[smem:$0x3FA8] =	sst s5  }
0xe: {  	[smem:$0x3FA9] =	sst s6  }
0xf: {  	[smem:$0x3FAA] =	sst s7  }
0x10: {  	[smem:$0x3FAB] =	sst s8  }
0x11: {  	[smem:$0x3FAC] =	sst s9;
	s0 =	simm.s32 @!p0 $0x0  }
0x12: {  	s1 =	sld [smem:$0x3F92];
	s0 =	simm.s32 @p0 $0x1  }
0x13: {  	[smem:$0x3FAD] =	sst s0;
	s0 =	simm.s32 @!p1 $0x0  }
0x14: {  	s2 =	sld [smem:$0x3F91];
	s0 =	simm.s32 @p1 $0x1  }
0x15: {  	[smem:$0x3FAE] =	sst s0;
	s0 =	simm.s32 @!p2 $0x0  }
0x16: {  	s3 =	sld [smem:$0x3FDB];
	s0 =	simm.s32 @p2 $0x1  }
0x17: {  	s4 =	simm.s32 $0x1BF5;
	[smem:$0x3FB0] =	sst s0  }
0x18: {  	s0 =	sld [smem:$0x3F93];
	_ =	swait.ge [sflag:s4], $0x0  }
0x19: {  	s7 =	sld [smem:$0x3F94]  }
0x1a: {  	s8 =	sadd.s32 $0xFFFFE003, lr  }
0x1b: {  	s9 =	sadd.s32 $0xFFFFFEF7, lr;
	s5 =	simm.s32 $0xFFFFFFFF;
	p2 =	slt.u32 s8, $0xFFFFF086  }
0x1c: {  	p1 =	slt.u32 s9, $0xF7A;
	s5 =	simm.s32 @!p2 $0x0  }
0x1d: {  	s5 =	simm.s32 @p1 $0x1;
	p0 =	seq.s32 s7, s2  }
0x1e: {  	s7 =	smul.u32 @!p0 $0xF7A, s2;
	p2 =	seq.s32 @!p0 s5, $0x0  }
0x1f: {  	s9 =	smul.u32 $0xF7A, s1;
	s8 =	simm.s32 @!p0 $0x1BF5;
	p2 =	por !p2, p0  }
0x20: {  	[sflag:s8] =	ssyncset.s32 @!p0 $0xFFFFF086;
	s6 =	sadd.s32 @!p0 s3, s7;
	s7 =	simm.s32 @!p0 $0x108  }
0x21: {  	s3 =	sadd.s32 s3, s9;
	s6 =	sadd.s32 @!p0 $0x88, s6;
	s7 =	simm.s32 @p2 $0x1082  }
0x22: {  	[simem:s7], [sflag:s8] =	dma.local @!p0 [hbm:s6], $0xF7A  }
0x23: {  	s9 =	sor.u32 $0xD0000000, s2;
	s6 =	simm.s32 $0x108;
	_ =	swait.ge @!p0 [sflag:s8], $0x0  }
0x24: {  	s3 =	sadd.s32 $0x88, s3;
	s6 =	simm.s32 @!p1 $0x1082;
	[sflag:s4] =	ssyncset.s32 $0xFFFFF086  }
0x25: {  	[simem:s6], [sflag:s4] =	dma.local [hbm:s3], $0xF7A  }
0x26: {  	[smem:$0x3F94] =	sst s1;
	(tag) =	ssettag s2;
	_ =	strace s9  }
0x27: {  	s1 =	sld [smem:$0x3FA4]  }
0x28: {  	s2 =	sld [smem:$0x3FA5]  }
0x29: {  	s4 =	sld [smem:$0x3FA7]  }
0x2a: {  	p0 =	seq.s32 s5, $0x0;
	s5 =	sld [smem:$0x3FA8]  }
0x2b: {  	s6 =	sld [smem:$0x3FA9]  }
0x2c: {  	s7 =	sld [smem:$0x3FAA]  }
0x2d: {  	s3 =	simm.s32 $0x108;
	s8 =	sld [smem:$0x3FAB]  }
0x2e: {  	s3 =	simm.s32 @!p0 $0x1082;
	s9 =	sld [smem:$0x3FAC]  }
0x2f: {  	lr =	sadd.s32 s0, s3;
	s0 =	sld [smem:$0x3FA3]  }
0x30: {  	s3 =	sld [smem:$0x3FA6]  }
0x31: {  	[smem:$0x3FAF] =	sst s10  }
0x32: {  	s10 =	sld [smem:$0x3FAD];
	_ =	sdelay $0x3  }
0x33: {  	p0 =	seq.s32 s10, $0x1;
	s10 =	sld [smem:$0x3FAF];
	_ =	sdelay $0x3  }
0x34: {  	[smem:$0x3FAF] =	sst s10  }
0x35: {  	s10 =	sld [smem:$0x3FAE];
	_ =	sdelay $0x3  }
0x36: {  	p1 =	seq.s32 s10, $0x1;
	s10 =	sld [smem:$0x3FAF];
	_ =	sdelay $0x3  }
0x37: {  	[smem:$0x3FAF] =	sst s10  }
0x38: {  	s10 =	sld [smem:$0x3FB0]  }
0x39: {  	_ = 	snop;
	(pc) =	sbr.ind lr, $3  }
0x3a: {  	_ = 	snop  }
0x3b: {  	_ = 	snop  }
0x3c: {  	p2 =	seq.s32 s10, $0x1;
	s10 =	sld [smem:$0x3FAF]  }
0x3d: {  	_ =	shalt  }
0x3e: {  	_ =	shalt  }
0x3f: {  	_ =	shalt  }
0x40: {  	_ =	shalt  }
0x41: {  	_ =	shalt  }
0x42: {  	_ =	shalt  }
0x43: {  	_ =	shalt  }
0x44: {  	_ =	shalt  }
0x45: {  	_ =	shalt  }
0x46: {  	_ =	shalt  }
0x47: {  	_ =	shalt  }
0x48: {  	_ =	shalt  }
0x49: {  	_ =	shalt  }
0x4a: {  	_ =	shalt  }
0x4b: {  	_ =	shalt  }
0x4c: {  	_ =	shalt  }
0x4d: {  	_ =	shalt  }
0x4e: {  	_ =	shalt  }
0x4f: {  	_ =	shalt  }
0x50: {  	_ =	shalt  }
0x51: {  	_ =	shalt  }
0x52: {  	_ =	shalt  }
0x53: {  	_ =	shalt  }
0x54: {  	_ =	shalt  }
0x55: {  	_ =	shalt  }
0x56: {  	_ =	shalt  }
0x57: {  	_ =	shalt  }
0x58: {  	_ =	shalt  }
0x59: {  	_ =	shalt  }
0x5a: {  	_ =	shalt  }
0x5b: {  	_ =	shalt  }
0x5c: {  	_ =	shalt  }
0x5d: {  	_ =	shalt  }
0x5e: {  	_ =	shalt  }
0x5f: {  	_ =	shalt  }
0x60: {  	_ =	shalt  }
0x61: {  	_ =	shalt  }
0x62: {  	_ =	shalt  }
0x63: {  	_ =	shalt  }
0x64: {  	_ =	shalt  }
0x65: {  	_ =	shalt  }
0x66: {  	_ =	shalt  }
0x67: {  	_ =	shalt  }
0x68: {  	_ =	shalt  }
0x69: {  	_ =	shalt  }
0x6a: {  	_ =	shalt  }
0x6b: {  	_ =	shalt  }
0x6c: {  	_ =	shalt  }
0x6d: {  	_ =	shalt  }
0x6e: {  	_ =	shalt  }
0x6f: {  	_ =	shalt  }
0x70: {  	_ =	shalt  }
0x71: {  	_ =	shalt  }
0x72: {  	_ =	shalt  }
0x73: {  	_ =	shalt  }
0x74: {  	_ =	shalt  }
0x75: {  	_ =	shalt  }
0x76: {  	_ =	shalt  }
0x77: {  	_ =	shalt  }
0x78: {  	_ =	shalt  }
0x79: {  	_ =	shalt  }
0x7a: {  	_ =	shalt  }
0x7b: {  	_ =	shalt  }
0x7c: {  	_ =	shalt  }
0x7d: {  	_ =	shalt  }
0x7e: {  	_ =	shalt  }
0x7f: {  	_ =	shalt  }
0x80: {  	_ =	shalt  }
0x81: {  	_ =	shalt  }
0x82: {  	_ =	shalt  }
0x83: {  	_ =	shalt  }
0x84: {  	_ =	shalt  }
0x85: {  	_ =	shalt  }
0x86: {  	_ =	shalt  }
0x87: {  	_ =	shalt  }
.Lfunc_end0:
.L_simem_size_0:
called_computation_lowered:
.L_overlay_start_0:
0x88: {  	s2 =	sld [smem:$0x3FD9]  }
0x89: {  	s3 =	sld [smem:$0x3FFE];
	_ =	sdelay $0x1  }
0x8a: {  	s1 =	srdreg.scid  }
0x8b: {  	s0 =	sand.u32 $0x1, s1  }
0x8c: {  	s17 =	sshll.u32 s0, $0xA;
	s2 =	sadd.s32 s3, s2  }
0x8d: {  	s2 =	sadd.s32 s2, s17  }
0x8e: {  	[smem:$0x3FBB] =	sst s2  }
0x8f: {  	_ = 	snop  }
0x90: {  	s2 =	sld [smem:$0x3FD0];
	(tm) =	ssettm $0x1  }
0x91: {  	s18 =	sld [smem:$0x3FFB];
	_ =	sdelay $0x3  }
0x92: {  	_ =	strace s18  }
0x93: {  	s3 =	sld [smem:$0x3FFC];
	_ =	sdelay $0x3  }
0x94: {  	_ =	strace s3  }
0x95: {  	s3 =	sld [smem:$0x3FFD];
	_ =	sdelay $0x3  }
0x96: {  	_ =	strace s3  }
0x97: {  	_ =	strace $0x8FFFFFFF  }
0x98: {  	s19 =	sld [smem:$0x3FDB];
	_ =	sdelay $0x1  }
0x99: {  	s4 =	simm.s32 $_scs_section_size  }
0x9a: {  	s5 =	simm.s32 $_size__tile_overlayer_lowered;
	s6 =	simm.s32 $_tile_overlayer_lowered  }
0x9b: {  	s22 =	simm.s32 $0x1BFF;
	s21 =	sshll.u32 s6, $0x1;
	s3 =	sadd.s32 s4, s19  }
0x9c: {  	s7 =	simm.s32 $0x0;
	s20 =	sshll.u32 s5, $0x1;
	s5 =	sadd.s32 s21, s3  }
0x9d: {  	[timem:s7], [sflag:s22] =	dma.local [hbm:s5], s20  }
0x9e: {  	_ =	swait.ge [sflag:s22], s20  }
0x9f: {  	s4 =	ssub.s32 $0x0, s20;
	[sflag:s22] =	ssyncset.done $0x0  }
0xa0: {  	[sflag:s22] =	ssyncadd.s32 s4;
	_ =	sdelay $0x1  }
0xa1: {  	s23 =	simm.s32 $0x1B8B  }
0xa2: {  	_ =	swait.ge [sflag:s23], $0x1  }
0xa3: {  	[sflag:s23] =	ssyncset.done $0x0  }
0xa4: {  	s25 =	simm.s32 $0x1B8E;
	s24 =	sld [smem:$0x3FFE];
	[sflag:s23] =	ssyncadd.s32 $0xFFFFFFFF  }
0xa5: {  	s26 =	simm.s32 $execute0_lowered;
	[smem:$0x3FD2] =	sst s25  }
0xa6: {  	s5 =	sshll.u32 s26, $0x1;
	_ =	strace $0x80000046;
	[dreg:$0x1] =	wrdreg $0xFFFFFFFF  }
0xa7: {  	s28 =	simm.s32 $_size_execute0_lowered;
	s3 =	sadd.s32 s3, s5;
	[dreg:$0x0] =	wrdreg $0x0  }
0xa8: {  	s5 =	sshll.u32 s28, $0x1;
	[dreg:$0x2] =	wrdreg s3  }
0xa9: {  	[dreg:$0x3] =	wrdreg s5  }
0xaa: {  	[dreg:$0x4] =	wrdreg $0xC0  }
0xab: {  	_ =	task [dreg:s7], $0x5FFFF  }
0xac: {  	[dreg:$0x1] =	wrdreg $0xFFFFFFFF  }
0xad: {  	[dreg:$0x0] =	wrdreg $0x60  }
0xae: {  	[dreg:$0x2] =	wrdreg s2  }
0xaf: {  	[dreg:$0x3] =	wrdreg s24  }
0xb0: {  	[dreg:$0x4] =	wrdreg $0x0  }
0xb1: {  	[dreg:$0x5] =	wrdreg $0x9C400  }
0xb2: {  	[dreg:$0x6] =	wrdreg $0x9  }
0xb3: {  	_ =	task.clear_ibuf [dreg:s7], $0x7FFFF;
	_ =	strace $0x90000046  }
0xb4: {  	s29 =	simm.s32 $0x9;
	_ =	strace $0x80000048  }
0xb5: {  	_ =	swait.ge [sflag:s29], $0x1  }
0xb6: {  	[sflag:s29] =	ssyncadd.s32 $0xFFFFFFFF  }
0xb7: {  	_ =	strace $0x90000048  }
0xb8: {  	_ =	sfence  }
0xb9: {  	s30 =	sld [smem:$0x0];
	_ =	sdelay $0x2  }
0xba: {  	s31 =	sshll.u32 s1, $0xD;
	s1 =	sshrl.u32 s1, $0x2  }
0xbb: {  	s3 =	sand.u32 $0x4000, s31;
	s1 =	sadd.s32 s1, s30  }
0xbc: {  	s0 =	sor.u32 s3, s0;
	s1 =	sshll.u32 s1, $0x11  }
0xbd: {  	s0 =	sor.u32 s1, s0  }
0xbe: {  	s0 =	sadd.s32 $0x8F2B, s0  }
0xbf: {  	[sflag:s0] =	ssyncadd.remote.s32 $0x1  }
0xc0: {  	_ =	sfence.sel $0xFFFF  }
0xc1: {  	[dreg:$0x0] =	wrdreg $0xFFFFFFFF;
	(pc) =	sbr.abs _section_cstart, $3  }
0xc2: {  	[dreg:$0x1] =	wrdreg $0xFFFFFFFF  }
0xc3: {  	_ =	task.clear_ibuf [dreg:s7], $0x2FFFF;
	_ =	strace $0x9FFFFFFF  }
0xc4: {  	(tm) =	ssettm $0x7FFFFFFF  }
0xc5: {  	_ =	shalt  }
tec
execute0_lowered:
.L_overlay_start_1:
0x0: {  	(tag) =	ssettag $0x1  }
0x1: {  	s23 =	stileid.u32  }
0x2: {  	p0 =	sgt.s32 s23, $0x1  }
0x3: {  	p1 =	seq.s32 @p0 s23, $0x2  }
0x4: {  	p4 =	sgt.s32 s23, $0x5;
	p2 =	por !p1, !p0  }
0x5: {  	p3 =	seq.s32 @!p0 s23, $0x0;
	p6 =	por p1, !p0;
	s1 =	simm.s32 @!p2 $0x0  }
0x6: {  	s1 =	simm.s32 @p2 $0x1;
	p2 =	por !p3, p0;
	p0 =	por p3, p0  }
0x7: {  	p1 =	seq.s32 @p4 s23, $0x6;
	[smem:$0x7C3] =	sst s1;
	s1 =	simm.s32 @!p0 $0x0  }
0x8: {  	p5 =	por !p1, !p4;
	p1 =	por p1, !p4;
	s1 =	simm.s32 @p0 $0x1  }
0x9: {  	p0 =	seq.s32 @!p4 s23, $0x4;
	[smem:$0x7C5] =	sst s1;
	s1 =	simm.s32 @!p1 $0x0  }
0xa: {  	s1 =	simm.s32 @p1 $0x1;
	p1 =	por !p0, p4  }
0xb: {  	[smem:$0x7C7] =	sst s1;
	s1 =	simm.s32 @!p1 $0x0  }
0xc: {  	p0 =	por p0, p4;
	s1 =	simm.s32 @p1 $0x1  }
0xd: {  	p1 =	sgt.s32 s23, $0x9;
	[smem:$0x7C8] =	sst s1;
	s1 =	simm.s32 @!p0 $0x0  }
0xe: {  	s1 =	simm.s32 @p0 $0x1;
	p0 =	seq.s32 @p1 s23, $0xA  }
0xf: {  	s24 =	rddreg [dreg:$0x0];
	p3 =	por !p0, !p1  }
0x10: {  	[smem:$0x7C9] =	sst s1;
	s1 =	simm.s32 @!p3 $0x0  }
0x11: {  	s0 =	rddreg [dreg:$0x1];
	p0 =	por p0, !p1;
	s1 =	simm.s32 @p3 $0x1  }
0x12: {  	[smem:$0x7CA] =	sst s1;
	s1 =	simm.s32 @!p0 $0x0  }
0x13: {  	s2 =	rddreg [dreg:$0x2];
	s1 =	simm.s32 @p0 $0x1;
	p0 =	seq.s32 @!p1 s23, $0x8  }
0x14: {  	s4 =	rddreg [dreg:$0x3];
	s5 =	simm.s32 $0x0;
	p3 =	por !p0, p1  }
0x15: {  	s25 =	srdreg.scid;
	[smem:$0x7CB] =	sst s1;
	s1 =	simm.s32 @!p3 $0x0  }
0x16: {  	[smem:$0x7FF] =	sst s5;
	p0 =	por p0, p1;
	s1 =	simm.s32 @p3 $0x1  }
0x17: {  	p3 =	sgt.s32 s23, $0xD;
	[smem:$0x7CC] =	sst s1;
	s1 =	simm.s32 @!p0 $0x0  }
0x18: {  	s7 =	sshll.u32 s23, $0x1;
	s1 =	simm.s32 @p0 $0x1;
	p0 =	seq.s32 @p3 s23, $0xE  }
0x19: {  	[smem:$0x7CD] =	sst s1;
	p1 =	por !p0, !p3;
	s1 =	sand.u32 $0x1, s25  }
0x1a: {  	s6 =	sadd.s32 $0x1A00, s0;
	s3 =	simm.s32 @!p1 $0x0;
	s26 =	ssub.s32 $0x2, s1  }
0x1b: {  	s1 =	sor.u32 s1, s7;
	s7 =	sadd.s32 $0x15400, s0;
	s8 =	sshrl.u32 s26, $0x1  }
0x1c: {  	s3 =	simm.s32 @p1 $0x1;
	s30 =	ssub.s32 s26, s8;
	s8 =	smul.u32 $0x28, s1  }
0x1d: {  	[smem:$0x7CE] =	sst s3;
	s1 =	smul.u32 $0x1400, s1;
	s0 =	smax.u32 s30, $0x1  }
0x1e: {  	_ =	strace $0x80000047;
	[dreg:$0x8] =	wrdreg s0  }
0x1f: {  	s1 =	sshrl.u32 s1, $0x3;
	s25 =	sld [smem:$0x7CC]  }
0x20: {  	s26 =	sld [smem:$0x7CD];
	s1 =	sadd.s32 s7, s1  }
0x21: {  	s17 =	sadd.s32 $0x13800, s2;
	s30 =	sld [smem:$0x7CE];
	s1 =	sadd.s32 $0x26C000, s1  }
0x22: {  	s9 =	sadd.s32 $0x500, s8;
	s21 =	sshrl.u32 s8, $0x3;
	[dreg:$0x7] =	wrdreg s1  }
0x23: {  	s22 =	sshrl.u32 s9, $0x3;
	s21 =	sadd.s32 s6, s21;
	s1 =	sld [smem:$0x7C3]  }
0x24: {  	p4 =	seq.s32 @!p3 s23, $0xC;
	s22 =	sadd.s32 s6, s22;
	[dreg:$0x5] =	wrdreg s21  }
0x25: {  	p0 =	por p0, !p3;
	p1 =	por !p4, p3;
	[dreg:$0x6] =	wrdreg s22  }
0x26: {  	p3 =	por p4, p3;
	s22 =	sld [smem:$0x7CB];
	p4 =	seq.s32 s1, $0x1  }
0x27: {  	s0 =	sshrl.u32 @!p4 s17, $0x3;
	s17 =	sld [smem:$0x7C7]  }
0x28: {  	s18 =	sadd.s32 $0x13800, s4;
	[dreg:$0x9] =	wrdreg s0  }
0x29: {  	s15 =	sadd.s32 $0x1D400, s2;
	s0 =	sshrl.u32 @!p4 s18, $0x3;
	s18 =	sld [smem:$0x7C8]  }
0x2a: {  	[dreg:$0xa] =	wrdreg s0;
	s0 =	sshrl.u32 @!p6 s15, $0x3  }
0x2b: {  	s15 =	sadd.s32 $0x1D408, s24;
	[dreg:$0xb] =	wrdreg s0;
	s0 =	simm.s32 @!p6 $0x0  }
0x2c: {  	p4 =	seq.s32 s17, $0x1;
	[smem:$0x7E0] =	sst s15;
	s17 =	sadd.s32 $0x1AD08, s24  }
0x2d: {  	s0 =	simm.s32 @p6 $0x1;
	[smem:$0x7E2] =	sst s17  }
0x2e: {  	s16 =	sadd.s32 $0x1D400, s4;
	[smem:$0x7C4] =	sst s0  }
0x2f: {  	s15 =	sadd.s32 $0x7508, s24;
	s0 =	sshrl.u32 @!p6 s16, $0x3;
	s16 =	sld [smem:$0x7C5]  }
0x30: {  	[smem:$0x7F2] =	sst s15;
	s17 =	sadd.s32 $0x4E08, s24  }
0x31: {  	[smem:$0x7F4] =	sst s17  }
0x32: {  	s19 =	sadd.s32 $0x9C00, s2;
	[dreg:$0xc] =	wrdreg s0;
	p6 =	seq.s32 s16, $0x1  }
0x33: {  	s16 =	sadd.s32 $0x1AD00, s24;
	s0 =	sshrl.u32 @!p6 s19, $0x3;
	s19 =	sld [smem:$0x7C9]  }
0x34: {  	[smem:$0x7E1] =	sst s16  }
0x35: {  	s20 =	sadd.s32 $0x9C00, s4;
	[dreg:$0xd] =	wrdreg s0  }
0x36: {  	s16 =	sadd.s32 $0x4E00, s24;
	s0 =	sshrl.u32 @!p6 s20, $0x3;
	s20 =	sld [smem:$0x7CA]  }
0x37: {  	s11 =	sadd.s32 $0x3A800, s2;
	[smem:$0x7F3] =	sst s16  }
0x38: {  	[dreg:$0xe] =	wrdreg s0;
	s0 =	sshrl.u32 @!p5 s11, $0x3  }
0x39: {  	s11 =	sadd.s32 $0x22208, s24;
	[dreg:$0xf] =	wrdreg s0  }
0x3a: {  	s0 =	simm.s32 @!p5 $0x0;
	[smem:$0x7DC] =	sst s11;
	s11 =	sadd.s32 $0xC308, s24  }
0x3b: {  	s12 =	sadd.s32 $0x3A800, s4;
	s0 =	simm.s32 @p5 $0x1;
	[smem:$0x7EE] =	sst s11  }
0x3c: {  	[smem:$0x7C6] =	sst s0;
	s0 =	sshrl.u32 @!p5 s12, $0x3  }
0x3d: {  	s3 =	sadd.s32 $0x44400, s2;
	s12 =	sadd.s32 $0x1FB00, s24;
	[dreg:$0x10] =	wrdreg s0  }
0x3e: {  	s0 =	sshrl.u32 @!p4 s3, $0x3;
	[smem:$0x7DD] =	sst s12  }
0x3f: {  	s3 =	sadd.s32 $0x24908, s24;
	[dreg:$0x11] =	wrdreg s0  }
0x40: {  	s10 =	sadd.s32 $0x44400, s4;
	s12 =	sadd.s32 $0x9C00, s24;
	[smem:$0x7DA] =	sst s3  }
0x41: {  	s0 =	sshrl.u32 @!p4 s10, $0x3;
	[smem:$0x7EF] =	sst s12  }
0x42: {  	s10 =	sadd.s32 $0x22200, s24;
	[dreg:$0x12] =	wrdreg s0  }
0x43: {  	p4 =	seq.s32 s18, $0x1;
	s18 =	sadd.s32 $0x18600, s24;
	[smem:$0x7DB] =	sst s10  }
0x44: {  	s13 =	sadd.s32 $0x27000, s2;
	s3 =	sadd.s32 $0xEA08, s24;
	[smem:$0x7E3] =	sst s18  }
0x45: {  	s0 =	sshrl.u32 @!p4 s13, $0x3;
	[smem:$0x7EC] =	sst s3  }
0x46: {  	s13 =	sadd.s32 $0x1FB08, s24;
	[dreg:$0x13] =	wrdreg s0  }
0x47: {  	s29 =	simm.s32 $0x13880;
	s10 =	sadd.s32 $0xC300, s24;
	[smem:$0x7DE] =	sst s13  }
0x48: {  	s14 =	sadd.s32 $0x27000, s4;
	s18 =	sadd.s32 $0x2700, s24;
	[smem:$0x7ED] =	sst s10  }
0x49: {  	s31 =	simm.s32 $0x138D0;
	s0 =	sshrl.u32 @!p4 s14, $0x3;
	[smem:$0x7F5] =	sst s18  }
0x4a: {  	s28 =	sadd.s32 $0x2300, s8;
	s14 =	sadd.s32 $0x1D400, s24;
	[dreg:$0x14] =	wrdreg s0  }
0x4b: {  	p4 =	seq.s32 s19, $0x1;
	s19 =	sadd.s32 $0x18608, s24;
	[smem:$0x7DF] =	sst s14  }
0x4c: {  	s1 =	sadd.s32 $0x30C00, s4;
	s13 =	sadd.s32 $0x9C08, s24;
	[smem:$0x7E4] =	sst s19  }
0x4d: {  	s15 =	simm.s32 $0x13970;
	[smem:$0x7F0] =	sst s13;
	s14 =	sadd.s32 $0x7500, s24  }
0x4e: {  	s0 =	sadd.s32 $0x30C00, s2;
	s19 =	sadd.s32 $0x2708, s24;
	[smem:$0x7F1] =	sst s14  }
0x4f: {  	s17 =	simm.s32 $0x1;
	s0 =	sshrl.u32 @!p4 s0, $0x3;
	[smem:$0x7F6] =	sst s19  }
0x50: {  	[dreg:$0x15] =	wrdreg s0;
	s0 =	sshrl.u32 @!p4 s1, $0x3;
	p4 =	seq.s32 s20, $0x1  }
0x51: {  	s1 =	sadd.s32 $0x61800, s4;
	s20 =	sadd.s32 $0x15F00, s24;
	[dreg:$0x16] =	wrdreg s0  }
0x52: {  	s16 =	simm.s32 $0x139C0;
	s1 =	sshrl.u32 @!p4 s1, $0x3;
	[smem:$0x7E5] =	sst s20  }
0x53: {  	s0 =	sadd.s32 $0x61800, s2;
	s20 =	sadd.s32 $0x8, s24;
	[dreg:$0x18] =	wrdreg s1  }
0x54: {  	s0 =	sshrl.u32 @!p4 s0, $0x3;
	p4 =	seq.s32 s22, $0x1;
	[smem:$0x7F7] =	sst s20  }
0x55: {  	s22 =	sadd.s32 $0x15F08, s24;
	[dreg:$0x17] =	wrdreg s0;
	s0 =	sadd.s32 $0x6B400, s2  }
0x56: {  	s11 =	simm.s32 $0x2;
	[smem:$0x7E6] =	sst s22;
	s0 =	sshrl.u32 @!p4 s0, $0x3  }
0x57: {  	s22 =	sadd.s32 $0x9C40, s21;
	[dreg:$0x19] =	wrdreg s0;
	s0 =	sadd.s32 $0x6B400, s4  }
0x58: {  	s3 =	simm.s32 $0x0;
	[smem:$0x7F8] =	sst s22;
	s0 =	sshrl.u32 @!p4 s0, $0x3  }
0x59: {  	p4 =	seq.s32 s25, $0x1;
	s25 =	sadd.s32 $0x13808, s24;
	[dreg:$0x1a] =	wrdreg s0  }
0x5a: {  	s0 =	sadd.s32 $0x4E000, s2;
	[smem:$0x7E8] =	sst s25;
	s25 =	sadd.s32 $0x1E0, s21  }
0x5b: {  	s1 =	sadd.s32 $0x4E000, s4;
	s0 =	sshrl.u32 @!p4 s0, $0x3;
	[smem:$0x7FB] =	sst s25  }
0x5c: {  	[dreg:$0x1b] =	wrdreg s0;
	s0 =	sshrl.u32 @!p4 s1, $0x3;
	p4 =	seq.s32 s26, $0x1  }
0x5d: {  	s1 =	sadd.s32 $0x57C00, s4;
	[dreg:$0x1c] =	wrdreg s0;
	s0 =	sadd.s32 $0x57C00, s2  }
0x5e: {  	s26 =	sadd.s32 $0x11100, s24;
	s1 =	sshrl.u32 @!p4 s1, $0x3;
	s0 =	sshrl.u32 @!p4 s0, $0x3  }
0x5f: {  	p4 =	seq.s32 s30, $0x1;
	[dreg:$0x1d] =	wrdreg s0;
	s0 =	sadd.s32 $0x88800, s2  }
0x60: {  	s18 =	simm.s32 $0x3;
	[smem:$0x7E9] =	sst s26;
	s0 =	sshrl.u32 @!p4 s0, $0x3  }
0x61: {  	s14 =	simm.s32 $0x50;
	[dreg:$0x1f] =	wrdreg s0;
	s0 =	sadd.s32 $0x88800, s4  }
0x62: {  	s19 =	simm.s32 $0x189C0;
	[dreg:$0x1e] =	wrdreg s1;
	s0 =	sshrl.u32 @!p4 s0, $0x3  }
0x63: {  	s26 =	sadd.s32 $0x9D80, s21;
	[smem:$0x7CF] =	sst s0;
	s0 =	sadd.s32 $0x92400, s2  }
0x64: {  	s1 =	sadd.s32 $0x92400, s4;
	[smem:$0x7FC] =	sst s26;
	s0 =	sshrl.u32 @!p0 s0, $0x3  }
0x65: {  	s20 =	simm.s32 $0x4;
	[smem:$0x7D0] =	sst s0;
	s0 =	sshrl.u32 @!p0 s1, $0x3  }
0x66: {  	s30 =	sadd.s32 $0x11108, s24;
	[smem:$0x7D1] =	sst s0;
	s0 =	sadd.s32 $0x75000, s2  }
0x67: {  	s22 =	simm.s32 $0x5;
	[smem:$0x7EA] =	sst s30;
	s0 =	sshrl.u32 @!p1 s0, $0x3  }
0x68: {  	s30 =	sadd.s32 $0x9E20, s21;
	[smem:$0x7D2] =	sst s0;
	s0 =	sadd.s32 $0x7EC00, s2  }
0x69: {  	[smem:$0x7FD] =	sst s30;
	s1 =	sadd.s32 $0x75000, s4;
	s0 =	sshrl.u32 @!p3 s0, $0x3  }
0x6a: {  	s1 =	sshrl.u32 @!p1 s1, $0x3;
	[smem:$0x7D4] =	sst s0;
	s0 =	sadd.s32 $0x7EC00, s4  }
0x6b: {  	p4 =	sgt.s32 s23, $0x7;
	[smem:$0x7D3] =	sst s1;
	s0 =	sshrl.u32 @!p3 s0, $0x3  }
0x6c: {  	s1 =	sadd.s32 $0x24900, s24;
	[smem:$0x7D5] =	sst s0;
	s0 =	simm.s32 @!p4 $0x0  }
0x6d: {  	[smem:$0x7D9] =	sst s1;
	s0 =	simm.s32 @p4 $0x1;
	p4 =	sgt.s32 s23, $0x3  }
0x6e: {  	s1 =	sadd.s32 $0xEA00, s24;
	[smem:$0x7D6] =	sst s0;
	s0 =	simm.s32 @!p4 $0x0  }
0x6f: {  	s25 =	sadd.s32 $0x1900, s8;
	[smem:$0x7EB] =	sst s1;
	s0 =	simm.s32 @p4 $0x1  }
0x70: {  	p4 =	sgt.s32 s23, $0xB;
	s23 =	sadd.s32 $0x13800, s24;
	[smem:$0x7D7] =	sst s0  }
0x71: {  	s26 =	sadd.s32 $0x1E00, s8;
	s24 =	sadd.s32 $0x140, s21;
	[smem:$0x7E7] =	sst s23  }
0x72: {  	s0 =	simm.s32 @!p4 $0x0;
	s23 =	sadd.s32 $0x9CE0, s21;
	[smem:$0x7FA] =	sst s24  }
0x73: {  	s1 =	simm.s32 $0x14DC0;
	s0 =	simm.s32 @p4 $0x1;
	[smem:$0x7F9] =	sst s23  }
0x74: {  	s24 =	sadd.s32 $0x1400, s8;
	[smem:$0x7D8] =	sst s0;
	s0 =	simm.s32 $0x13920  }
.LBB2_1:
0x75: {  	s10 =	sld [smem:$0x7D6];
	_ =	sdelay $0x2  }
0x76: {  	p4 =	seq.s32 s10, $0x1  }
.Ltmp0:
0x77: {  	_ = 	snop;
	(pc) =	sbr.rel @p4 .LBB2_5-.Ltmp0, $2  }
0x78: {  	_ =	sdelay $0x2  }
0x79: {  	[smem:$0x7C2] =	sst s3  }
0x7a: {  	s3 =	sld [smem:$0x7D7];
	_ =	sdelay $0x2  }
0x7b: {  	p4 =	seq.s32 s3, $0x1  }
.Ltmp1:
0x7c: {  	_ = 	snop;
	(pc) =	sbr.rel @p4 .LBB2_4-.Ltmp1, $1  }
0x7d: {  	_ =	sdelay $0x3  }
0x7e: {  	s3 =	sld [smem:$0x7C3];
	_ =	sdelay $0x2  }
0x7f: {  	p4 =	seq.s32 s3, $0x1;
	s3 =	sld [smem:$0x7F3]  }
0x80: {  	s23 =	rddreg [dreg:$0x9];
	s10 =	simm.s32 @!p4 $0x1  }
0x81: {  	s12 =	simm.s32 @!p4 $0x8;
	s13 =	simm.s32 @!p4 $0x10;
	s21 =	simm.s32 @!p4 $0x1C86  }
0x82: {  	[spmem:s23@s12], [sflag:s21] =	dma.strided @!p4 [hbm:s3@s13], $0x1380, s10, $0x8   }
0x83: {  	s23 =	simm.s32 @!p4 $0x6  }
0x84: {  	_ =	swait.ge @!p4 [sflag:s23], $0x1380  }
0x85: {  	s3 =	sld [smem:$0x7F4]  }
0x86: {  	[sflag:s23] =	ssyncset.done @!p4 $0x0  }
0x87: {  	s30 =	rddreg [dreg:$0xa];
	[sflag:s23] =	ssyncadd.s32 @!p4 $0xFFFFEC80  }
0x88: {  	[spmem:s30@s12], [sflag:s21] =	dma.strided @!p4 [hbm:s3@s13], $0x1380, s10, $0x8   }
0x89: {  	_ =	swait.ge @!p4 [sflag:s23], $0x1380  }
0x8a: {  	s30 =	sld [smem:$0x7C4];
	_ =	sdelay $0x1  }
0x8b: {  	[sflag:s23] =	ssyncset.done @!p4 $0x0  }
0x8c: {  	s3 =	sld [smem:$0x7F1];
	[sflag:s23] =	ssyncadd.s32 @!p4 $0xFFFFEC80;
	p4 =	seq.s32 s30, $0x1  }
0x8d: {  	s23 =	rddreg [dreg:$0xb];
	s10 =	simm.s32 @!p4 $0x1  }
0x8e: {  	s12 =	simm.s32 @!p4 $0x8;
	s13 =	simm.s32 @!p4 $0x10;
	s21 =	simm.s32 @!p4 $0x1CC6  }
0x8f: {  	[spmem:s23@s12], [sflag:s21] =	dma.strided @!p4 [hbm:s3@s13], $0x1380, s10, $0x8   }
0x90: {  	s23 =	simm.s32 @!p4 $0x6  }
0x91: {  	_ =	swait.ge @!p4 [sflag:s23], $0x1380  }
0x92: {  	s3 =	sld [smem:$0x7F2]  }
0x93: {  	[sflag:s23] =	ssyncset.done @!p4 $0x0  }
0x94: {  	s30 =	rddreg [dreg:$0xc];
	[sflag:s23] =	ssyncadd.s32 @!p4 $0xFFFFEC80  }
0x95: {  	[spmem:s30@s12], [sflag:s21] =	dma.strided @!p4 [hbm:s3@s13], $0x1380, s10, $0x8   }
0x96: {  	_ =	swait.ge @!p4 [sflag:s23], $0x1380  }
0x97: {  	s10 =	sshrl.u32 @!p2 s2, $0x3;
	[sflag:s23] =	ssyncset.done @!p4 $0x0  }
0x98: {  	s12 =	simm.s32 @!p2 $0x1;
	s13 =	simm.s32 @!p2 $0x8;
	[sflag:s23] =	ssyncadd.s32 @!p4 $0xFFFFEC80  }
0x99: {  	s21 =	simm.s32 @!p2 $0x10;
	s23 =	simm.s32 @!p2 $0x1C06;
	s30 =	rddreg [dreg:$0x0]  }
0x9a: {  	[spmem:s10@s13], [sflag:s23] =	dma.strided @!p2 [hbm:s30@s21], $0x1380, s12, $0x8   }
0x9b: {  	s10 =	simm.s32 @!p2 $0x6  }
0x9c: {  	_ =	swait.ge @!p2 [sflag:s10], $0x1380  }
0x9d: {  	s3 =	sld [smem:$0x7F7]  }
0x9e: {  	[sflag:s10] =	ssyncset.done @!p2 $0x0  }
0x9f: {  	s30 =	sshrl.u32 @!p2 s4, $0x3;
	[sflag:s10] =	ssyncadd.s32 @!p2 $0xFFFFEC80  }
0xa0: {  	[spmem:s30@s13], [sflag:s23] =	dma.strided @!p2 [hbm:s3@s21], $0x1380, s12, $0x8   }
0xa1: {  	_ =	swait.ge @!p2 [sflag:s10], $0x1380  }
0xa2: {  	s12 =	simm.s32 @!p6 $0x8;
	s3 =	sld [smem:$0x7F5]  }
0xa3: {  	s13 =	simm.s32 @!p6 $0x10;
	s21 =	simm.s32 @!p6 $0x1C46;
	[sflag:s10] =	ssyncset.done @!p2 $0x0  }
0xa4: {  	s23 =	rddreg [dreg:$0xd];
	[sflag:s10] =	ssyncadd.s32 @!p2 $0xFFFFEC80;
	s10 =	simm.s32 @!p6 $0x1  }
0xa5: {  	[spmem:s23@s12], [sflag:s21] =	dma.strided @!p6 [hbm:s3@s13], $0x1380, s10, $0x8   }
0xa6: {  	s23 =	simm.s32 @!p6 $0x6  }
0xa7: {  	_ =	swait.ge @!p6 [sflag:s23], $0x1380  }
0xa8: {  	s3 =	sld [smem:$0x7F6]  }
0xa9: {  	[sflag:s23] =	ssyncset.done @!p6 $0x0  }
.Ltmp2:
0xaa: {  	s30 =	rddreg [dreg:$0xe];
	[sflag:s23] =	ssyncadd.s32 @!p6 $0xFFFFEC80;
	(pc) =	sbr.rel .LBB2_8-.Ltmp2, $4  }
0xab: {  	[spmem:s30@s12], [sflag:s21] =	dma.strided @!p6 [hbm:s3@s13], $0x1380, s10, $0x8   }
0xac: {  	_ =	swait.ge @!p6 [sflag:s23], $0x1380  }
0xad: {  	[sflag:s23] =	ssyncset.done @!p6 $0x0  }
0xae: {  	[sflag:s23] =	ssyncadd.s32 @!p6 $0xFFFFEC80  }
.LBB2_5:
0xaf: {  	s3 =	sld [smem:$0x7D8];
	_ =	sdelay $0x2  }
0xb0: {  	p4 =	seq.s32 s3, $0x1  }
.Ltmp3:
0xb1: {  	_ = 	snop;
	(pc) =	sbr.rel @p4 .LBB2_7-.Ltmp3, $1  }
0xb2: {  	_ =	sdelay $0x3  }
0xb3: {  	s3 =	sld [smem:$0x7CA];
	_ =	sdelay $0x2  }
0xb4: {  	p4 =	seq.s32 s3, $0x1;
	s3 =	sld [smem:$0x7E3]  }
0xb5: {  	s23 =	rddreg [dreg:$0x17];
	s10 =	simm.s32 @!p4 $0x1  }
0xb6: {  	s12 =	simm.s32 @!p4 $0x8;
	s13 =	simm.s32 @!p4 $0x10;
	s21 =	simm.s32 @!p4 $0x1E86  }
0xb7: {  	[spmem:s23@s12], [sflag:s21] =	dma.strided @!p4 [hbm:s3@s13], $0x1380, s10, $0x8   }
0xb8: {  	s23 =	simm.s32 @!p4 $0x6  }
0xb9: {  	_ =	swait.ge @!p4 [sflag:s23], $0x1380  }
0xba: {  	s3 =	sld [smem:$0x7E4]  }
0xbb: {  	[sflag:s23] =	ssyncset.done @!p4 $0x0  }
0xbc: {  	s30 =	rddreg [dreg:$0x18];
	[sflag:s23] =	ssyncadd.s32 @!p4 $0xFFFFEC80  }
0xbd: {  	[spmem:s30@s12], [sflag:s21] =	dma.strided @!p4 [hbm:s3@s13], $0x1380, s10, $0x8   }
0xbe: {  	_ =	swait.ge @!p4 [sflag:s23], $0x1380  }
0xbf: {  	s21 =	sld [smem:$0x7CB];
	_ =	sdelay $0x1  }
0xc0: {  	[sflag:s23] =	ssyncset.done @!p4 $0x0  }
0xc1: {  	s3 =	sld [smem:$0x7E1];
	[sflag:s23] =	ssyncadd.s32 @!p4 $0xFFFFEC80;
	p4 =	seq.s32 s21, $0x1  }
0xc2: {  	s23 =	rddreg [dreg:$0x19];
	s10 =	simm.s32 @!p4 $0x1  }
0xc3: {  	s12 =	simm.s32 @!p4 $0x8;
	s13 =	simm.s32 @!p4 $0x10;
	s21 =	simm.s32 @!p4 $0x1EC6  }
0xc4: {  	[spmem:s23@s12], [sflag:s21] =	dma.strided @!p4 [hbm:s3@s13], $0x1380, s10, $0x8   }
0xc5: {  	s23 =	simm.s32 @!p4 $0x6  }
0xc6: {  	_ =	swait.ge @!p4 [sflag:s23], $0x1380  }
0xc7: {  	s3 =	sld [smem:$0x7E2]  }
0xc8: {  	[sflag:s23] =	ssyncset.done @!p4 $0x0  }
0xc9: {  	s30 =	rddreg [dreg:$0x1a];
	[sflag:s23] =	ssyncadd.s32 @!p4 $0xFFFFEC80  }
0xca: {  	[spmem:s30@s12], [sflag:s21] =	dma.strided @!p4 [hbm:s3@s13], $0x1380, s10, $0x8   }
0xcb: {  	_ =	swait.ge @!p4 [sflag:s23], $0x1380  }
0xcc: {  	[sflag:s23] =	ssyncset.done @!p4 $0x0  }
0xcd: {  	[sflag:s23] =	ssyncadd.s32 @!p4 $0xFFFFEC80;
	s23 =	sld [smem:$0x7CC];
	_ =	sdelay $0x2  }
0xce: {  	s3 =	sld [smem:$0x7E7];
	p4 =	seq.s32 s23, $0x1  }
0xcf: {  	s23 =	rddreg [dreg:$0x1b];
	s10 =	simm.s32 @!p4 $0x1  }
0xd0: {  	s12 =	simm.s32 @!p4 $0x8;
	s13 =	simm.s32 @!p4 $0x10;
	s21 =	simm.s32 @!p4 $0x1E06  }
0xd1: {  	[spmem:s23@s12], [sflag:s21] =	dma.strided @!p4 [hbm:s3@s13], $0x1380, s10, $0x8   }
0xd2: {  	s23 =	simm.s32 @!p4 $0x6  }
0xd3: {  	_ =	swait.ge @!p4 [sflag:s23], $0x1380  }
0xd4: {  	s3 =	sld [smem:$0x7E8]  }
0xd5: {  	[sflag:s23] =	ssyncset.done @!p4 $0x0  }
0xd6: {  	s30 =	rddreg [dreg:$0x1c];
	[sflag:s23] =	ssyncadd.s32 @!p4 $0xFFFFEC80  }
0xd7: {  	[spmem:s30@s12], [sflag:s21] =	dma.strided @!p4 [hbm:s3@s13], $0x1380, s10, $0x8   }
0xd8: {  	_ =	swait.ge @!p4 [sflag:s23], $0x1380  }
0xd9: {  	s30 =	sld [smem:$0x7CD];
	_ =	sdelay $0x1  }
0xda: {  	[sflag:s23] =	ssyncset.done @!p4 $0x0  }
0xdb: {  	s3 =	sld [smem:$0x7E5];
	[sflag:s23] =	ssyncadd.s32 @!p4 $0xFFFFEC80;
	p4 =	seq.s32 s30, $0x1  }
0xdc: {  	s23 =	rddreg [dreg:$0x1d];
	s10 =	simm.s32 @!p4 $0x1  }
0xdd: {  	s12 =	simm.s32 @!p4 $0x8;
	s13 =	simm.s32 @!p4 $0x10;
	s21 =	simm.s32 @!p4 $0x1E46  }
0xde: {  	[spmem:s23@s12], [sflag:s21] =	dma.strided @!p4 [hbm:s3@s13], $0x1380, s10, $0x8   }
0xdf: {  	s23 =	simm.s32 @!p4 $0x6  }
0xe0: {  	_ =	swait.ge @!p4 [sflag:s23], $0x1380  }
0xe1: {  	s3 =	sld [smem:$0x7E6]  }
0xe2: {  	[sflag:s23] =	ssyncset.done @!p4 $0x0  }
.Ltmp4:
0xe3: {  	s30 =	rddreg [dreg:$0x1e];
	[sflag:s23] =	ssyncadd.s32 @!p4 $0xFFFFEC80;
	(pc) =	sbr.rel .LBB2_8-.Ltmp4, $4  }
0xe4: {  	[spmem:s30@s12], [sflag:s21] =	dma.strided @!p4 [hbm:s3@s13], $0x1380, s10, $0x8   }
0xe5: {  	_ =	swait.ge @!p4 [sflag:s23], $0x1380  }
0xe6: {  	[sflag:s23] =	ssyncset.done @!p4 $0x0  }
0xe7: {  	[sflag:s23] =	ssyncadd.s32 @!p4 $0xFFFFEC80  }
.LBB2_4:
0xe8: {  	s3 =	sld [smem:$0x7C6];
	_ =	sdelay $0x2  }
0xe9: {  	p4 =	seq.s32 s3, $0x1;
	s3 =	sld [smem:$0x7EB]  }
0xea: {  	s23 =	rddreg [dreg:$0xf];
	s10 =	simm.s32 @!p4 $0x1  }
0xeb: {  	s12 =	simm.s32 @!p4 $0x8;
	s13 =	simm.s32 @!p4 $0x10;
	s21 =	simm.s32 @!p4 $0x1D86  }
0xec: {  	[spmem:s23@s12], [sflag:s21] =	dma.strided @!p4 [hbm:s3@s13], $0x1380, s10, $0x8   }
0xed: {  	s23 =	simm.s32 @!p4 $0x6  }
0xee: {  	_ =	swait.ge @!p4 [sflag:s23], $0x1380  }
0xef: {  	s3 =	sld [smem:$0x7EC]  }
0xf0: {  	[sflag:s23] =	ssyncset.done @!p4 $0x0  }
0xf1: {  	s30 =	rddreg [dreg:$0x10];
	[sflag:s23] =	ssyncadd.s32 @!p4 $0xFFFFEC80  }
0xf2: {  	[spmem:s30@s12], [sflag:s21] =	dma.strided @!p4 [hbm:s3@s13], $0x1380, s10, $0x8   }
0xf3: {  	_ =	swait.ge @!p4 [sflag:s23], $0x1380  }
0xf4: {  	s21 =	sld [smem:$0x7C7];
	_ =	sdelay $0x1  }
0xf5: {  	[sflag:s23] =	ssyncset.done @!p4 $0x0  }
0xf6: {  	s3 =	sld [smem:$0x7E9];
	[sflag:s23] =	ssyncadd.s32 @!p4 $0xFFFFEC80;
	p4 =	seq.s32 s21, $0x1  }
0xf7: {  	s23 =	rddreg [dreg:$0x11];
	s10 =	simm.s32 @!p4 $0x1  }
0xf8: {  	s12 =	simm.s32 @!p4 $0x8;
	s13 =	simm.s32 @!p4 $0x10;
	s21 =	simm.s32 @!p4 $0x1DC6  }
0xf9: {  	[spmem:s23@s12], [sflag:s21] =	dma.strided @!p4 [hbm:s3@s13], $0x1380, s10, $0x8   }
0xfa: {  	s23 =	simm.s32 @!p4 $0x6  }
0xfb: {  	_ =	swait.ge @!p4 [sflag:s23], $0x1380  }
0xfc: {  	s3 =	sld [smem:$0x7EA]  }
0xfd: {  	[sflag:s23] =	ssyncset.done @!p4 $0x0  }
0xfe: {  	s30 =	rddreg [dreg:$0x12];
	[sflag:s23] =	ssyncadd.s32 @!p4 $0xFFFFEC80  }
0xff: {  	[spmem:s30@s12], [sflag:s21] =	dma.strided @!p4 [hbm:s3@s13], $0x1380, s10, $0x8   }
0x100: {  	_ =	swait.ge @!p4 [sflag:s23], $0x1380  }
0x101: {  	[sflag:s23] =	ssyncset.done @!p4 $0x0  }
0x102: {  	[sflag:s23] =	ssyncadd.s32 @!p4 $0xFFFFEC80;
	s23 =	sld [smem:$0x7C8];
	_ =	sdelay $0x2  }
0x103: {  	s3 =	sld [smem:$0x7EF];
	p4 =	seq.s32 s23, $0x1  }
0x104: {  	s23 =	rddreg [dreg:$0x13];
	s10 =	simm.s32 @!p4 $0x1  }
0x105: {  	s12 =	simm.s32 @!p4 $0x8;
	s13 =	simm.s32 @!p4 $0x10;
	s21 =	simm.s32 @!p4 $0x1D06  }
0x106: {  	[spmem:s23@s12], [sflag:s21] =	dma.strided @!p4 [hbm:s3@s13], $0x1380, s10, $0x8   }
0x107: {  	s23 =	simm.s32 @!p4 $0x6  }
0x108: {  	_ =	swait.ge @!p4 [sflag:s23], $0x1380  }
0x109: {  	s3 =	sld [smem:$0x7F0]  }
0x10a: {  	[sflag:s23] =	ssyncset.done @!p4 $0x0  }
0x10b: {  	s30 =	rddreg [dreg:$0x14];
	[sflag:s23] =	ssyncadd.s32 @!p4 $0xFFFFEC80  }
0x10c: {  	[spmem:s30@s12], [sflag:s21] =	dma.strided @!p4 [hbm:s3@s13], $0x1380, s10, $0x8   }
0x10d: {  	_ =	swait.ge @!p4 [sflag:s23], $0x1380  }
0x10e: {  	s30 =	sld [smem:$0x7C9];
	_ =	sdelay $0x1  }
0x10f: {  	[sflag:s23] =	ssyncset.done @!p4 $0x0  }
0x110: {  	s3 =	sld [smem:$0x7ED];
	[sflag:s23] =	ssyncadd.s32 @!p4 $0xFFFFEC80;
	p4 =	seq.s32 s30, $0x1  }
0x111: {  	s23 =	rddreg [dreg:$0x15];
	s10 =	simm.s32 @!p4 $0x1  }
0x112: {  	s12 =	simm.s32 @!p4 $0x8;
	s13 =	simm.s32 @!p4 $0x10;
	s21 =	simm.s32 @!p4 $0x1D46  }
0x113: {  	[spmem:s23@s12], [sflag:s21] =	dma.strided @!p4 [hbm:s3@s13], $0x1380, s10, $0x8   }
0x114: {  	s23 =	simm.s32 @!p4 $0x6  }
0x115: {  	_ =	swait.ge @!p4 [sflag:s23], $0x1380  }
0x116: {  	s3 =	sld [smem:$0x7EE]  }
0x117: {  	[sflag:s23] =	ssyncset.done @!p4 $0x0  }
.Ltmp5:
0x118: {  	s30 =	rddreg [dreg:$0x16];
	[sflag:s23] =	ssyncadd.s32 @!p4 $0xFFFFEC80;
	(pc) =	sbr.rel .LBB2_8-.Ltmp5, $4  }
0x119: {  	[spmem:s30@s12], [sflag:s21] =	dma.strided @!p4 [hbm:s3@s13], $0x1380, s10, $0x8   }
0x11a: {  	_ =	swait.ge @!p4 [sflag:s23], $0x1380  }
0x11b: {  	[sflag:s23] =	ssyncset.done @!p4 $0x0  }
0x11c: {  	[sflag:s23] =	ssyncadd.s32 @!p4 $0xFFFFEC80  }
.LBB2_7:
0x11d: {  	s3 =	sld [smem:$0x7CE];
	_ =	sdelay $0x2  }
0x11e: {  	p4 =	seq.s32 s3, $0x1;
	s3 =	sld [smem:$0x7DB]  }
0x11f: {  	s23 =	rddreg [dreg:$0x1f];
	s10 =	simm.s32 @!p4 $0x1  }
0x120: {  	s12 =	simm.s32 @!p4 $0x8;
	s13 =	simm.s32 @!p4 $0x10;
	s21 =	simm.s32 @!p4 $0x1F86  }
0x121: {  	[spmem:s23@s12], [sflag:s21] =	dma.strided @!p4 [hbm:s3@s13], $0x1380, s10, $0x8   }
0x122: {  	s23 =	simm.s32 @!p4 $0x6  }
0x123: {  	_ =	swait.ge @!p4 [sflag:s23], $0x1380  }
0x124: {  	s30 =	sld [smem:$0x7CF]  }
0x125: {  	s3 =	sld [smem:$0x7DC]  }
0x126: {  	[sflag:s23] =	ssyncset.done @!p4 $0x0  }
0x127: {  	[sflag:s23] =	ssyncadd.s32 @!p4 $0xFFFFEC80  }
0x128: {  	[spmem:s30@s12], [sflag:s21] =	dma.strided @!p4 [hbm:s3@s13], $0x1380, s10, $0x8   }
0x129: {  	_ =	swait.ge @!p4 [sflag:s23], $0x1380  }
0x12a: {  	[sflag:s23] =	ssyncset.done @!p4 $0x0;
	s30 =	sld [smem:$0x7D9]  }
0x12b: {  	[sflag:s23] =	ssyncadd.s32 @!p4 $0xFFFFEC80;
	s23 =	sld [smem:$0x7D0]  }
0x12c: {  	s10 =	simm.s32 @!p0 $0x1  }
0x12d: {  	s12 =	simm.s32 @!p0 $0x8;
	s13 =	simm.s32 @!p0 $0x10;
	s21 =	simm.s32 @!p0 $0x1FC6  }
0x12e: {  	[spmem:s23@s12], [sflag:s21] =	dma.strided @!p0 [hbm:s30@s13], $0x1400, s10, $0x8   }
0x12f: {  	s23 =	simm.s32 @!p0 $0x6  }
0x130: {  	_ =	swait.ge @!p0 [sflag:s23], $0x1400  }
0x131: {  	s30 =	sld [smem:$0x7D1]  }
0x132: {  	s3 =	sld [smem:$0x7DA]  }
0x133: {  	[sflag:s23] =	ssyncset.done @!p0 $0x0  }
0x134: {  	[sflag:s23] =	ssyncadd.s32 @!p0 $0xFFFFEC00  }
0x135: {  	[spmem:s30@s12], [sflag:s21] =	dma.strided @!p0 [hbm:s3@s13], $0x1400, s10, $0x8   }
0x136: {  	_ =	swait.ge @!p0 [sflag:s23], $0x1400  }
0x137: {  	[sflag:s23] =	ssyncset.done @!p0 $0x0;
	s3 =	sld [smem:$0x7DF]  }
0x138: {  	[sflag:s23] =	ssyncadd.s32 @!p0 $0xFFFFEC00;
	s23 =	sld [smem:$0x7D2]  }
0x139: {  	s10 =	simm.s32 @!p1 $0x1  }
0x13a: {  	s12 =	simm.s32 @!p1 $0x8;
	s13 =	simm.s32 @!p1 $0x10;
	s21 =	simm.s32 @!p1 $0x1F06  }
0x13b: {  	[spmem:s23@s12], [sflag:s21] =	dma.strided @!p1 [hbm:s3@s13], $0x1380, s10, $0x8   }
0x13c: {  	s23 =	simm.s32 @!p1 $0x6  }
0x13d: {  	_ =	swait.ge @!p1 [sflag:s23], $0x1380  }
0x13e: {  	s30 =	sld [smem:$0x7D3]  }
0x13f: {  	s3 =	sld [smem:$0x7E0]  }
0x140: {  	[sflag:s23] =	ssyncset.done @!p1 $0x0  }
0x141: {  	[sflag:s23] =	ssyncadd.s32 @!p1 $0xFFFFEC80  }
0x142: {  	[spmem:s30@s12], [sflag:s21] =	dma.strided @!p1 [hbm:s3@s13], $0x1380, s10, $0x8   }
0x143: {  	_ =	swait.ge @!p1 [sflag:s23], $0x1380  }
0x144: {  	[sflag:s23] =	ssyncset.done @!p1 $0x0;
	s3 =	sld [smem:$0x7DD]  }
0x145: {  	[sflag:s23] =	ssyncadd.s32 @!p1 $0xFFFFEC80;
	s23 =	sld [smem:$0x7D4]  }
0x146: {  	s10 =	simm.s32 @!p3 $0x1  }
0x147: {  	s12 =	simm.s32 @!p3 $0x8;
	s13 =	simm.s32 @!p3 $0x10;
	s21 =	simm.s32 @!p3 $0x1F46  }
0x148: {  	[spmem:s23@s12], [sflag:s21] =	dma.strided @!p3 [hbm:s3@s13], $0x1380, s10, $0x8   }
0x149: {  	s23 =	simm.s32 @!p3 $0x6  }
0x14a: {  	_ =	swait.ge @!p3 [sflag:s23], $0x1380  }
0x14b: {  	s30 =	sld [smem:$0x7D5]  }
0x14c: {  	s3 =	sld [smem:$0x7DE]  }
0x14d: {  	[sflag:s23] =	ssyncset.done @!p3 $0x0  }
0x14e: {  	[sflag:s23] =	ssyncadd.s32 @!p3 $0xFFFFEC80  }
0x14f: {  	[spmem:s30@s12], [sflag:s21] =	dma.strided @!p3 [hbm:s3@s13], $0x1380, s10, $0x8   }
0x150: {  	_ =	swait.ge @!p3 [sflag:s23], $0x1380  }
0x151: {  	[sflag:s23] =	ssyncset.done @!p3 $0x0  }
0x152: {  	[sflag:s23] =	ssyncadd.s32 @!p3 $0xFFFFEC80  }
.LBB2_8:
0x153: {  	[bflag:$0x0] =	sbarrier.arrive $0xFFFF  }
0x154: {  	s12 =	rddreg [dreg:$0x5]  }
0x155: {  	s10 =	simm.s32 $0x0;
	s30 =	rddreg [dreg:$0x6]  }
0x156: {  	[tilespmem:s29], [sflag:$0x1] =	stream.linear.gather [hbm4b:s12+s10], $0x28, $0x38;
	[tilespmem:$0x1B1C0] =	vst v63  }
0x157: {  	s3 =	simm.s32 $0x138A8;
	s13 =	sld [smem:$0x7F8]  }
0x158: {  	[tilespmem:s3], [sflag:$0x1] =	stream.linear.gather [hbm4b:s30+s10], $0x28, $0x38;
	[tilespmem:$0x1B1C0] =	vst v63  }
0x159: {  	s21 =	sld [smem:$0x7F9]  }
0x15a: {  	[tilespmem:s31], [sflag:$0x1] =	stream.linear.gather [hbm4b:s13+s10], $0x28, $0x38;
	[tilespmem:$0x1B1C0] =	vst v63  }
0x15b: {  	s23 =	simm.s32 $0x138F8;
	s30 =	sld [smem:$0x7FA]  }
0x15c: {  	[tilespmem:s23], [sflag:$0x1] =	stream.linear.gather [hbm4b:s21+s10], $0x28, $0x38;
	[tilespmem:$0x1B1C0] =	vst v63  }
0x15d: {  	s12 =	sld [smem:$0x7FB]  }
0x15e: {  	[tilespmem:s0], [sflag:$0x2] =	stream.linear.gather [hbm4b:s30+s10], $0x28, $0x38;
	[tilespmem:$0x1B1C0] =	vst v63  }
0x15f: {  	s13 =	simm.s32 $0x13948;
	s21 =	sld [smem:$0x7FC]  }
0x160: {  	[tilespmem:s13], [sflag:$0x2] =	stream.linear.gather [hbm4b:s12+s10], $0x28, $0x38;
	[tilespmem:$0x1B1C0] =	vst v63  }
0x161: {  	s23 =	sld [smem:$0x7FD]  }
0x162: {  	[tilespmem:s15], [sflag:$0x2] =	stream.linear.gather [hbm4b:s21+s10], $0x28, $0x38;
	[tilespmem:$0x1B1C0] =	vst v63  }
0x163: {  	s3 =	simm.s32 $0x138A8;
	s30 =	simm.s32 $0x13998  }
0x164: {  	[tilespmem:s30], [sflag:$0x2] =	stream.linear.gather [hbm4b:s23+s10], $0x28, $0x38;
	[tilespmem:$0x1B1C0] =	vst v63  }
.LBB2_9:
0x165: {  	_ =	swait.ge [sflag:s17], $0x28  }
0x166: {  	[sflag:s17] =	ssyncset.done $0x0  }
0x167: {  	[sflag:s17] =	ssyncadd.s32 $0xFFFFFFD8  }
0x168: {  	_ =	swait.ge [sflag:s17], $0x28  }
0x169: {  	[sflag:s17] =	ssyncset.done $0x0  }
0x16a: {  	[sflag:s17] =	ssyncadd.s32 $0xFFFFFFD8  }
0x16b: {  	_ =	swait.ge [sflag:s17], $0x28  }
0x16c: {  	[sflag:s17] =	ssyncset.done $0x0  }
0x16d: {  	[sflag:s17] =	ssyncadd.s32 $0xFFFFFFD8  }
0x16e: {  	_ =	swait.ge [sflag:s17], $0x28  }
0x16f: {  	[sflag:s17] =	ssyncset.done $0x0  }
0x170: {  	[sflag:s17] =	ssyncadd.s32 $0xFFFFFFD8  }
0x171: {  	[tilespmem:s16], [sflag:$0x3] =	stream.indirect.gather [spmem:s2], $0x40, s29, s14, $0xb8;
	[tilespmem:$0x1B1C0] =	vst v63  }
0x172: {  	_ = 	snop  }
0x173: {  	[tilespmem:s1], [sflag:$0x3] =	stream.indirect.gather [spmem:s4], $0x40, s31, s14, $0xb8;
	[tilespmem:$0x1B1C0] =	vst v63  }
0x174: {  	_ =	swait.ge [sflag:s11], $0x28  }
0x175: {  	[sflag:s11] =	ssyncset.done $0x0  }
0x176: {  	[sflag:s11] =	ssyncadd.s32 $0xFFFFFFD8  }
0x177: {  	_ =	swait.ge [sflag:s11], $0x28  }
0x178: {  	[sflag:s11] =	ssyncset.done $0x0  }
0x179: {  	[sflag:s11] =	ssyncadd.s32 $0xFFFFFFD8  }
0x17a: {  	_ =	swait.ge [sflag:s11], $0x28  }
0x17b: {  	[sflag:s11] =	ssyncset.done $0x0  }
0x17c: {  	[sflag:s11] =	ssyncadd.s32 $0xFFFFFFD8  }
0x17d: {  	_ =	swait.ge [sflag:s11], $0x28  }
0x17e: {  	[sflag:s11] =	ssyncset.done $0x0  }
0x17f: {  	s12 =	simm.s32 $0x161C0;
	[sflag:s11] =	ssyncadd.s32 $0xFFFFFFD8  }
0x180: {  	[tilespmem:s12], [sflag:$0x4] =	stream.indirect.gather [spmem:s2], $0x40, s0, s14, $0xb8;
	[tilespmem:$0x1B1C0] =	vst v63  }
0x181: {  	s13 =	simm.s32 $0x175C0  }
0x182: {  	[tilespmem:s13], [sflag:$0x4] =	stream.indirect.gather [spmem:s4], $0x40, s15, s14, $0xb8;
	[tilespmem:$0x1B1C0] =	vst v63  }
0x183: {  	_ =	swait.ge [sflag:s18], $0x1400  }
0x184: {  	s12 =	smul.u32 $0x1400, s10;
	[sflag:s18] =	ssyncset.done $0x0  }
0x185: {  	[sflag:s18] =	ssyncadd.s32 $0xFFFFEC00  }
0x186: {  	s13 =	sadd.s32 s12, s24;
	_ =	swait.ge [sflag:s18], $0x1400  }
0x187: {  	s21 =	sadd.s32 s12, s25;
	s13 =	sshrl.u32 s13, $0x3;
	[sflag:s18] =	ssyncset.done $0x0  }
0x188: {  	s21 =	sshrl.u32 s21, $0x3;
	s13 =	sadd.s32 s6, s13;
	[sflag:s18] =	ssyncadd.s32 $0xFFFFEC00  }
0x189: {  	[tilespmem:s29], [sflag:$0x1] =	stream.linear.gather [hbm4b:s13+s5], $0x28, $0x38;
	[tilespmem:$0x1B1C0] =	vst v63  }
0x18a: {  	s21 =	sadd.s32 s6, s21  }
0x18b: {  	[tilespmem:s3], [sflag:$0x1] =	stream.linear.gather [hbm4b:s21+s5], $0x28, $0x38;
	[tilespmem:$0x1B1C0] =	vst v63  }
0x18c: {  	p4 =	seq.s32 s10, $0x0;
	s13 =	sadd.s32 $0x9C40, s13  }
0x18d: {  	[tilespmem:s31], [sflag:$0x1] =	stream.linear.gather [hbm4b:s13+s5], $0x28, $0x38;
	[tilespmem:$0x1B1C0] =	vst v63  }
0x18e: {  	s23 =	simm.s32 $0x138F8;
	s21 =	sadd.s32 $0x9C40, s21;
	s13 =	simm.s32 @!p4 $0x5  }
0x18f: {  	[tilespmem:s23], [sflag:$0x1] =	stream.linear.gather [hbm4b:s21+s5], $0x28, $0x38;
	[tilespmem:$0x1B1C0] =	vst v63  }
0x190: {  	_ =	swait.ge @!p4 [sflag:s13], $0x1400  }
0x191: {  	[sflag:s13] =	ssyncset.done @!p4 $0x0  }
0x192: {  	s21 =	simm.s32 $0x145B0;
	[sflag:s13] =	ssyncadd.s32 @!p4 $0xFFFFEC00  }
0x193: {  	s23 =	simm.s32 $0x159B0;
	v0 =	vld [tilespmem:s21+$0xFFFFF5D0]  }
0x194: {  	v1 =	vld [tilespmem:s23+$0xFFFFF5D0]  }
0x195: {  	v2 =	vld [tilespmem:s23+$0xFFFFF410]  }
0x196: {  	v3 =	vld [tilespmem:s21+$0xFFFFF450]  }
0x197: {  	v4 =	vld [tilespmem:s23+$0xFFFFF450]  }
0x198: {  	v5 =	vld [tilespmem:s21+$0xFFFFF490]  }
0x199: {  	v6 =	vld [tilespmem:s23+$0xFFFFF490]  }
0x19a: {  	v7 =	vld [tilespmem:s23+$0xFFFFF4D0]  }
0x19b: {  	v9 =	vld [tilespmem:s21+$0xFFFFF510]  }
0x19c: {  	v10 =	vld [tilespmem:s23+$0xFFFFF510]  }
0x19d: {  	v11 =	vld [tilespmem:s21+$0xFFFFF550]  }
0x19e: {  	v12 =	vld [tilespmem:s23+$0xFFFFF550];
	v0 =	vadd.f32 v1, v0  }
0x19f: {  	s13 =	simm.s32 $0x18BC0;
	v1 =	vld [tilespmem:s21+$0xFFFFF4D0]  }
0x1a0: {  	v3 =	vadd.f32 v4, v3;
	v4 =	vld [tilespmem:s21+$0xFFFFF410];
	[tilespmem:s13+$0x180] =	vst v0  }
0x1a1: {  	v0 =	vld [tilespmem:s21+$0xFFFFFFD0]  }
0x1a2: {  	v8 =	vld [tilespmem:s23+$0xFFFFFFD0]  }
0x1a3: {  	v13 =	vld [tilespmem:s21+$0xFFFFF590];
	[tilespmem:s13+$0xFFFFFE80] =	vst v3;
	v3 =	vadd.f32 v6, v5  }
0x1a4: {  	v6 =	vld [tilespmem:s21+$0xFFFFFE50]  }
0x1a5: {  	[tilespmem:s13+$0xFFFFFF00] =	vst v3;
	v3 =	vld [tilespmem:s23+$0xFFFFFE50];
	v1 =	vadd.f32 v7, v1  }
0x1a6: {  	v2 =	vadd.f32 v2, v4;
	v4 =	vld [tilespmem:s21+$0xFFFFFE90]  }
0x1a7: {  	[tilespmem:s13+$0xFFFFFF80] =	vst v1;
	v1 =	vld [tilespmem:s23+$0xFFFFFE90];
	v0 =	vadd.f32 v8, v0  }
0x1a8: {  	[tilespmem:s13+$0xFFFFFE00] =	vst v2;
	v2 =	vld [tilespmem:s21+$0xFFFFFED0]  }
0x1a9: {  	v32 =	vld [tilespmem:s23+$0xFFFFFED0];
	[tilespmem:s13+$0x1C0] =	vst v0  }
0x1aa: {  	v0 =	vld [tilespmem:s21+$0xFFFFF5E0]  }
0x1ab: {  	v3 =	vadd.f32 v3, v6;
	v5 =	vld [tilespmem:s23+$0xFFFFF5E0]  }
0x1ac: {  	v8 =	vld [tilespmem:s23+$0xFFFFF590]  }
0x1ad: {  	v7 =	vld [tilespmem:s23+$0xFFFFFE10];
	[tilespmem:s13+$0xFFFFFEC0] =	vst v3;
	v1 =	vadd.f32 v1, v4  }
0x1ae: {  	v4 =	vld [tilespmem:s21+$0xFFFFF460]  }
0x1af: {  	[tilespmem:s13+$0xFFFFFF40] =	vst v1;
	v1 =	vadd.f32 v32, v2;
	v2 =	vld [tilespmem:s23+$0xFFFFF460]  }
0x1b0: {  	v0 =	vadd.f32 v5, v0;
	v5 =	vld [tilespmem:s21+$0xFFFFFE10]  }
0x1b1: {  	v36 =	vld [tilespmem:s21+$0xFFFFF4A0];
	[tilespmem:s13+$0xFFFFFFC0] =	vst v1  }
0x1b2: {  	v1 =	vld [tilespmem:s23+$0xFFFFF4A0];
	[tilespmem:s13+$0x190] =	vst v0;
	v0 =	vadd.f32 v10, v9  }
0x1b3: {  	v37 =	vld [tilespmem:s21+$0xFFFFF4E0]  }
0x1b4: {  	v30 =	vld [tilespmem:s21+$0xFFFFFFE0];
	[tilespmem:s13+$0x0] =	vst v0;
	v0 =	vadd.f32 v12, v11  }
0x1b5: {  	v31 =	vld [tilespmem:s23+$0xFFFFFFE0];
	v5 =	vadd.f32 v7, v5  }
0x1b6: {  	v33 =	vld [tilespmem:s21+$0xFFFFFF10];
	[tilespmem:s13+$0x80] =	vst v0;
	v0 =	vadd.f32 v8, v13  }
0x1b7: {  	v34 =	vld [tilespmem:s21+$0xFFFFFF50];
	[tilespmem:s13+$0xFFFFFE40] =	vst v5  }
0x1b8: {  	[tilespmem:s13+$0x100] =	vst v0;
	v0 =	vld [tilespmem:s23+$0xFFFFFF50]  }
0x1b9: {  	v6 =	vld [tilespmem:s21+$0xFFFFF420]  }
0x1ba: {  	v9 =	vadd.f32 v31, v30;
	v3 =	vld [tilespmem:s23+$0xFFFFF420]  }
0x1bb: {  	v35 =	vld [tilespmem:s21+$0xFFFFFF90]  }
0x1bc: {  	v7 =	vld [tilespmem:s23+$0xFFFFFF90];
	[tilespmem:s13+$0x1D0] =	vst v9  }
0x1bd: {  	v2 =	vadd.f32 v2, v4;
	v9 =	vld [tilespmem:s21+$0xFFFFF5F0]  }
0x1be: {  	v1 =	vadd.f32 v1, v36;
	v5 =	vld [tilespmem:s23+$0xFFFFF5F0]  }
0x1bf: {  	[tilespmem:s13+$0xFFFFFE90] =	vst v2;
	v8 =	vld [tilespmem:s23+$0xFFFFFF10];
	v0 =	vadd.f32 v0, v34  }
0x1c0: {  	v42 =	vld [tilespmem:s21+$0xFFFFFE60];
	[tilespmem:s13+$0xFFFFFF10] =	vst v1;
	v3 =	vadd.f32 v3, v6  }
0x1c1: {  	v43 =	vld [tilespmem:s21+$0xFFFFFEA0];
	[tilespmem:s13+$0xC0] =	vst v0  }
0x1c2: {  	v0 =	vadd.f32 v7, v35;
	[tilespmem:s13+$0xFFFFFE10] =	vst v3;
	v40 =	vld [tilespmem:s21+$0xFFFFF560]  }
0x1c3: {  	v5 =	vadd.f32 v5, v9;
	v4 =	vld [tilespmem:s21+$0xFFFFFE20]  }
0x1c4: {  	[tilespmem:s13+$0x140] =	vst v0;
	v0 =	vld [tilespmem:s23+$0xFFFFF560]  }
0x1c5: {  	[tilespmem:s13+$0x1A0] =	vst v5;
	v41 =	vld [tilespmem:s21+$0xFFFFF5A0]  }
0x1c6: {  	v5 =	vadd.f32 v8, v33;
	v8 =	vld [tilespmem:s21+$0xFFFFFFF0]  }
0x1c7: {  	v38 =	vld [tilespmem:s23+$0xFFFFFFF0]  }
0x1c8: {  	[tilespmem:s13+$0x40] =	vst v5;
	v5 =	vld [tilespmem:s23+$0xFFFFF4E0]  }
0x1c9: {  	v6 =	vld [tilespmem:s23+$0xFFFFF5A0]  }
0x1ca: {  	v2 =	vld [tilespmem:s23+$0xFFFFFE20]  }
0x1cb: {  	v39 =	vld [tilespmem:s21+$0xFFFFF520];
	v0 =	vadd.f32 v0, v40  }
0x1cc: {  	v7 =	vld [tilespmem:s23+$0xFFFFF520];
	v8 =	vadd.f32 v38, v8  }
0x1cd: {  	[tilespmem:s13+$0x90] =	vst v0;
	v1 =	vadd.f32 v5, v37;
	v5 =	vld [tilespmem:s23+$0xFFFFFE60]  }
0x1ce: {  	v0 =	vadd.f32 v6, v41;
	v46 =	vld [tilespmem:s21+$0xFFFFFF60];
	[tilespmem:s13+$0x1E0] =	vst v8  }
0x1cf: {  	v8 =	vld [tilespmem:s21+$0xFFFFF600]  }
0x1d0: {  	[tilespmem:s13+$0x110] =	vst v0;
	v3 =	vld [tilespmem:s23+$0xFFFFF600]  }
0x1d1: {  	v0 =	vadd.f32 v2, v4;
	[tilespmem:s13+$0xFFFFFF90] =	vst v1;
	v1 =	vld [tilespmem:s23+$0xFFFFFEA0]  }
0x1d2: {  	v2 =	vld [tilespmem:s23+$0xFFFFFF60]  }
0x1d3: {  	v4 =	vld [tilespmem:s21+$0xFFFFFFA0];
	[tilespmem:s13+$0xFFFFFE50] =	vst v0  }
0x1d4: {  	v47 =	vld [tilespmem:s21+$0xFFFFF430];
	v0 =	vadd.f32 v5, v42  }
0x1d5: {  	v5 =	vld [tilespmem:s23+$0xFFFFFFA0]  }
0x1d6: {  	v3 =	vadd.f32 v3, v8;
	[tilespmem:s13+$0xFFFFFED0] =	vst v0;
	v0 =	vadd.f32 v1, v43;
	v1 =	vld [tilespmem:s23+$0xFFFFF430]  }
0x1d7: {  	v8 =	vld [tilespmem:s21+$0xFFFFFEE0]  }
0x1d8: {  	v48 =	vld [tilespmem:s21+$0xFFFFF470];
	[tilespmem:s13+$0x1B0] =	vst v3;
	v3 =	vadd.f32 v7, v39  }
0x1d9: {  	v7 =	vld [tilespmem:s21+$0x0]  }
0x1da: {  	[tilespmem:s13+$0x10] =	vst v3;
	v3 =	vld [tilespmem:s23+$0xFFFFFEE0]  }
0x1db: {  	v45 =	vld [tilespmem:s21+$0xFFFFFF20];
	v1 =	vadd.f32 v1, v47  }
0x1dc: {  	v6 =	vld [tilespmem:s23+$0xFFFFFF20]  }
0x1dd: {  	v44 =	vld [tilespmem:s23+$0x0];
	[tilespmem:s13+$0xFFFFFE20] =	vst v1  }
0x1de: {  	v52 =	vld [tilespmem:s21+$0xFFFFFE30]  }
0x1df: {  	[tilespmem:s13+$0xFFFFFF50] =	vst v0;
	v0 =	vadd.f32 v3, v8;
	v3 =	vld [tilespmem:s23+$0xFFFFF470]  }
0x1e0: {  	v8 =	vld [tilespmem:s21+$0xFFFFF4B0]  }
0x1e1: {  	[tilespmem:s13+$0xFFFFFFD0] =	vst v0;
	v0 =	vadd.f32 v6, v45;
	v6 =	vld [tilespmem:s23+$0xFFFFF4B0]  }
0x1e2: {  	v49 =	vld [tilespmem:s21+$0xFFFFF4F0]  }
0x1e3: {  	[tilespmem:s13+$0x50] =	vst v0;
	v0 =	vadd.f32 v2, v46;
	v2 =	vld [tilespmem:s23+$0xFFFFF4F0]  }
0x1e4: {  	v50 =	vld [tilespmem:s21+$0xFFFFF530]  }
0x1e5: {  	v1 =	vadd.f32 v3, v48;
	[tilespmem:s13+$0xD0] =	vst v0;
	v0 =	vadd.f32 v5, v4;
	v4 =	vld [tilespmem:s23+$0xFFFFF530]  }
0x1e6: {  	v5 =	vld [tilespmem:s21+$0xFFFFF570]  }
0x1e7: {  	[tilespmem:s13+$0xFFFFFEA0] =	vst v1;
	v1 =	vadd.f32 v6, v8;
	v6 =	vld [tilespmem:s23+$0xFFFFFE30]  }
0x1e8: {  	[tilespmem:s13+$0x150] =	vst v0;
	v0 =	vld [tilespmem:s23+$0xFFFFF570]  }
0x1e9: {  	v8 =	vld [tilespmem:s21+$0xFFFFFE70]  }
0x1ea: {  	v51 =	vld [tilespmem:s21+$0xFFFFF5B0]  }
0x1eb: {  	v3 =	vld [tilespmem:s23+$0xFFFFF5B0]  }
0x1ec: {  	[tilespmem:s13+$0xFFFFFF20] =	vst v1;
	v1 =	vadd.f32 v2, v49;
	v2 =	vld [tilespmem:s23+$0xFFFFFE70]  }
0x1ed: {  	v53 =	vld [tilespmem:s21+$0xFFFFFEB0]  }
0x1ee: {  	[tilespmem:s13+$0xFFFFFFA0] =	vst v1;
	v1 =	vadd.f32 v4, v50;
	v4 =	vld [tilespmem:s23+$0xFFFFFEB0]  }
0x1ef: {  	v54 =	vld [tilespmem:s21+$0xFFFFFEF0];
	v6 =	vadd.f32 v6, v52  }
0x1f0: {  	[tilespmem:s13+$0x20] =	vst v1;
	v0 =	vadd.f32 v0, v5;
	v1 =	vld [tilespmem:s23+$0xFFFFFEF0]  }
0x1f1: {  	v5 =	vld [tilespmem:s21+$0xFFFFFF30];
	[tilespmem:s13+$0xFFFFFE60] =	vst v6  }
0x1f2: {  	[tilespmem:s13+$0xA0] =	vst v0;
	v0 =	vadd.f32 v3, v51;
	v3 =	vld [tilespmem:s23+$0xFFFFFF30]  }
0x1f3: {  	v2 =	vadd.f32 v2, v8;
	v8 =	vld [tilespmem:s21+$0xFFFFF440]  }
0x1f4: {  	v55 =	vld [tilespmem:s21+$0xFFFFFF70]  }
0x1f5: {  	[tilespmem:s13+$0xFFFFFEE0] =	vst v2;
	v2 =	vadd.f32 v4, v53;
	v4 =	vld [tilespmem:s23+$0xFFFFF440]  }
0x1f6: {  	[tilespmem:s13+$0x120] =	vst v0;
	v0 =	vld [tilespmem:s23+$0xFFFFFF70]  }
0x1f7: {  	v57 =	vld [tilespmem:s21+$0xFFFFF480]  }
0x1f8: {  	v56 =	vld [tilespmem:s21+$0xFFFFFFB0]  }
0x1f9: {  	v6 =	vld [tilespmem:s23+$0xFFFFFFB0]  }
0x1fa: {  	[tilespmem:s13+$0xFFFFFF60] =	vst v2;
	v1 =	vadd.f32 v1, v54;
	v2 =	vld [tilespmem:s23+$0xFFFFF480]  }
0x1fb: {  	v58 =	vld [tilespmem:s21+$0xFFFFF4C0]  }
0x1fc: {  	[tilespmem:s13+$0xFFFFFFE0] =	vst v1;
	v1 =	vadd.f32 v3, v5;
	v3 =	vld [tilespmem:s23+$0xFFFFF4C0]  }
0x1fd: {  	v5 =	vld [tilespmem:s21+$0xFFFFF500];
	v4 =	vadd.f32 v4, v8  }
0x1fe: {  	[tilespmem:s13+$0x60] =	vst v1;
	v0 =	vadd.f32 v0, v55;
	v1 =	vld [tilespmem:s23+$0xFFFFF500]  }
0x1ff: {  	v59 =	vld [tilespmem:s21+$0xFFFFF540];
	[tilespmem:s13+$0xFFFFFE30] =	vst v4  }
0x200: {  	[tilespmem:s13+$0xE0] =	vst v0;
	v0 =	vadd.f32 v6, v56;
	v6 =	vld [tilespmem:s23+$0xFFFFF540]  }
0x201: {  	v2 =	vadd.f32 v2, v57;
	v61 =	vld [tilespmem:s21+$0xFFFFFE40]  }
0x202: {  	v60 =	vld [tilespmem:s21+$0xFFFFF580]  }
0x203: {  	[tilespmem:s13+$0xFFFFFEB0] =	vst v2;
	v2 =	vadd.f32 v3, v58;
	v3 =	vld [tilespmem:s23+$0xFFFFFE40]  }
0x204: {  	[tilespmem:s13+$0x160] =	vst v0;
	v0 =	vld [tilespmem:s23+$0xFFFFF580]  }
0x205: {  	v62 =	vld [tilespmem:s21+$0xFFFFFE80]  }
0x206: {  	v8 =	vld [tilespmem:s21+$0xFFFFF5C0]  }
0x207: {  	v4 =	vld [tilespmem:s23+$0xFFFFF5C0]  }
0x208: {  	[tilespmem:s13+$0xFFFFFF30] =	vst v2;
	v1 =	vadd.f32 v1, v5;
	v5 =	vld [tilespmem:s23+$0xFFFFFE80]  }
0x209: {  	v14 =	vld [tilespmem:s21+$0xFFFFFEC0]  }
0x20a: {  	[tilespmem:s13+$0xFFFFFFB0] =	vst v1;
	v1 =	vadd.f32 v6, v59;
	v6 =	vld [tilespmem:s23+$0xFFFFFEC0]  }
0x20b: {  	v2 =	vadd.f32 v44, v7;
	v7 =	vld [tilespmem:s21+$0xFFFFFF00]  }
0x20c: {  	v63 =	vld [tilespmem:s23+$0xFFFFFF00];
	[tilespmem:s13+$0x30] =	vst v1;
	v1 =	vadd.f32 v0, v60  }
0x20d: {  	[tilespmem:s13+$0x1F0] =	vst v2;
	v3 =	vadd.f32 v3, v61;
	v0 =	vld [tilespmem:s21+$0xFFFFFF40]  }
0x20e: {  	v4 =	vadd.f32 v4, v8;
	v2 =	vld [tilespmem:s23+$0xFFFFFF40];
	[tilespmem:s13+$0xB0] =	vst v1  }
0x20f: {  	[tilespmem:s13+$0xFFFFFE70] =	vst v3;
	v1 =	vld [tilespmem:s21+$0xFFFFFF80];
	v6 =	vadd.f32 v6, v14  }
0x210: {  	v5 =	vadd.f32 v5, v62;
	[tilespmem:s13+$0x130] =	vst v4;
	v4 =	vld [tilespmem:s23+$0xFFFFFF80]  }
0x211: {  	v3 =	vld [tilespmem:s21+$0xFFFFFFC0];
	[tilespmem:s13+$0xFFFFFF70] =	vst v6;
	v6 =	vadd.f32 v63, v7  }
0x212: {  	s30 =	simm.s32 $0x147B0;
	[tilespmem:s13+$0xFFFFFEF0] =	vst v5;
	s21 =	simm.s32 $0x0;
	v5 =	vld [tilespmem:s23+$0xFFFFFFC0]  }
.LBB2_10:
0x213: {  	v7 =	vld [tilespmem:s30+$0xFFFFF5D0];
	[tilespmem:s13+$0xFFFFFFF0] =	vst v6;
	v0 =	vadd.f32 v2, v0;
	s23 =	sadd.s32 $0x200, s23  }
0x214: {  	v2 =	vld [tilespmem:s23+$0xFFFFF5D0]  }
0x215: {  	v6 =	vld [tilespmem:s23+$0xFFFFF410];
	[tilespmem:s13+$0x70] =	vst v0;
	v0 =	vadd.f32 v4, v1  }
0x216: {  	v1 =	vld [tilespmem:s30+$0xFFFFF450]  }
0x217: {  	v4 =	vld [tilespmem:s23+$0xFFFFF450];
	[tilespmem:s13+$0xF0] =	vst v0;
	v0 =	vadd.f32 v5, v3  }
0x218: {  	v3 =	vld [tilespmem:s30+$0xFFFFF490]  }
0x219: {  	v5 =	vld [tilespmem:s23+$0xFFFFF490];
	v2 =	vadd.f32 v2, v7;
	[tilespmem:s13+$0x170] =	vst v0  }
0x21a: {  	s13 =	sadd.s32 $0x400, s13;
	v0 =	vld [tilespmem:s30+$0xFFFFF4D0]  }
0x21b: {  	s21 =	sadd.s32 $0x8, s21;
	v7 =	vld [tilespmem:s23+$0xFFFFF4D0];
	[tilespmem:s13+$0x180] =	vst v2  }
0x21c: {  	p4 =	slt.u32 s21, $0x20;
	v1 =	vadd.f32 v4, v1;
	v2 =	vld [tilespmem:s30+$0xFFFFFFD0]  }
0x21d: {  	v4 =	vld [tilespmem:s23+$0xFFFFFFD0]  }
0x21e: {  	[tilespmem:s13+$0xFFFFFE80] =	vst v1;
	v1 =	vadd.f32 v5, v3;
	v3 =	vld [tilespmem:s30+$0xFFFFF510]  }
0x21f: {  	v5 =	vld [tilespmem:s23+$0xFFFFF510]  }
0x220: {  	[tilespmem:s13+$0xFFFFFF00] =	vst v1;
	v0 =	vadd.f32 v7, v0;
	v1 =	vld [tilespmem:s30+$0xFFFFF550]  }
0x221: {  	v7 =	vld [tilespmem:s23+$0xFFFFF550]  }
0x222: {  	[tilespmem:s13+$0xFFFFFF80] =	vst v0;
	v0 =	vld [tilespmem:s30+$0xFFFFF590];
	v2 =	vadd.f32 v4, v2  }
0x223: {  	v4 =	vld [tilespmem:s23+$0xFFFFF590]  }
0x224: {  	v8 =	vld [tilespmem:s30+$0xFFFFF410];
	v3 =	vadd.f32 v5, v3;
	[tilespmem:s13+$0x1C0] =	vst v2  }
0x225: {  	v2 =	vld [tilespmem:s30+$0xFFFFF5E0]  }
0x226: {  	[tilespmem:s13+$0x0] =	vst v3;
	v1 =	vadd.f32 v7, v1;
	v3 =	vld [tilespmem:s23+$0xFFFFF5E0]  }
0x227: {  	v5 =	vld [tilespmem:s30+$0xFFFFFE50]  }
0x228: {  	v7 =	vld [tilespmem:s23+$0xFFFFFE50];
	[tilespmem:s13+$0x80] =	vst v1;
	v0 =	vadd.f32 v4, v0  }
0x229: {  	v1 =	vadd.f32 v6, v8;
	v4 =	vld [tilespmem:s30+$0xFFFFFE90]  }
0x22a: {  	v6 =	vld [tilespmem:s23+$0xFFFFFE90];
	[tilespmem:s13+$0x100] =	vst v0  }
0x22b: {  	[tilespmem:s13+$0xFFFFFE00] =	vst v1;
	v0 =	vld [tilespmem:s30+$0xFFFFFED0];
	v1 =	vadd.f32 v3, v2  }
0x22c: {  	v2 =	vld [tilespmem:s30+$0xFFFFFE10]  }
0x22d: {  	v3 =	vld [tilespmem:s23+$0xFFFFFE10];
	v5 =	vadd.f32 v7, v5;
	[tilespmem:s13+$0x190] =	vst v1  }
0x22e: {  	v1 =	vld [tilespmem:s30+$0xFFFFFFE0]  }
0x22f: {  	[tilespmem:s13+$0xFFFFFEC0] =	vst v5;
	v4 =	vadd.f32 v6, v4;
	v5 =	vld [tilespmem:s23+$0xFFFFFFE0]  }
0x230: {  	v6 =	vld [tilespmem:s23+$0xFFFFFED0]  }
0x231: {  	[tilespmem:s13+$0xFFFFFF40] =	vst v4;
	v4 =	vld [tilespmem:s30+$0xFFFFFF10]  }
0x232: {  	v2 =	vadd.f32 v3, v2;
	v3 =	vld [tilespmem:s23+$0xFFFFFF10]  }
0x233: {  	v7 =	vld [tilespmem:s30+$0xFFFFFF50]  }
0x234: {  	[tilespmem:s13+$0xFFFFFE40] =	vst v2;
	v2 =	vld [tilespmem:s23+$0xFFFFFF50];
	v1 =	vadd.f32 v5, v1  }
0x235: {  	v0 =	vadd.f32 v6, v0;
	v5 =	vld [tilespmem:s30+$0xFFFFFF90]  }
0x236: {  	v6 =	vld [tilespmem:s23+$0xFFFFFF90];
	[tilespmem:s13+$0x1D0] =	vst v1  }
0x237: {  	[tilespmem:s13+$0xFFFFFFC0] =	vst v0;
	v0 =	vadd.f32 v3, v4;
	v1 =	vld [tilespmem:s30+$0xFFFFF5F0]  }
0x238: {  	v3 =	vld [tilespmem:s23+$0xFFFFF5F0]  }
0x239: {  	v4 =	vld [tilespmem:s30+$0xFFFFF420];
	[tilespmem:s13+$0x40] =	vst v0;
	v0 =	vadd.f32 v2, v7  }
0x23a: {  	v2 =	vld [tilespmem:s23+$0xFFFFF420]  }
0x23b: {  	v7 =	vld [tilespmem:s30+$0xFFFFF460];
	[tilespmem:s13+$0xC0] =	vst v0;
	v0 =	vadd.f32 v6, v5  }
0x23c: {  	v5 =	vld [tilespmem:s23+$0xFFFFF460]  }
0x23d: {  	v6 =	vld [tilespmem:s30+$0xFFFFF4A0];
	[tilespmem:s13+$0x140] =	vst v0;
	v0 =	vadd.f32 v3, v1  }
0x23e: {  	v1 =	vld [tilespmem:s23+$0xFFFFF4A0]  }
0x23f: {  	v2 =	vadd.f32 v2, v4;
	v3 =	vld [tilespmem:s30+$0xFFFFF4E0];
	[tilespmem:s13+$0x1A0] =	vst v0  }
0x240: {  	v0 =	vld [tilespmem:s30+$0xFFFFFFF0]  }
0x241: {  	[tilespmem:s13+$0xFFFFFE10] =	vst v2;
	v2 =	vadd.f32 v5, v7;
	v4 =	vld [tilespmem:s23+$0xFFFFFFF0]  }
0x242: {  	v5 =	vld [tilespmem:s23+$0xFFFFF4E0]  }
0x243: {  	[tilespmem:s13+$0xFFFFFE90] =	vst v2;
	v1 =	vadd.f32 v1, v6;
	v2 =	vld [tilespmem:s30+$0xFFFFF520]  }
0x244: {  	v6 =	vld [tilespmem:s23+$0xFFFFF520]  }
0x245: {  	[tilespmem:s13+$0xFFFFFF10] =	vst v1;
	v1 =	vld [tilespmem:s30+$0xFFFFF560]  }
0x246: {  	v7 =	vld [tilespmem:s23+$0xFFFFF560];
	v0 =	vadd.f32 v4, v0  }
0x247: {  	v3 =	vadd.f32 v5, v3;
	v4 =	vld [tilespmem:s30+$0xFFFFF5A0]  }
0x248: {  	v5 =	vld [tilespmem:s23+$0xFFFFF5A0];
	[tilespmem:s13+$0x1E0] =	vst v0  }
0x249: {  	[tilespmem:s13+$0xFFFFFF90] =	vst v3;
	v0 =	vadd.f32 v6, v2;
	v2 =	vld [tilespmem:s30+$0xFFFFF600]  }
0x24a: {  	v3 =	vld [tilespmem:s23+$0xFFFFF600]  }
0x24b: {  	v6 =	vld [tilespmem:s30+$0xFFFFFE20];
	[tilespmem:s13+$0x10] =	vst v0;
	v0 =	vadd.f32 v7, v1  }
0x24c: {  	v1 =	vld [tilespmem:s23+$0xFFFFFE20]  }
0x24d: {  	v7 =	vld [tilespmem:s30+$0xFFFFFE60];
	[tilespmem:s13+$0x90] =	vst v0;
	v0 =	vadd.f32 v5, v4  }
0x24e: {  	v4 =	vld [tilespmem:s23+$0xFFFFFE60]  }
0x24f: {  	v5 =	vld [tilespmem:s30+$0xFFFFFEA0];
	[tilespmem:s13+$0x110] =	vst v0;
	v0 =	vadd.f32 v3, v2  }
0x250: {  	v2 =	vld [tilespmem:s23+$0xFFFFFEA0]  }
0x251: {  	v1 =	vadd.f32 v1, v6;
	v3 =	vld [tilespmem:s30+$0xFFFFFEE0];
	[tilespmem:s13+$0x1B0] =	vst v0  }
0x252: {  	v0 =	vld [tilespmem:s30+$0x0]  }
0x253: {  	[tilespmem:s13+$0xFFFFFE50] =	vst v1;
	v1 =	vadd.f32 v4, v7;
	v4 =	vld [tilespmem:s23+$0x0]  }
0x254: {  	v6 =	vld [tilespmem:s23+$0xFFFFFEE0]  }
0x255: {  	[tilespmem:s13+$0xFFFFFED0] =	vst v1;
	v1 =	vadd.f32 v2, v5;
	v2 =	vld [tilespmem:s30+$0xFFFFFF20]  }
0x256: {  	v5 =	vld [tilespmem:s23+$0xFFFFFF20]  }
0x257: {  	[tilespmem:s13+$0xFFFFFF50] =	vst v1;
	v1 =	vld [tilespmem:s30+$0xFFFFFF60]  }
0x258: {  	v7 =	vld [tilespmem:s23+$0xFFFFFF60];
	v0 =	vadd.f32 v4, v0  }
0x259: {  	v3 =	vadd.f32 v6, v3;
	v4 =	vld [tilespmem:s30+$0xFFFFFFA0]  }
0x25a: {  	v6 =	vld [tilespmem:s23+$0xFFFFFFA0];
	[tilespmem:s13+$0x1F0] =	vst v0  }
0x25b: {  	v0 =	vld [tilespmem:s30+$0xFFFFF430];
	[tilespmem:s13+$0xFFFFFFD0] =	vst v3;
	v2 =	vadd.f32 v5, v2  }
0x25c: {  	v3 =	vld [tilespmem:s23+$0xFFFFF430]  }
0x25d: {  	v5 =	vld [tilespmem:s30+$0xFFFFF470];
	[tilespmem:s13+$0x50] =	vst v2;
	v1 =	vadd.f32 v7, v1  }
0x25e: {  	v2 =	vld [tilespmem:s23+$0xFFFFF470]  }
0x25f: {  	v7 =	vld [tilespmem:s30+$0xFFFFF4B0];
	[tilespmem:s13+$0xD0] =	vst v1;
	v1 =	vadd.f32 v6, v4  }
0x260: {  	v4 =	vld [tilespmem:s23+$0xFFFFF4B0]  }
0x261: {  	v0 =	vadd.f32 v3, v0;
	v3 =	vld [tilespmem:s30+$0xFFFFF4F0];
	[tilespmem:s13+$0x150] =	vst v1  }
0x262: {  	v1 =	vld [tilespmem:s23+$0xFFFFF4F0]  }
0x263: {  	[tilespmem:s13+$0xFFFFFE20] =	vst v0;
	v0 =	vadd.f32 v2, v5;
	v2 =	vld [tilespmem:s30+$0xFFFFF530]  }
0x264: {  	v5 =	vld [tilespmem:s23+$0xFFFFF530]  }
0x265: {  	[tilespmem:s13+$0xFFFFFEA0] =	vst v0;
	v0 =	vadd.f32 v4, v7;
	v4 =	vld [tilespmem:s30+$0xFFFFF570]  }
0x266: {  	v6 =	vld [tilespmem:s23+$0xFFFFF570]  }
0x267: {  	[tilespmem:s13+$0xFFFFFF20] =	vst v0;
	v0 =	vadd.f32 v1, v3;
	v1 =	vld [tilespmem:s30+$0xFFFFF5B0]  }
0x268: {  	v3 =	vld [tilespmem:s23+$0xFFFFF5B0]  }
0x269: {  	v7 =	vld [tilespmem:s30+$0xFFFFFE30];
	[tilespmem:s13+$0xFFFFFFA0] =	vst v0;
	v0 =	vadd.f32 v5, v2  }
0x26a: {  	v2 =	vld [tilespmem:s23+$0xFFFFFE30]  }
0x26b: {  	v5 =	vld [tilespmem:s30+$0xFFFFFE70];
	[tilespmem:s13+$0x20] =	vst v0;
	v0 =	vadd.f32 v6, v4  }
0x26c: {  	v4 =	vld [tilespmem:s23+$0xFFFFFE70]  }
0x26d: {  	v6 =	vld [tilespmem:s30+$0xFFFFFEB0];
	[tilespmem:s13+$0xA0] =	vst v0;
	v0 =	vadd.f32 v3, v1  }
0x26e: {  	v1 =	vld [tilespmem:s23+$0xFFFFFEB0]  }
0x26f: {  	v2 =	vadd.f32 v2, v7;
	v3 =	vld [tilespmem:s30+$0xFFFFFEF0];
	[tilespmem:s13+$0x120] =	vst v0  }
0x270: {  	v0 =	vld [tilespmem:s23+$0xFFFFFEF0]  }
0x271: {  	[tilespmem:s13+$0xFFFFFE60] =	vst v2;
	v2 =	vadd.f32 v4, v5;
	v4 =	vld [tilespmem:s30+$0xFFFFFF30]  }
0x272: {  	v5 =	vld [tilespmem:s23+$0xFFFFFF30]  }
0x273: {  	[tilespmem:s13+$0xFFFFFEE0] =	vst v2;
	v1 =	vadd.f32 v1, v6;
	v2 =	vld [tilespmem:s30+$0xFFFFFF70]  }
0x274: {  	v6 =	vld [tilespmem:s23+$0xFFFFFF70]  }
0x275: {  	[tilespmem:s13+$0xFFFFFF60] =	vst v1;
	v0 =	vadd.f32 v0, v3;
	v1 =	vld [tilespmem:s30+$0xFFFFFFB0]  }
0x276: {  	v3 =	vld [tilespmem:s23+$0xFFFFFFB0]  }
0x277: {  	v7 =	vld [tilespmem:s30+$0xFFFFF440];
	[tilespmem:s13+$0xFFFFFFE0] =	vst v0;
	v0 =	vadd.f32 v5, v4  }
0x278: {  	v4 =	vld [tilespmem:s23+$0xFFFFF440]  }
0x279: {  	v5 =	vld [tilespmem:s30+$0xFFFFF480];
	[tilespmem:s13+$0x60] =	vst v0;
	v0 =	vadd.f32 v6, v2  }
0x27a: {  	v2 =	vld [tilespmem:s23+$0xFFFFF480]  }
0x27b: {  	v6 =	vld [tilespmem:s30+$0xFFFFF4C0];
	[tilespmem:s13+$0xE0] =	vst v0;
	v0 =	vadd.f32 v3, v1  }
0x27c: {  	v1 =	vld [tilespmem:s23+$0xFFFFF4C0]  }
0x27d: {  	v3 =	vadd.f32 v4, v7;
	v4 =	vld [tilespmem:s30+$0xFFFFF500];
	[tilespmem:s13+$0x160] =	vst v0  }
0x27e: {  	v0 =	vld [tilespmem:s23+$0xFFFFF500]  }
0x27f: {  	[tilespmem:s13+$0xFFFFFE30] =	vst v3;
	v2 =	vadd.f32 v2, v5;
	v3 =	vld [tilespmem:s30+$0xFFFFF540]  }
0x280: {  	v5 =	vld [tilespmem:s23+$0xFFFFF540]  }
0x281: {  	[tilespmem:s13+$0xFFFFFEB0] =	vst v2;
	v1 =	vadd.f32 v1, v6;
	v2 =	vld [tilespmem:s30+$0xFFFFF580]  }
0x282: {  	v6 =	vld [tilespmem:s23+$0xFFFFF580]  }
0x283: {  	[tilespmem:s13+$0xFFFFFF30] =	vst v1;
	v0 =	vadd.f32 v0, v4;
	v1 =	vld [tilespmem:s30+$0xFFFFF5C0]  }
0x284: {  	v4 =	vld [tilespmem:s23+$0xFFFFF5C0]  }
0x285: {  	v7 =	vld [tilespmem:s30+$0xFFFFFE40];
	[tilespmem:s13+$0xFFFFFFB0] =	vst v0;
	v0 =	vadd.f32 v5, v3  }
0x286: {  	v3 =	vld [tilespmem:s23+$0xFFFFFE40]  }
0x287: {  	v5 =	vld [tilespmem:s30+$0xFFFFFE80];
	[tilespmem:s13+$0x30] =	vst v0;
	v0 =	vadd.f32 v6, v2  }
0x288: {  	v2 =	vld [tilespmem:s23+$0xFFFFFE80]  }
0x289: {  	v6 =	vld [tilespmem:s30+$0xFFFFFEC0];
	[tilespmem:s13+$0xB0] =	vst v0;
	v0 =	vadd.f32 v4, v1  }
0x28a: {  	v1 =	vld [tilespmem:s23+$0xFFFFFEC0]  }
0x28b: {  	v3 =	vadd.f32 v3, v7;
	v7 =	vld [tilespmem:s30+$0xFFFFFF00];
	[tilespmem:s13+$0x130] =	vst v0  }
0x28c: {  	v8 =	vld [tilespmem:s23+$0xFFFFFF00]  }
0x28d: {  	[tilespmem:s13+$0xFFFFFE70] =	vst v3;
	v3 =	vadd.f32 v2, v5;
	v0 =	vld [tilespmem:s30+$0xFFFFFF40]  }
.Ltmp6:
0x28e: {  	v2 =	vld [tilespmem:s23+$0xFFFFFF40];
	(pc) =	sbr.rel @p4 .LBB2_10-.Ltmp6, $4  }
0x28f: {  	[tilespmem:s13+$0xFFFFFEF0] =	vst v3;
	v3 =	vadd.f32 v1, v6;
	v1 =	vld [tilespmem:s30+$0xFFFFFF80]  }
0x290: {  	v4 =	vld [tilespmem:s23+$0xFFFFFF80]  }
0x291: {  	[tilespmem:s13+$0xFFFFFF70] =	vst v3;
	v6 =	vadd.f32 v8, v7;
	v3 =	vld [tilespmem:s30+$0xFFFFFFC0]  }
0x292: {  	s30 =	sadd.s32 $0x200, s30;
	v5 =	vld [tilespmem:s23+$0xFFFFFFC0]  }
0x293: {  	_ =	sdelay $0x1  }
0x294: {  	v0 =	vadd.f32 v2, v0;
	s23 =	smul.u32 $0xA00, s10  }
0x295: {  	[tilespmem:s13+$0xFFFFFFF0] =	vst v6;
	v1 =	vadd.f32 v4, v1  }
0x296: {  	[tilespmem:s13+$0x70] =	vst v0;
	s21 =	sadd.s32 s8, s23;
	v0 =	vadd.f32 v5, v3  }
0x297: {  	s21 =	sshll.u32 s21, $0x4;
	[tilespmem:s13+$0xF0] =	vst v1  }
0x298: {  	s21 =	sadd.s32 s7, s21;
	[tilespmem:s13+$0x170] =	vst v0  }
0x299: {  	[hbm4b:s21+s5] =	stream.linear.scatter [tilespmem:s19], [sflag:$0x5], $0x1400, $0x38;
	[tilespmem:$0x1B1C0] =	vst v63  }
0x29a: {  	_ =	swait.ge [sflag:s20], $0x1400  }
0x29b: {  	p4 =	seq.s32 s10, $0x3D;
	[sflag:s20] =	ssyncset.done $0x0  }
0x29c: {  	s30 =	simm.s32 @!p4 $0x13920;
	[sflag:s20] =	ssyncadd.s32 $0xFFFFEC00  }
0x29d: {  	s13 =	sadd.s32 @!p4 s12, s26;
	s12 =	sadd.s32 @!p4 s12, s28;
	_ =	swait.ge [sflag:s20], $0x1400  }
0x29e: {  	s13 =	sshrl.u32 @!p4 s13, $0x3;
	s21 =	simm.s32 @!p4 $0x0;
	[sflag:s20] =	ssyncset.done $0x0  }
0x29f: {  	s12 =	sshrl.u32 @!p4 s12, $0x3;
	s13 =	sadd.s32 @!p4 s6, s13;
	[sflag:s20] =	ssyncadd.s32 $0xFFFFEC00  }
0x2a0: {  	[tilespmem:s30], [sflag:$0x2] =	stream.linear.gather @!p4 [hbm4b:s13+s21], $0x28, $0x38;
	[tilespmem:$0x1B1C0] =	vst v63  }
0x2a1: {  	s12 =	sadd.s32 @!p4 s6, s12;
	s30 =	simm.s32 @!p4 $0x13948  }
0x2a2: {  	[tilespmem:s30], [sflag:$0x2] =	stream.linear.gather @!p4 [hbm4b:s12+s21], $0x28, $0x38;
	[tilespmem:$0x1B1C0] =	vst v63  }
0x2a3: {  	s13 =	sadd.s32 @!p4 $0x9C40, s13;
	s30 =	simm.s32 @!p4 $0x13970  }
0x2a4: {  	[tilespmem:s30], [sflag:$0x2] =	stream.linear.gather @!p4 [hbm4b:s13+s21], $0x28, $0x38;
	[tilespmem:$0x1B1C0] =	vst v63  }
0x2a5: {  	p5 =	seq.s32 @!p4 s10, $0x0;
	s12 =	sadd.s32 @!p4 $0x9C40, s12;
	s13 =	simm.s32 @!p4 $0x13998  }
0x2a6: {  	[tilespmem:s13], [sflag:$0x2] =	stream.linear.gather @!p4 [hbm4b:s12+s21], $0x28, $0x38;
	[tilespmem:$0x1B1C0] =	vst v63  }
0x2a7: {  	p4 =	por p4, !p5  }
0x2a8: {  	_ =	swait.ge @p4 [sflag:s22], $0x1400  }
0x2a9: {  	[sflag:s22] =	ssyncset.done @p4 $0x0  }
0x2aa: {  	s21 =	simm.s32 $0x16DB0;
	[sflag:s22] =	ssyncadd.s32 @p4 $0xFFFFEC00  }
0x2ab: {  	s13 =	simm.s32 $0x181B0;
	v0 =	vld [tilespmem:s21+$0xFFFFF5D0]  }
0x2ac: {  	v1 =	vld [tilespmem:s13+$0xFFFFF5D0]  }
0x2ad: {  	v2 =	vld [tilespmem:s13+$0xFFFFF410]  }
0x2ae: {  	v3 =	vld [tilespmem:s21+$0xFFFFF450]  }
0x2af: {  	v4 =	vld [tilespmem:s13+$0xFFFFF450]  }
0x2b0: {  	v5 =	vld [tilespmem:s21+$0xFFFFF490]  }
0x2b1: {  	v6 =	vld [tilespmem:s13+$0xFFFFF490]  }
0x2b2: {  	v7 =	vld [tilespmem:s13+$0xFFFFF4D0]  }
0x2b3: {  	v9 =	vld [tilespmem:s21+$0xFFFFF510]  }
0x2b4: {  	v10 =	vld [tilespmem:s13+$0xFFFFF510]  }
0x2b5: {  	v11 =	vld [tilespmem:s21+$0xFFFFF550]  }
0x2b6: {  	v12 =	vld [tilespmem:s13+$0xFFFFF550];
	v0 =	vadd.f32 v1, v0  }
0x2b7: {  	s12 =	simm.s32 $0x19FC0;
	v1 =	vld [tilespmem:s21+$0xFFFFF4D0]  }
0x2b8: {  	v3 =	vadd.f32 v4, v3;
	v4 =	vld [tilespmem:s21+$0xFFFFF410];
	[tilespmem:s12+$0x180] =	vst v0  }
0x2b9: {  	v0 =	vld [tilespmem:s21+$0xFFFFFFD0]  }
0x2ba: {  	v8 =	vld [tilespmem:s13+$0xFFFFFFD0]  }
0x2bb: {  	v13 =	vld [tilespmem:s21+$0xFFFFF590];
	[tilespmem:s12+$0xFFFFFE80] =	vst v3;
	v3 =	vadd.f32 v6, v5  }
0x2bc: {  	v6 =	vld [tilespmem:s21+$0xFFFFFE50]  }
0x2bd: {  	[tilespmem:s12+$0xFFFFFF00] =	vst v3;
	v3 =	vld [tilespmem:s13+$0xFFFFFE50];
	v1 =	vadd.f32 v7, v1  }
0x2be: {  	v2 =	vadd.f32 v2, v4;
	v4 =	vld [tilespmem:s21+$0xFFFFFE90]  }
0x2bf: {  	[tilespmem:s12+$0xFFFFFF80] =	vst v1;
	v1 =	vld [tilespmem:s13+$0xFFFFFE90];
	v0 =	vadd.f32 v8, v0  }
0x2c0: {  	[tilespmem:s12+$0xFFFFFE00] =	vst v2;
	v2 =	vld [tilespmem:s21+$0xFFFFFED0]  }
0x2c1: {  	v32 =	vld [tilespmem:s13+$0xFFFFFED0];
	[tilespmem:s12+$0x1C0] =	vst v0  }
0x2c2: {  	v0 =	vld [tilespmem:s21+$0xFFFFF5E0]  }
0x2c3: {  	v3 =	vadd.f32 v3, v6;
	v5 =	vld [tilespmem:s13+$0xFFFFF5E0]  }
0x2c4: {  	v8 =	vld [tilespmem:s13+$0xFFFFF590]  }
0x2c5: {  	v7 =	vld [tilespmem:s13+$0xFFFFFE10];
	[tilespmem:s12+$0xFFFFFEC0] =	vst v3;
	v1 =	vadd.f32 v1, v4  }
0x2c6: {  	v4 =	vld [tilespmem:s21+$0xFFFFF460]  }
0x2c7: {  	[tilespmem:s12+$0xFFFFFF40] =	vst v1;
	v1 =	vadd.f32 v32, v2;
	v2 =	vld [tilespmem:s13+$0xFFFFF460]  }
0x2c8: {  	v0 =	vadd.f32 v5, v0;
	v5 =	vld [tilespmem:s21+$0xFFFFFE10]  }
0x2c9: {  	v36 =	vld [tilespmem:s21+$0xFFFFF4A0];
	[tilespmem:s12+$0xFFFFFFC0] =	vst v1  }
0x2ca: {  	v1 =	vld [tilespmem:s13+$0xFFFFF4A0];
	[tilespmem:s12+$0x190] =	vst v0;
	v0 =	vadd.f32 v10, v9  }
0x2cb: {  	v37 =	vld [tilespmem:s21+$0xFFFFF4E0]  }
0x2cc: {  	v30 =	vld [tilespmem:s21+$0xFFFFFFE0];
	[tilespmem:s12+$0x0] =	vst v0;
	v0 =	vadd.f32 v12, v11  }
0x2cd: {  	v31 =	vld [tilespmem:s13+$0xFFFFFFE0];
	v5 =	vadd.f32 v7, v5  }
0x2ce: {  	v33 =	vld [tilespmem:s21+$0xFFFFFF10];
	[tilespmem:s12+$0x80] =	vst v0;
	v0 =	vadd.f32 v8, v13  }
0x2cf: {  	v34 =	vld [tilespmem:s21+$0xFFFFFF50];
	[tilespmem:s12+$0xFFFFFE40] =	vst v5  }
0x2d0: {  	[tilespmem:s12+$0x100] =	vst v0;
	v0 =	vld [tilespmem:s13+$0xFFFFFF50]  }
0x2d1: {  	v6 =	vld [tilespmem:s21+$0xFFFFF420]  }
0x2d2: {  	v9 =	vadd.f32 v31, v30;
	v3 =	vld [tilespmem:s13+$0xFFFFF420]  }
0x2d3: {  	v35 =	vld [tilespmem:s21+$0xFFFFFF90]  }
0x2d4: {  	v7 =	vld [tilespmem:s13+$0xFFFFFF90];
	[tilespmem:s12+$0x1D0] =	vst v9  }
0x2d5: {  	v2 =	vadd.f32 v2, v4;
	v9 =	vld [tilespmem:s21+$0xFFFFF5F0]  }
0x2d6: {  	v1 =	vadd.f32 v1, v36;
	v5 =	vld [tilespmem:s13+$0xFFFFF5F0]  }
0x2d7: {  	[tilespmem:s12+$0xFFFFFE90] =	vst v2;
	v8 =	vld [tilespmem:s13+$0xFFFFFF10];
	v0 =	vadd.f32 v0, v34  }
0x2d8: {  	v42 =	vld [tilespmem:s21+$0xFFFFFE60];
	[tilespmem:s12+$0xFFFFFF10] =	vst v1;
	v3 =	vadd.f32 v3, v6  }
0x2d9: {  	v43 =	vld [tilespmem:s21+$0xFFFFFEA0];
	[tilespmem:s12+$0xC0] =	vst v0  }
0x2da: {  	v0 =	vadd.f32 v7, v35;
	[tilespmem:s12+$0xFFFFFE10] =	vst v3;
	v40 =	vld [tilespmem:s21+$0xFFFFF560]  }
0x2db: {  	v5 =	vadd.f32 v5, v9;
	v4 =	vld [tilespmem:s21+$0xFFFFFE20]  }
0x2dc: {  	[tilespmem:s12+$0x140] =	vst v0;
	v0 =	vld [tilespmem:s13+$0xFFFFF560]  }
0x2dd: {  	[tilespmem:s12+$0x1A0] =	vst v5;
	v41 =	vld [tilespmem:s21+$0xFFFFF5A0]  }
0x2de: {  	v5 =	vadd.f32 v8, v33;
	v8 =	vld [tilespmem:s21+$0xFFFFFFF0]  }
0x2df: {  	v38 =	vld [tilespmem:s13+$0xFFFFFFF0]  }
0x2e0: {  	[tilespmem:s12+$0x40] =	vst v5;
	v5 =	vld [tilespmem:s13+$0xFFFFF4E0]  }
0x2e1: {  	v6 =	vld [tilespmem:s13+$0xFFFFF5A0]  }
0x2e2: {  	v2 =	vld [tilespmem:s13+$0xFFFFFE20]  }
0x2e3: {  	v39 =	vld [tilespmem:s21+$0xFFFFF520];
	v0 =	vadd.f32 v0, v40  }
0x2e4: {  	v7 =	vld [tilespmem:s13+$0xFFFFF520];
	v8 =	vadd.f32 v38, v8  }
0x2e5: {  	[tilespmem:s12+$0x90] =	vst v0;
	v1 =	vadd.f32 v5, v37;
	v5 =	vld [tilespmem:s13+$0xFFFFFE60]  }
0x2e6: {  	v0 =	vadd.f32 v6, v41;
	v46 =	vld [tilespmem:s21+$0xFFFFFF60];
	[tilespmem:s12+$0x1E0] =	vst v8  }
0x2e7: {  	v8 =	vld [tilespmem:s21+$0xFFFFF600]  }
0x2e8: {  	[tilespmem:s12+$0x110] =	vst v0;
	v3 =	vld [tilespmem:s13+$0xFFFFF600]  }
0x2e9: {  	v0 =	vadd.f32 v2, v4;
	[tilespmem:s12+$0xFFFFFF90] =	vst v1;
	v1 =	vld [tilespmem:s13+$0xFFFFFEA0]  }
0x2ea: {  	v2 =	vld [tilespmem:s13+$0xFFFFFF60]  }
0x2eb: {  	v4 =	vld [tilespmem:s21+$0xFFFFFFA0];
	[tilespmem:s12+$0xFFFFFE50] =	vst v0  }
0x2ec: {  	v47 =	vld [tilespmem:s21+$0xFFFFF430];
	v0 =	vadd.f32 v5, v42  }
0x2ed: {  	v5 =	vld [tilespmem:s13+$0xFFFFFFA0]  }
0x2ee: {  	v3 =	vadd.f32 v3, v8;
	[tilespmem:s12+$0xFFFFFED0] =	vst v0;
	v0 =	vadd.f32 v1, v43;
	v1 =	vld [tilespmem:s13+$0xFFFFF430]  }
0x2ef: {  	v8 =	vld [tilespmem:s21+$0xFFFFFEE0]  }
0x2f0: {  	v48 =	vld [tilespmem:s21+$0xFFFFF470];
	[tilespmem:s12+$0x1B0] =	vst v3;
	v3 =	vadd.f32 v7, v39  }
0x2f1: {  	v7 =	vld [tilespmem:s21+$0x0]  }
0x2f2: {  	[tilespmem:s12+$0x10] =	vst v3;
	v3 =	vld [tilespmem:s13+$0xFFFFFEE0]  }
0x2f3: {  	v45 =	vld [tilespmem:s21+$0xFFFFFF20];
	v1 =	vadd.f32 v1, v47  }
0x2f4: {  	v6 =	vld [tilespmem:s13+$0xFFFFFF20]  }
0x2f5: {  	v44 =	vld [tilespmem:s13+$0x0];
	[tilespmem:s12+$0xFFFFFE20] =	vst v1  }
0x2f6: {  	v52 =	vld [tilespmem:s21+$0xFFFFFE30]  }
0x2f7: {  	[tilespmem:s12+$0xFFFFFF50] =	vst v0;
	v0 =	vadd.f32 v3, v8;
	v3 =	vld [tilespmem:s13+$0xFFFFF470]  }
0x2f8: {  	v8 =	vld [tilespmem:s21+$0xFFFFF4B0]  }
0x2f9: {  	[tilespmem:s12+$0xFFFFFFD0] =	vst v0;
	v0 =	vadd.f32 v6, v45;
	v6 =	vld [tilespmem:s13+$0xFFFFF4B0]  }
0x2fa: {  	v49 =	vld [tilespmem:s21+$0xFFFFF4F0]  }
0x2fb: {  	[tilespmem:s12+$0x50] =	vst v0;
	v0 =	vadd.f32 v2, v46;
	v2 =	vld [tilespmem:s13+$0xFFFFF4F0]  }
0x2fc: {  	v50 =	vld [tilespmem:s21+$0xFFFFF530]  }
0x2fd: {  	v1 =	vadd.f32 v3, v48;
	[tilespmem:s12+$0xD0] =	vst v0;
	v0 =	vadd.f32 v5, v4;
	v4 =	vld [tilespmem:s13+$0xFFFFF530]  }
0x2fe: {  	v5 =	vld [tilespmem:s21+$0xFFFFF570]  }
0x2ff: {  	[tilespmem:s12+$0xFFFFFEA0] =	vst v1;
	v1 =	vadd.f32 v6, v8;
	v6 =	vld [tilespmem:s13+$0xFFFFFE30]  }
0x300: {  	[tilespmem:s12+$0x150] =	vst v0;
	v0 =	vld [tilespmem:s13+$0xFFFFF570]  }
0x301: {  	v8 =	vld [tilespmem:s21+$0xFFFFFE70]  }
0x302: {  	v51 =	vld [tilespmem:s21+$0xFFFFF5B0]  }
0x303: {  	v3 =	vld [tilespmem:s13+$0xFFFFF5B0]  }
0x304: {  	[tilespmem:s12+$0xFFFFFF20] =	vst v1;
	v1 =	vadd.f32 v2, v49;
	v2 =	vld [tilespmem:s13+$0xFFFFFE70]  }
0x305: {  	v53 =	vld [tilespmem:s21+$0xFFFFFEB0]  }
0x306: {  	[tilespmem:s12+$0xFFFFFFA0] =	vst v1;
	v1 =	vadd.f32 v4, v50;
	v4 =	vld [tilespmem:s13+$0xFFFFFEB0]  }
0x307: {  	v54 =	vld [tilespmem:s21+$0xFFFFFEF0];
	v6 =	vadd.f32 v6, v52  }
0x308: {  	[tilespmem:s12+$0x20] =	vst v1;
	v0 =	vadd.f32 v0, v5;
	v1 =	vld [tilespmem:s13+$0xFFFFFEF0]  }
0x309: {  	v5 =	vld [tilespmem:s21+$0xFFFFFF30];
	[tilespmem:s12+$0xFFFFFE60] =	vst v6  }
0x30a: {  	[tilespmem:s12+$0xA0] =	vst v0;
	v0 =	vadd.f32 v3, v51;
	v3 =	vld [tilespmem:s13+$0xFFFFFF30]  }
0x30b: {  	v2 =	vadd.f32 v2, v8;
	v8 =	vld [tilespmem:s21+$0xFFFFF440]  }
0x30c: {  	v55 =	vld [tilespmem:s21+$0xFFFFFF70]  }
0x30d: {  	[tilespmem:s12+$0xFFFFFEE0] =	vst v2;
	v2 =	vadd.f32 v4, v53;
	v4 =	vld [tilespmem:s13+$0xFFFFF440]  }
0x30e: {  	[tilespmem:s12+$0x120] =	vst v0;
	v0 =	vld [tilespmem:s13+$0xFFFFFF70]  }
0x30f: {  	v57 =	vld [tilespmem:s21+$0xFFFFF480]  }
0x310: {  	v56 =	vld [tilespmem:s21+$0xFFFFFFB0]  }
0x311: {  	v6 =	vld [tilespmem:s13+$0xFFFFFFB0]  }
0x312: {  	[tilespmem:s12+$0xFFFFFF60] =	vst v2;
	v1 =	vadd.f32 v1, v54;
	v2 =	vld [tilespmem:s13+$0xFFFFF480]  }
0x313: {  	v58 =	vld [tilespmem:s21+$0xFFFFF4C0]  }
0x314: {  	[tilespmem:s12+$0xFFFFFFE0] =	vst v1;
	v1 =	vadd.f32 v3, v5;
	v3 =	vld [tilespmem:s13+$0xFFFFF4C0]  }
0x315: {  	v5 =	vld [tilespmem:s21+$0xFFFFF500];
	v4 =	vadd.f32 v4, v8  }
0x316: {  	[tilespmem:s12+$0x60] =	vst v1;
	v0 =	vadd.f32 v0, v55;
	v1 =	vld [tilespmem:s13+$0xFFFFF500]  }
0x317: {  	v59 =	vld [tilespmem:s21+$0xFFFFF540];
	[tilespmem:s12+$0xFFFFFE30] =	vst v4  }
0x318: {  	[tilespmem:s12+$0xE0] =	vst v0;
	v0 =	vadd.f32 v6, v56;
	v6 =	vld [tilespmem:s13+$0xFFFFF540]  }
0x319: {  	v2 =	vadd.f32 v2, v57;
	v61 =	vld [tilespmem:s21+$0xFFFFFE40]  }
0x31a: {  	v60 =	vld [tilespmem:s21+$0xFFFFF580]  }
0x31b: {  	[tilespmem:s12+$0xFFFFFEB0] =	vst v2;
	v2 =	vadd.f32 v3, v58;
	v3 =	vld [tilespmem:s13+$0xFFFFFE40]  }
0x31c: {  	[tilespmem:s12+$0x160] =	vst v0;
	v0 =	vld [tilespmem:s13+$0xFFFFF580]  }
0x31d: {  	v62 =	vld [tilespmem:s21+$0xFFFFFE80]  }
0x31e: {  	v8 =	vld [tilespmem:s21+$0xFFFFF5C0]  }
0x31f: {  	v4 =	vld [tilespmem:s13+$0xFFFFF5C0]  }
0x320: {  	[tilespmem:s12+$0xFFFFFF30] =	vst v2;
	v1 =	vadd.f32 v1, v5;
	v5 =	vld [tilespmem:s13+$0xFFFFFE80]  }
0x321: {  	v14 =	vld [tilespmem:s21+$0xFFFFFEC0]  }
0x322: {  	[tilespmem:s12+$0xFFFFFFB0] =	vst v1;
	v1 =	vadd.f32 v6, v59;
	v6 =	vld [tilespmem:s13+$0xFFFFFEC0]  }
0x323: {  	v2 =	vadd.f32 v44, v7;
	v7 =	vld [tilespmem:s21+$0xFFFFFF00]  }
0x324: {  	v63 =	vld [tilespmem:s13+$0xFFFFFF00];
	[tilespmem:s12+$0x30] =	vst v1;
	v1 =	vadd.f32 v0, v60  }
0x325: {  	[tilespmem:s12+$0x1F0] =	vst v2;
	v3 =	vadd.f32 v3, v61;
	v0 =	vld [tilespmem:s21+$0xFFFFFF40]  }
0x326: {  	v4 =	vadd.f32 v4, v8;
	v2 =	vld [tilespmem:s13+$0xFFFFFF40];
	[tilespmem:s12+$0xB0] =	vst v1  }
0x327: {  	[tilespmem:s12+$0xFFFFFE70] =	vst v3;
	v1 =	vld [tilespmem:s21+$0xFFFFFF80];
	v6 =	vadd.f32 v6, v14  }
0x328: {  	v5 =	vadd.f32 v5, v62;
	[tilespmem:s12+$0x130] =	vst v4;
	v4 =	vld [tilespmem:s13+$0xFFFFFF80]  }
0x329: {  	v3 =	vld [tilespmem:s21+$0xFFFFFFC0];
	[tilespmem:s12+$0xFFFFFF70] =	vst v6;
	v6 =	vadd.f32 v63, v7  }
0x32a: {  	s30 =	simm.s32 $0x16FB0;
	[tilespmem:s12+$0xFFFFFEF0] =	vst v5;
	s21 =	simm.s32 $0x0;
	v5 =	vld [tilespmem:s13+$0xFFFFFFC0]  }
.LBB2_12:
0x32b: {  	v7 =	vld [tilespmem:s30+$0xFFFFF5D0];
	[tilespmem:s12+$0xFFFFFFF0] =	vst v6;
	v0 =	vadd.f32 v2, v0;
	s13 =	sadd.s32 $0x200, s13  }
0x32c: {  	v2 =	vld [tilespmem:s13+$0xFFFFF5D0]  }
0x32d: {  	v6 =	vld [tilespmem:s13+$0xFFFFF410];
	[tilespmem:s12+$0x70] =	vst v0;
	v0 =	vadd.f32 v4, v1  }
0x32e: {  	v1 =	vld [tilespmem:s30+$0xFFFFF450]  }
0x32f: {  	v4 =	vld [tilespmem:s13+$0xFFFFF450];
	[tilespmem:s12+$0xF0] =	vst v0;
	v0 =	vadd.f32 v5, v3  }
0x330: {  	v3 =	vld [tilespmem:s30+$0xFFFFF490]  }
0x331: {  	v5 =	vld [tilespmem:s13+$0xFFFFF490];
	v2 =	vadd.f32 v2, v7;
	[tilespmem:s12+$0x170] =	vst v0  }
0x332: {  	s12 =	sadd.s32 $0x400, s12;
	v0 =	vld [tilespmem:s30+$0xFFFFF4D0]  }
0x333: {  	s21 =	sadd.s32 $0x8, s21;
	v7 =	vld [tilespmem:s13+$0xFFFFF4D0];
	[tilespmem:s12+$0x180] =	vst v2  }
0x334: {  	p4 =	slt.u32 s21, $0x20;
	v1 =	vadd.f32 v4, v1;
	v2 =	vld [tilespmem:s30+$0xFFFFFFD0]  }
0x335: {  	v4 =	vld [tilespmem:s13+$0xFFFFFFD0]  }
0x336: {  	[tilespmem:s12+$0xFFFFFE80] =	vst v1;
	v1 =	vadd.f32 v5, v3;
	v3 =	vld [tilespmem:s30+$0xFFFFF510]  }
0x337: {  	v5 =	vld [tilespmem:s13+$0xFFFFF510]  }
0x338: {  	[tilespmem:s12+$0xFFFFFF00] =	vst v1;
	v0 =	vadd.f32 v7, v0;
	v1 =	vld [tilespmem:s30+$0xFFFFF550]  }
0x339: {  	v7 =	vld [tilespmem:s13+$0xFFFFF550]  }
0x33a: {  	[tilespmem:s12+$0xFFFFFF80] =	vst v0;
	v0 =	vld [tilespmem:s30+$0xFFFFF590];
	v2 =	vadd.f32 v4, v2  }
0x33b: {  	v4 =	vld [tilespmem:s13+$0xFFFFF590]  }
0x33c: {  	v8 =	vld [tilespmem:s30+$0xFFFFF410];
	v3 =	vadd.f32 v5, v3;
	[tilespmem:s12+$0x1C0] =	vst v2  }
0x33d: {  	v2 =	vld [tilespmem:s30+$0xFFFFF5E0]  }
0x33e: {  	[tilespmem:s12+$0x0] =	vst v3;
	v1 =	vadd.f32 v7, v1;
	v3 =	vld [tilespmem:s13+$0xFFFFF5E0]  }
0x33f: {  	v5 =	vld [tilespmem:s30+$0xFFFFFE50]  }
0x340: {  	v7 =	vld [tilespmem:s13+$0xFFFFFE50];
	[tilespmem:s12+$0x80] =	vst v1;
	v0 =	vadd.f32 v4, v0  }
0x341: {  	v1 =	vadd.f32 v6, v8;
	v4 =	vld [tilespmem:s30+$0xFFFFFE90]  }
0x342: {  	v6 =	vld [tilespmem:s13+$0xFFFFFE90];
	[tilespmem:s12+$0x100] =	vst v0  }
0x343: {  	[tilespmem:s12+$0xFFFFFE00] =	vst v1;
	v0 =	vld [tilespmem:s30+$0xFFFFFED0];
	v1 =	vadd.f32 v3, v2  }
0x344: {  	v2 =	vld [tilespmem:s30+$0xFFFFFE10]  }
0x345: {  	v3 =	vld [tilespmem:s13+$0xFFFFFE10];
	v5 =	vadd.f32 v7, v5;
	[tilespmem:s12+$0x190] =	vst v1  }
0x346: {  	v1 =	vld [tilespmem:s30+$0xFFFFFFE0]  }
0x347: {  	[tilespmem:s12+$0xFFFFFEC0] =	vst v5;
	v4 =	vadd.f32 v6, v4;
	v5 =	vld [tilespmem:s13+$0xFFFFFFE0]  }
0x348: {  	v6 =	vld [tilespmem:s13+$0xFFFFFED0]  }
0x349: {  	[tilespmem:s12+$0xFFFFFF40] =	vst v4;
	v4 =	vld [tilespmem:s30+$0xFFFFFF10]  }
0x34a: {  	v2 =	vadd.f32 v3, v2;
	v3 =	vld [tilespmem:s13+$0xFFFFFF10]  }
0x34b: {  	v7 =	vld [tilespmem:s30+$0xFFFFFF50]  }
0x34c: {  	[tilespmem:s12+$0xFFFFFE40] =	vst v2;
	v2 =	vld [tilespmem:s13+$0xFFFFFF50];
	v1 =	vadd.f32 v5, v1  }
0x34d: {  	v0 =	vadd.f32 v6, v0;
	v5 =	vld [tilespmem:s30+$0xFFFFFF90]  }
0x34e: {  	v6 =	vld [tilespmem:s13+$0xFFFFFF90];
	[tilespmem:s12+$0x1D0] =	vst v1  }
0x34f: {  	[tilespmem:s12+$0xFFFFFFC0] =	vst v0;
	v0 =	vadd.f32 v3, v4;
	v1 =	vld [tilespmem:s30+$0xFFFFF5F0]  }
0x350: {  	v3 =	vld [tilespmem:s13+$0xFFFFF5F0]  }
0x351: {  	v4 =	vld [tilespmem:s30+$0xFFFFF420];
	[tilespmem:s12+$0x40] =	vst v0;
	v0 =	vadd.f32 v2, v7  }
0x352: {  	v2 =	vld [tilespmem:s13+$0xFFFFF420]  }
0x353: {  	v7 =	vld [tilespmem:s30+$0xFFFFF460];
	[tilespmem:s12+$0xC0] =	vst v0;
	v0 =	vadd.f32 v6, v5  }
0x354: {  	v5 =	vld [tilespmem:s13+$0xFFFFF460]  }
0x355: {  	v6 =	vld [tilespmem:s30+$0xFFFFF4A0];
	[tilespmem:s12+$0x140] =	vst v0;
	v0 =	vadd.f32 v3, v1  }
0x356: {  	v1 =	vld [tilespmem:s13+$0xFFFFF4A0]  }
0x357: {  	v2 =	vadd.f32 v2, v4;
	v3 =	vld [tilespmem:s30+$0xFFFFF4E0];
	[tilespmem:s12+$0x1A0] =	vst v0  }
0x358: {  	v0 =	vld [tilespmem:s30+$0xFFFFFFF0]  }
0x359: {  	[tilespmem:s12+$0xFFFFFE10] =	vst v2;
	v2 =	vadd.f32 v5, v7;
	v4 =	vld [tilespmem:s13+$0xFFFFFFF0]  }
0x35a: {  	v5 =	vld [tilespmem:s13+$0xFFFFF4E0]  }
0x35b: {  	[tilespmem:s12+$0xFFFFFE90] =	vst v2;
	v1 =	vadd.f32 v1, v6;
	v2 =	vld [tilespmem:s30+$0xFFFFF520]  }
0x35c: {  	v6 =	vld [tilespmem:s13+$0xFFFFF520]  }
0x35d: {  	[tilespmem:s12+$0xFFFFFF10] =	vst v1;
	v1 =	vld [tilespmem:s30+$0xFFFFF560]  }
0x35e: {  	v7 =	vld [tilespmem:s13+$0xFFFFF560];
	v0 =	vadd.f32 v4, v0  }
0x35f: {  	v3 =	vadd.f32 v5, v3;
	v4 =	vld [tilespmem:s30+$0xFFFFF5A0]  }
0x360: {  	v5 =	vld [tilespmem:s13+$0xFFFFF5A0];
	[tilespmem:s12+$0x1E0] =	vst v0  }
0x361: {  	[tilespmem:s12+$0xFFFFFF90] =	vst v3;
	v0 =	vadd.f32 v6, v2;
	v2 =	vld [tilespmem:s30+$0xFFFFF600]  }
0x362: {  	v3 =	vld [tilespmem:s13+$0xFFFFF600]  }
0x363: {  	v6 =	vld [tilespmem:s30+$0xFFFFFE20];
	[tilespmem:s12+$0x10] =	vst v0;
	v0 =	vadd.f32 v7, v1  }
0x364: {  	v1 =	vld [tilespmem:s13+$0xFFFFFE20]  }
0x365: {  	v7 =	vld [tilespmem:s30+$0xFFFFFE60];
	[tilespmem:s12+$0x90] =	vst v0;
	v0 =	vadd.f32 v5, v4  }
0x366: {  	v4 =	vld [tilespmem:s13+$0xFFFFFE60]  }
0x367: {  	v5 =	vld [tilespmem:s30+$0xFFFFFEA0];
	[tilespmem:s12+$0x110] =	vst v0;
	v0 =	vadd.f32 v3, v2  }
0x368: {  	v2 =	vld [tilespmem:s13+$0xFFFFFEA0]  }
0x369: {  	v1 =	vadd.f32 v1, v6;
	v3 =	vld [tilespmem:s30+$0xFFFFFEE0];
	[tilespmem:s12+$0x1B0] =	vst v0  }
0x36a: {  	v0 =	vld [tilespmem:s30+$0x0]  }
0x36b: {  	[tilespmem:s12+$0xFFFFFE50] =	vst v1;
	v1 =	vadd.f32 v4, v7;
	v4 =	vld [tilespmem:s13+$0x0]  }
0x36c: {  	v6 =	vld [tilespmem:s13+$0xFFFFFEE0]  }
0x36d: {  	[tilespmem:s12+$0xFFFFFED0] =	vst v1;
	v1 =	vadd.f32 v2, v5;
	v2 =	vld [tilespmem:s30+$0xFFFFFF20]  }
0x36e: {  	v5 =	vld [tilespmem:s13+$0xFFFFFF20]  }
0x36f: {  	[tilespmem:s12+$0xFFFFFF50] =	vst v1;
	v1 =	vld [tilespmem:s30+$0xFFFFFF60]  }
0x370: {  	v7 =	vld [tilespmem:s13+$0xFFFFFF60];
	v0 =	vadd.f32 v4, v0  }
0x371: {  	v3 =	vadd.f32 v6, v3;
	v4 =	vld [tilespmem:s30+$0xFFFFFFA0]  }
0x372: {  	v6 =	vld [tilespmem:s13+$0xFFFFFFA0];
	[tilespmem:s12+$0x1F0] =	vst v0  }
0x373: {  	v0 =	vld [tilespmem:s30+$0xFFFFF430];
	[tilespmem:s12+$0xFFFFFFD0] =	vst v3;
	v2 =	vadd.f32 v5, v2  }
0x374: {  	v3 =	vld [tilespmem:s13+$0xFFFFF430]  }
0x375: {  	v5 =	vld [tilespmem:s30+$0xFFFFF470];
	[tilespmem:s12+$0x50] =	vst v2;
	v1 =	vadd.f32 v7, v1  }
0x376: {  	v2 =	vld [tilespmem:s13+$0xFFFFF470]  }
0x377: {  	v7 =	vld [tilespmem:s30+$0xFFFFF4B0];
	[tilespmem:s12+$0xD0] =	vst v1;
	v1 =	vadd.f32 v6, v4  }
0x378: {  	v4 =	vld [tilespmem:s13+$0xFFFFF4B0]  }
0x379: {  	v0 =	vadd.f32 v3, v0;
	v3 =	vld [tilespmem:s30+$0xFFFFF4F0];
	[tilespmem:s12+$0x150] =	vst v1  }
0x37a: {  	v1 =	vld [tilespmem:s13+$0xFFFFF4F0]  }
0x37b: {  	[tilespmem:s12+$0xFFFFFE20] =	vst v0;
	v0 =	vadd.f32 v2, v5;
	v2 =	vld [tilespmem:s30+$0xFFFFF530]  }
0x37c: {  	v5 =	vld [tilespmem:s13+$0xFFFFF530]  }
0x37d: {  	[tilespmem:s12+$0xFFFFFEA0] =	vst v0;
	v0 =	vadd.f32 v4, v7;
	v4 =	vld [tilespmem:s30+$0xFFFFF570]  }
0x37e: {  	v6 =	vld [tilespmem:s13+$0xFFFFF570]  }
0x37f: {  	[tilespmem:s12+$0xFFFFFF20] =	vst v0;
	v0 =	vadd.f32 v1, v3;
	v1 =	vld [tilespmem:s30+$0xFFFFF5B0]  }
0x380: {  	v3 =	vld [tilespmem:s13+$0xFFFFF5B0]  }
0x381: {  	v7 =	vld [tilespmem:s30+$0xFFFFFE30];
	[tilespmem:s12+$0xFFFFFFA0] =	vst v0;
	v0 =	vadd.f32 v5, v2  }
0x382: {  	v2 =	vld [tilespmem:s13+$0xFFFFFE30]  }
0x383: {  	v5 =	vld [tilespmem:s30+$0xFFFFFE70];
	[tilespmem:s12+$0x20] =	vst v0;
	v0 =	vadd.f32 v6, v4  }
0x384: {  	v4 =	vld [tilespmem:s13+$0xFFFFFE70]  }
0x385: {  	v6 =	vld [tilespmem:s30+$0xFFFFFEB0];
	[tilespmem:s12+$0xA0] =	vst v0;
	v0 =	vadd.f32 v3, v1  }
0x386: {  	v1 =	vld [tilespmem:s13+$0xFFFFFEB0]  }
0x387: {  	v2 =	vadd.f32 v2, v7;
	v3 =	vld [tilespmem:s30+$0xFFFFFEF0];
	[tilespmem:s12+$0x120] =	vst v0  }
0x388: {  	v0 =	vld [tilespmem:s13+$0xFFFFFEF0]  }
0x389: {  	[tilespmem:s12+$0xFFFFFE60] =	vst v2;
	v2 =	vadd.f32 v4, v5;
	v4 =	vld [tilespmem:s30+$0xFFFFFF30]  }
0x38a: {  	v5 =	vld [tilespmem:s13+$0xFFFFFF30]  }
0x38b: {  	[tilespmem:s12+$0xFFFFFEE0] =	vst v2;
	v1 =	vadd.f32 v1, v6;
	v2 =	vld [tilespmem:s30+$0xFFFFFF70]  }
0x38c: {  	v6 =	vld [tilespmem:s13+$0xFFFFFF70]  }
0x38d: {  	[tilespmem:s12+$0xFFFFFF60] =	vst v1;
	v0 =	vadd.f32 v0, v3;
	v1 =	vld [tilespmem:s30+$0xFFFFFFB0]  }
0x38e: {  	v3 =	vld [tilespmem:s13+$0xFFFFFFB0]  }
0x38f: {  	v7 =	vld [tilespmem:s30+$0xFFFFF440];
	[tilespmem:s12+$0xFFFFFFE0] =	vst v0;
	v0 =	vadd.f32 v5, v4  }
0x390: {  	v4 =	vld [tilespmem:s13+$0xFFFFF440]  }
0x391: {  	v5 =	vld [tilespmem:s30+$0xFFFFF480];
	[tilespmem:s12+$0x60] =	vst v0;
	v0 =	vadd.f32 v6, v2  }
0x392: {  	v2 =	vld [tilespmem:s13+$0xFFFFF480]  }
0x393: {  	v6 =	vld [tilespmem:s30+$0xFFFFF4C0];
	[tilespmem:s12+$0xE0] =	vst v0;
	v0 =	vadd.f32 v3, v1  }
0x394: {  	v1 =	vld [tilespmem:s13+$0xFFFFF4C0]  }
0x395: {  	v3 =	vadd.f32 v4, v7;
	v4 =	vld [tilespmem:s30+$0xFFFFF500];
	[tilespmem:s12+$0x160] =	vst v0  }
0x396: {  	v0 =	vld [tilespmem:s13+$0xFFFFF500]  }
0x397: {  	[tilespmem:s12+$0xFFFFFE30] =	vst v3;
	v2 =	vadd.f32 v2, v5;
	v3 =	vld [tilespmem:s30+$0xFFFFF540]  }
0x398: {  	v5 =	vld [tilespmem:s13+$0xFFFFF540]  }
0x399: {  	[tilespmem:s12+$0xFFFFFEB0] =	vst v2;
	v1 =	vadd.f32 v1, v6;
	v2 =	vld [tilespmem:s30+$0xFFFFF580]  }
0x39a: {  	v6 =	vld [tilespmem:s13+$0xFFFFF580]  }
0x39b: {  	[tilespmem:s12+$0xFFFFFF30] =	vst v1;
	v0 =	vadd.f32 v0, v4;
	v1 =	vld [tilespmem:s30+$0xFFFFF5C0]  }
0x39c: {  	v4 =	vld [tilespmem:s13+$0xFFFFF5C0]  }
0x39d: {  	v7 =	vld [tilespmem:s30+$0xFFFFFE40];
	[tilespmem:s12+$0xFFFFFFB0] =	vst v0;
	v0 =	vadd.f32 v5, v3  }
0x39e: {  	v3 =	vld [tilespmem:s13+$0xFFFFFE40]  }
0x39f: {  	v5 =	vld [tilespmem:s30+$0xFFFFFE80];
	[tilespmem:s12+$0x30] =	vst v0;
	v0 =	vadd.f32 v6, v2  }
0x3a0: {  	v2 =	vld [tilespmem:s13+$0xFFFFFE80]  }
0x3a1: {  	v6 =	vld [tilespmem:s30+$0xFFFFFEC0];
	[tilespmem:s12+$0xB0] =	vst v0;
	v0 =	vadd.f32 v4, v1  }
0x3a2: {  	v1 =	vld [tilespmem:s13+$0xFFFFFEC0]  }
0x3a3: {  	v3 =	vadd.f32 v3, v7;
	v7 =	vld [tilespmem:s30+$0xFFFFFF00];
	[tilespmem:s12+$0x130] =	vst v0  }
0x3a4: {  	v8 =	vld [tilespmem:s13+$0xFFFFFF00]  }
0x3a5: {  	[tilespmem:s12+$0xFFFFFE70] =	vst v3;
	v3 =	vadd.f32 v2, v5;
	v0 =	vld [tilespmem:s30+$0xFFFFFF40]  }
.Ltmp7:
0x3a6: {  	v2 =	vld [tilespmem:s13+$0xFFFFFF40];
	(pc) =	sbr.rel @p4 .LBB2_12-.Ltmp7, $4  }
0x3a7: {  	[tilespmem:s12+$0xFFFFFEF0] =	vst v3;
	v3 =	vadd.f32 v1, v6;
	v1 =	vld [tilespmem:s30+$0xFFFFFF80]  }
0x3a8: {  	v4 =	vld [tilespmem:s13+$0xFFFFFF80]  }
0x3a9: {  	[tilespmem:s12+$0xFFFFFF70] =	vst v3;
	v6 =	vadd.f32 v8, v7;
	v3 =	vld [tilespmem:s30+$0xFFFFFFC0]  }
0x3aa: {  	s30 =	sadd.s32 $0x200, s30;
	v5 =	vld [tilespmem:s13+$0xFFFFFFC0]  }
0x3ab: {  	_ = 	snop  }
0x3ac: {  	s10 =	sadd.s32 $0x1, s10  }
0x3ad: {  	v0 =	vadd.f32 v2, v0;
	p4 =	sne.s32 s10, $0x3E  }
.Ltmp8:
0x3ae: {  	[tilespmem:s12+$0xFFFFFFF0] =	vst v6;
	s13 =	sadd.s32 s23, s9;
	v1 =	vadd.f32 v4, v1;
	(pc) =	sbr.rel @p4 .LBB2_9-.Ltmp8, $4  }
0x3af: {  	s13 =	sshll.u32 s13, $0x4;
	[tilespmem:s12+$0x70] =	vst v0;
	v63 =	vadd.f32 v5, v3  }
0x3b0: {  	s13 =	sand.u32 $0x1FFFFF80, s13;
	[tilespmem:s12+$0xF0] =	vst v1  }
0x3b1: {  	s30 =	simm.s32 $0x19DC0;
	s23 =	sadd.s32 s7, s13;
	[tilespmem:s12+$0x170] =	vst v63  }
0x3b2: {  	[hbm4b:s23+s5] =	stream.linear.scatter [tilespmem:s30], [sflag:$0x5], $0x1400, $0x38;
	[tilespmem:$0x1B1C0] =	vst v63  }
0x3b3: {  	_ =	swait.ge [sflag:s22], $0x1400  }
0x3b4: {  	[sflag:s22] =	ssyncset.done $0x0  }
0x3b5: {  	[sflag:s22] =	ssyncadd.s32 $0xFFFFEC00  }
0x3b6: {  	_ =	swait.ge [sflag:s22], $0x1400  }
0x3b7: {  	[sflag:s22] =	ssyncset.done $0x0  }
0x3b8: {  	[sflag:s22] =	ssyncadd.s32 $0xFFFFEC00  }
0x3b9: {  	_ =	swait.ge [sflag:s17], $0x28  }
0x3ba: {  	[sflag:s17] =	ssyncset.done $0x0  }
0x3bb: {  	[sflag:s17] =	ssyncadd.s32 $0xFFFFFFD8  }
0x3bc: {  	_ =	swait.ge [sflag:s17], $0x28  }
0x3bd: {  	[sflag:s17] =	ssyncset.done $0x0  }
0x3be: {  	[sflag:s17] =	ssyncadd.s32 $0xFFFFFFD8  }
0x3bf: {  	_ =	swait.ge [sflag:s17], $0x28  }
0x3c0: {  	[sflag:s17] =	ssyncset.done $0x0  }
0x3c1: {  	[sflag:s17] =	ssyncadd.s32 $0xFFFFFFD8  }
0x3c2: {  	_ =	swait.ge [sflag:s17], $0x28  }
0x3c3: {  	[sflag:s17] =	ssyncset.done $0x0  }
0x3c4: {  	[sflag:s17] =	ssyncadd.s32 $0xFFFFFFD8  }
0x3c5: {  	[tilespmem:s16], [sflag:$0x3] =	stream.indirect.gather [spmem:s2], $0x40, s29, s14, $0xb8;
	[tilespmem:$0x1B1C0] =	vst v63  }
0x3c6: {  	_ = 	snop  }
0x3c7: {  	[tilespmem:s1], [sflag:$0x3] =	stream.indirect.gather [spmem:s4], $0x40, s31, s14, $0xb8;
	[tilespmem:$0x1B1C0] =	vst v63  }
0x3c8: {  	_ =	swait.ge [sflag:s18], $0x1400  }
0x3c9: {  	[sflag:s18] =	ssyncset.done $0x0  }
0x3ca: {  	[sflag:s18] =	ssyncadd.s32 $0xFFFFEC00  }
0x3cb: {  	_ =	swait.ge [sflag:s18], $0x1400  }
0x3cc: {  	[sflag:s18] =	ssyncset.done $0x0  }
0x3cd: {  	s13 =	simm.s32 $0x145B0;
	[sflag:s18] =	ssyncadd.s32 $0xFFFFEC00  }
0x3ce: {  	s10 =	simm.s32 $0x159B0;
	v0 =	vld [tilespmem:s13+$0xFFFFF5D0]  }
0x3cf: {  	v1 =	vld [tilespmem:s10+$0xFFFFF5D0]  }
0x3d0: {  	v2 =	vld [tilespmem:s10+$0xFFFFF410]  }
0x3d1: {  	v3 =	vld [tilespmem:s13+$0xFFFFF450]  }
0x3d2: {  	v4 =	vld [tilespmem:s10+$0xFFFFF450]  }
0x3d3: {  	v5 =	vld [tilespmem:s13+$0xFFFFF490]  }
0x3d4: {  	v6 =	vld [tilespmem:s10+$0xFFFFF490]  }
0x3d5: {  	v7 =	vld [tilespmem:s10+$0xFFFFF4D0]  }
0x3d6: {  	v9 =	vld [tilespmem:s13+$0xFFFFF510]  }
0x3d7: {  	v10 =	vld [tilespmem:s10+$0xFFFFF510]  }
0x3d8: {  	v11 =	vld [tilespmem:s13+$0xFFFFF550]  }
0x3d9: {  	v12 =	vld [tilespmem:s10+$0xFFFFF550];
	v0 =	vadd.f32 v1, v0  }
0x3da: {  	s12 =	simm.s32 $0x18BC0;
	v1 =	vld [tilespmem:s13+$0xFFFFF4D0]  }
0x3db: {  	v3 =	vadd.f32 v4, v3;
	v4 =	vld [tilespmem:s13+$0xFFFFF410];
	[tilespmem:s12+$0x180] =	vst v0  }
0x3dc: {  	v0 =	vld [tilespmem:s13+$0xFFFFFFD0]  }
0x3dd: {  	v8 =	vld [tilespmem:s10+$0xFFFFFFD0]  }
0x3de: {  	v13 =	vld [tilespmem:s13+$0xFFFFF590];
	[tilespmem:s12+$0xFFFFFE80] =	vst v3;
	v3 =	vadd.f32 v6, v5  }
0x3df: {  	v6 =	vld [tilespmem:s13+$0xFFFFFE50]  }
0x3e0: {  	[tilespmem:s12+$0xFFFFFF00] =	vst v3;
	v3 =	vld [tilespmem:s10+$0xFFFFFE50];
	v1 =	vadd.f32 v7, v1  }
0x3e1: {  	v2 =	vadd.f32 v2, v4;
	v4 =	vld [tilespmem:s13+$0xFFFFFE90]  }
0x3e2: {  	[tilespmem:s12+$0xFFFFFF80] =	vst v1;
	v1 =	vld [tilespmem:s10+$0xFFFFFE90];
	v0 =	vadd.f32 v8, v0  }
0x3e3: {  	[tilespmem:s12+$0xFFFFFE00] =	vst v2;
	v2 =	vld [tilespmem:s13+$0xFFFFFED0]  }
0x3e4: {  	v32 =	vld [tilespmem:s10+$0xFFFFFED0];
	[tilespmem:s12+$0x1C0] =	vst v0  }
0x3e5: {  	v0 =	vld [tilespmem:s13+$0xFFFFF5E0]  }
0x3e6: {  	v3 =	vadd.f32 v3, v6;
	v5 =	vld [tilespmem:s10+$0xFFFFF5E0]  }
0x3e7: {  	v8 =	vld [tilespmem:s10+$0xFFFFF590]  }
0x3e8: {  	v7 =	vld [tilespmem:s10+$0xFFFFFE10];
	[tilespmem:s12+$0xFFFFFEC0] =	vst v3;
	v1 =	vadd.f32 v1, v4  }
0x3e9: {  	v4 =	vld [tilespmem:s13+$0xFFFFF460]  }
0x3ea: {  	[tilespmem:s12+$0xFFFFFF40] =	vst v1;
	v1 =	vadd.f32 v32, v2;
	v2 =	vld [tilespmem:s10+$0xFFFFF460]  }
0x3eb: {  	v0 =	vadd.f32 v5, v0;
	v5 =	vld [tilespmem:s13+$0xFFFFFE10]  }
0x3ec: {  	v36 =	vld [tilespmem:s13+$0xFFFFF4A0];
	[tilespmem:s12+$0xFFFFFFC0] =	vst v1  }
0x3ed: {  	v1 =	vld [tilespmem:s10+$0xFFFFF4A0];
	[tilespmem:s12+$0x190] =	vst v0;
	v0 =	vadd.f32 v10, v9  }
0x3ee: {  	v37 =	vld [tilespmem:s13+$0xFFFFF4E0]  }
0x3ef: {  	v30 =	vld [tilespmem:s13+$0xFFFFFFE0];
	[tilespmem:s12+$0x0] =	vst v0;
	v0 =	vadd.f32 v12, v11  }
0x3f0: {  	v31 =	vld [tilespmem:s10+$0xFFFFFFE0];
	v5 =	vadd.f32 v7, v5  }
0x3f1: {  	v33 =	vld [tilespmem:s13+$0xFFFFFF10];
	[tilespmem:s12+$0x80] =	vst v0;
	v0 =	vadd.f32 v8, v13  }
0x3f2: {  	v34 =	vld [tilespmem:s13+$0xFFFFFF50];
	[tilespmem:s12+$0xFFFFFE40] =	vst v5  }
0x3f3: {  	[tilespmem:s12+$0x100] =	vst v0;
	v0 =	vld [tilespmem:s10+$0xFFFFFF50]  }
0x3f4: {  	v6 =	vld [tilespmem:s13+$0xFFFFF420]  }
0x3f5: {  	v9 =	vadd.f32 v31, v30;
	v3 =	vld [tilespmem:s10+$0xFFFFF420]  }
0x3f6: {  	v35 =	vld [tilespmem:s13+$0xFFFFFF90]  }
0x3f7: {  	v7 =	vld [tilespmem:s10+$0xFFFFFF90];
	[tilespmem:s12+$0x1D0] =	vst v9  }
0x3f8: {  	v2 =	vadd.f32 v2, v4;
	v9 =	vld [tilespmem:s13+$0xFFFFF5F0]  }
0x3f9: {  	v1 =	vadd.f32 v1, v36;
	v5 =	vld [tilespmem:s10+$0xFFFFF5F0]  }
0x3fa: {  	[tilespmem:s12+$0xFFFFFE90] =	vst v2;
	v8 =	vld [tilespmem:s10+$0xFFFFFF10];
	v0 =	vadd.f32 v0, v34  }
0x3fb: {  	v42 =	vld [tilespmem:s13+$0xFFFFFE60];
	[tilespmem:s12+$0xFFFFFF10] =	vst v1;
	v3 =	vadd.f32 v3, v6  }
0x3fc: {  	v43 =	vld [tilespmem:s13+$0xFFFFFEA0];
	[tilespmem:s12+$0xC0] =	vst v0  }
0x3fd: {  	v0 =	vadd.f32 v7, v35;
	[tilespmem:s12+$0xFFFFFE10] =	vst v3;
	v40 =	vld [tilespmem:s13+$0xFFFFF560]  }
0x3fe: {  	v5 =	vadd.f32 v5, v9;
	v4 =	vld [tilespmem:s13+$0xFFFFFE20]  }
0x3ff: {  	[tilespmem:s12+$0x140] =	vst v0;
	v0 =	vld [tilespmem:s10+$0xFFFFF560]  }
0x400: {  	[tilespmem:s12+$0x1A0] =	vst v5;
	v41 =	vld [tilespmem:s13+$0xFFFFF5A0]  }
0x401: {  	v5 =	vadd.f32 v8, v33;
	v8 =	vld [tilespmem:s13+$0xFFFFFFF0]  }
0x402: {  	v38 =	vld [tilespmem:s10+$0xFFFFFFF0]  }
0x403: {  	[tilespmem:s12+$0x40] =	vst v5;
	v5 =	vld [tilespmem:s10+$0xFFFFF4E0]  }
0x404: {  	v6 =	vld [tilespmem:s10+$0xFFFFF5A0]  }
0x405: {  	v2 =	vld [tilespmem:s10+$0xFFFFFE20]  }
0x406: {  	v39 =	vld [tilespmem:s13+$0xFFFFF520];
	v0 =	vadd.f32 v0, v40  }
0x407: {  	v7 =	vld [tilespmem:s10+$0xFFFFF520];
	v8 =	vadd.f32 v38, v8  }
0x408: {  	[tilespmem:s12+$0x90] =	vst v0;
	v1 =	vadd.f32 v5, v37;
	v5 =	vld [tilespmem:s10+$0xFFFFFE60]  }
0x409: {  	v0 =	vadd.f32 v6, v41;
	v46 =	vld [tilespmem:s13+$0xFFFFFF60];
	[tilespmem:s12+$0x1E0] =	vst v8  }
0x40a: {  	v8 =	vld [tilespmem:s13+$0xFFFFF600]  }
0x40b: {  	[tilespmem:s12+$0x110] =	vst v0;
	v3 =	vld [tilespmem:s10+$0xFFFFF600]  }
0x40c: {  	v0 =	vadd.f32 v2, v4;
	[tilespmem:s12+$0xFFFFFF90] =	vst v1;
	v1 =	vld [tilespmem:s10+$0xFFFFFEA0]  }
0x40d: {  	v2 =	vld [tilespmem:s10+$0xFFFFFF60]  }
0x40e: {  	v4 =	vld [tilespmem:s13+$0xFFFFFFA0];
	[tilespmem:s12+$0xFFFFFE50] =	vst v0  }
0x40f: {  	v47 =	vld [tilespmem:s13+$0xFFFFF430];
	v0 =	vadd.f32 v5, v42  }
0x410: {  	v5 =	vld [tilespmem:s10+$0xFFFFFFA0]  }
0x411: {  	v3 =	vadd.f32 v3, v8;
	[tilespmem:s12+$0xFFFFFED0] =	vst v0;
	v0 =	vadd.f32 v1, v43;
	v1 =	vld [tilespmem:s10+$0xFFFFF430]  }
0x412: {  	v8 =	vld [tilespmem:s13+$0xFFFFFEE0]  }
0x413: {  	v48 =	vld [tilespmem:s13+$0xFFFFF470];
	[tilespmem:s12+$0x1B0] =	vst v3;
	v3 =	vadd.f32 v7, v39  }
0x414: {  	v7 =	vld [tilespmem:s13+$0x0]  }
0x415: {  	[tilespmem:s12+$0x10] =	vst v3;
	v3 =	vld [tilespmem:s10+$0xFFFFFEE0]  }
0x416: {  	v45 =	vld [tilespmem:s13+$0xFFFFFF20];
	v1 =	vadd.f32 v1, v47  }
0x417: {  	v6 =	vld [tilespmem:s10+$0xFFFFFF20]  }
0x418: {  	v44 =	vld [tilespmem:s10+$0x0];
	[tilespmem:s12+$0xFFFFFE20] =	vst v1  }
0x419: {  	v52 =	vld [tilespmem:s13+$0xFFFFFE30]  }
0x41a: {  	[tilespmem:s12+$0xFFFFFF50] =	vst v0;
	v0 =	vadd.f32 v3, v8;
	v3 =	vld [tilespmem:s10+$0xFFFFF470]  }
0x41b: {  	v8 =	vld [tilespmem:s13+$0xFFFFF4B0]  }
0x41c: {  	[tilespmem:s12+$0xFFFFFFD0] =	vst v0;
	v0 =	vadd.f32 v6, v45;
	v6 =	vld [tilespmem:s10+$0xFFFFF4B0]  }
0x41d: {  	v49 =	vld [tilespmem:s13+$0xFFFFF4F0]  }
0x41e: {  	[tilespmem:s12+$0x50] =	vst v0;
	v0 =	vadd.f32 v2, v46;
	v2 =	vld [tilespmem:s10+$0xFFFFF4F0]  }
0x41f: {  	v50 =	vld [tilespmem:s13+$0xFFFFF530]  }
0x420: {  	v1 =	vadd.f32 v3, v48;
	[tilespmem:s12+$0xD0] =	vst v0;
	v0 =	vadd.f32 v5, v4;
	v4 =	vld [tilespmem:s10+$0xFFFFF530]  }
0x421: {  	v5 =	vld [tilespmem:s13+$0xFFFFF570]  }
0x422: {  	[tilespmem:s12+$0xFFFFFEA0] =	vst v1;
	v1 =	vadd.f32 v6, v8;
	v6 =	vld [tilespmem:s10+$0xFFFFFE30]  }
0x423: {  	[tilespmem:s12+$0x150] =	vst v0;
	v0 =	vld [tilespmem:s10+$0xFFFFF570]  }
0x424: {  	v8 =	vld [tilespmem:s13+$0xFFFFFE70]  }
0x425: {  	v51 =	vld [tilespmem:s13+$0xFFFFF5B0]  }
0x426: {  	v3 =	vld [tilespmem:s10+$0xFFFFF5B0]  }
0x427: {  	[tilespmem:s12+$0xFFFFFF20] =	vst v1;
	v1 =	vadd.f32 v2, v49;
	v2 =	vld [tilespmem:s10+$0xFFFFFE70]  }
0x428: {  	v53 =	vld [tilespmem:s13+$0xFFFFFEB0]  }
0x429: {  	[tilespmem:s12+$0xFFFFFFA0] =	vst v1;
	v1 =	vadd.f32 v4, v50;
	v4 =	vld [tilespmem:s10+$0xFFFFFEB0]  }
0x42a: {  	v54 =	vld [tilespmem:s13+$0xFFFFFEF0];
	v6 =	vadd.f32 v6, v52  }
0x42b: {  	[tilespmem:s12+$0x20] =	vst v1;
	v0 =	vadd.f32 v0, v5;
	v1 =	vld [tilespmem:s10+$0xFFFFFEF0]  }
0x42c: {  	v5 =	vld [tilespmem:s13+$0xFFFFFF30];
	[tilespmem:s12+$0xFFFFFE60] =	vst v6  }
0x42d: {  	[tilespmem:s12+$0xA0] =	vst v0;
	v0 =	vadd.f32 v3, v51;
	v3 =	vld [tilespmem:s10+$0xFFFFFF30]  }
0x42e: {  	v2 =	vadd.f32 v2, v8;
	v8 =	vld [tilespmem:s13+$0xFFFFF440]  }
0x42f: {  	v55 =	vld [tilespmem:s13+$0xFFFFFF70]  }
0x430: {  	[tilespmem:s12+$0xFFFFFEE0] =	vst v2;
	v2 =	vadd.f32 v4, v53;
	v4 =	vld [tilespmem:s10+$0xFFFFF440]  }
0x431: {  	[tilespmem:s12+$0x120] =	vst v0;
	v0 =	vld [tilespmem:s10+$0xFFFFFF70]  }
0x432: {  	v57 =	vld [tilespmem:s13+$0xFFFFF480]  }
0x433: {  	v56 =	vld [tilespmem:s13+$0xFFFFFFB0]  }
0x434: {  	v6 =	vld [tilespmem:s10+$0xFFFFFFB0]  }
0x435: {  	[tilespmem:s12+$0xFFFFFF60] =	vst v2;
	v1 =	vadd.f32 v1, v54;
	v2 =	vld [tilespmem:s10+$0xFFFFF480]  }
0x436: {  	v58 =	vld [tilespmem:s13+$0xFFFFF4C0]  }
0x437: {  	[tilespmem:s12+$0xFFFFFFE0] =	vst v1;
	v1 =	vadd.f32 v3, v5;
	v3 =	vld [tilespmem:s10+$0xFFFFF4C0]  }
0x438: {  	v5 =	vld [tilespmem:s13+$0xFFFFF500];
	v4 =	vadd.f32 v4, v8  }
0x439: {  	[tilespmem:s12+$0x60] =	vst v1;
	v0 =	vadd.f32 v0, v55;
	v1 =	vld [tilespmem:s10+$0xFFFFF500]  }
0x43a: {  	v59 =	vld [tilespmem:s13+$0xFFFFF540];
	[tilespmem:s12+$0xFFFFFE30] =	vst v4  }
0x43b: {  	[tilespmem:s12+$0xE0] =	vst v0;
	v0 =	vadd.f32 v6, v56;
	v6 =	vld [tilespmem:s10+$0xFFFFF540]  }
0x43c: {  	v2 =	vadd.f32 v2, v57;
	v61 =	vld [tilespmem:s13+$0xFFFFFE40]  }
0x43d: {  	v60 =	vld [tilespmem:s13+$0xFFFFF580]  }
0x43e: {  	[tilespmem:s12+$0xFFFFFEB0] =	vst v2;
	v2 =	vadd.f32 v3, v58;
	v3 =	vld [tilespmem:s10+$0xFFFFFE40]  }
0x43f: {  	[tilespmem:s12+$0x160] =	vst v0;
	v0 =	vld [tilespmem:s10+$0xFFFFF580]  }
0x440: {  	v62 =	vld [tilespmem:s13+$0xFFFFFE80]  }
0x441: {  	v8 =	vld [tilespmem:s13+$0xFFFFF5C0]  }
0x442: {  	v4 =	vld [tilespmem:s10+$0xFFFFF5C0]  }
0x443: {  	[tilespmem:s12+$0xFFFFFF30] =	vst v2;
	v1 =	vadd.f32 v1, v5;
	v5 =	vld [tilespmem:s10+$0xFFFFFE80]  }
0x444: {  	v14 =	vld [tilespmem:s13+$0xFFFFFEC0]  }
0x445: {  	[tilespmem:s12+$0xFFFFFFB0] =	vst v1;
	v1 =	vadd.f32 v6, v59;
	v6 =	vld [tilespmem:s10+$0xFFFFFEC0]  }
0x446: {  	v2 =	vadd.f32 v44, v7;
	v7 =	vld [tilespmem:s13+$0xFFFFFF00]  }
0x447: {  	v63 =	vld [tilespmem:s10+$0xFFFFFF00];
	[tilespmem:s12+$0x30] =	vst v1;
	v1 =	vadd.f32 v0, v60  }
0x448: {  	[tilespmem:s12+$0x1F0] =	vst v2;
	v3 =	vadd.f32 v3, v61;
	v0 =	vld [tilespmem:s13+$0xFFFFFF40]  }
0x449: {  	v4 =	vadd.f32 v4, v8;
	v2 =	vld [tilespmem:s10+$0xFFFFFF40];
	[tilespmem:s12+$0xB0] =	vst v1  }
0x44a: {  	[tilespmem:s12+$0xFFFFFE70] =	vst v3;
	v1 =	vld [tilespmem:s13+$0xFFFFFF80];
	v6 =	vadd.f32 v6, v14  }
0x44b: {  	v5 =	vadd.f32 v5, v62;
	[tilespmem:s12+$0x130] =	vst v4;
	v4 =	vld [tilespmem:s10+$0xFFFFFF80]  }
0x44c: {  	v3 =	vld [tilespmem:s13+$0xFFFFFFC0];
	[tilespmem:s12+$0xFFFFFF70] =	vst v6;
	v6 =	vadd.f32 v63, v7  }
0x44d: {  	s21 =	simm.s32 $0x147B0;
	[tilespmem:s12+$0xFFFFFEF0] =	vst v5;
	s13 =	simm.s32 $0x0;
	v5 =	vld [tilespmem:s10+$0xFFFFFFC0]  }
.LBB2_15:
0x44e: {  	v7 =	vld [tilespmem:s21+$0xFFFFF5D0];
	[tilespmem:s12+$0xFFFFFFF0] =	vst v6;
	v0 =	vadd.f32 v2, v0;
	s10 =	sadd.s32 $0x200, s10  }
0x44f: {  	v2 =	vld [tilespmem:s10+$0xFFFFF5D0]  }
0x450: {  	v6 =	vld [tilespmem:s10+$0xFFFFF410];
	[tilespmem:s12+$0x70] =	vst v0;
	v0 =	vadd.f32 v4, v1  }
0x451: {  	v1 =	vld [tilespmem:s21+$0xFFFFF450]  }
0x452: {  	v4 =	vld [tilespmem:s10+$0xFFFFF450];
	[tilespmem:s12+$0xF0] =	vst v0;
	v0 =	vadd.f32 v5, v3  }
0x453: {  	v3 =	vld [tilespmem:s21+$0xFFFFF490]  }
0x454: {  	v5 =	vld [tilespmem:s10+$0xFFFFF490];
	v2 =	vadd.f32 v2, v7;
	[tilespmem:s12+$0x170] =	vst v0  }
0x455: {  	s12 =	sadd.s32 $0x400, s12;
	v0 =	vld [tilespmem:s21+$0xFFFFF4D0]  }
0x456: {  	s13 =	sadd.s32 $0x8, s13;
	v7 =	vld [tilespmem:s10+$0xFFFFF4D0];
	[tilespmem:s12+$0x180] =	vst v2  }
0x457: {  	p4 =	slt.u32 s13, $0x20;
	v1 =	vadd.f32 v4, v1;
	v2 =	vld [tilespmem:s21+$0xFFFFFFD0]  }
0x458: {  	v4 =	vld [tilespmem:s10+$0xFFFFFFD0]  }
0x459: {  	[tilespmem:s12+$0xFFFFFE80] =	vst v1;
	v1 =	vadd.f32 v5, v3;
	v3 =	vld [tilespmem:s21+$0xFFFFF510]  }
0x45a: {  	v5 =	vld [tilespmem:s10+$0xFFFFF510]  }
0x45b: {  	[tilespmem:s12+$0xFFFFFF00] =	vst v1;
	v0 =	vadd.f32 v7, v0;
	v1 =	vld [tilespmem:s21+$0xFFFFF550]  }
0x45c: {  	v7 =	vld [tilespmem:s10+$0xFFFFF550]  }
0x45d: {  	[tilespmem:s12+$0xFFFFFF80] =	vst v0;
	v0 =	vld [tilespmem:s21+$0xFFFFF590];
	v2 =	vadd.f32 v4, v2  }
0x45e: {  	v4 =	vld [tilespmem:s10+$0xFFFFF590]  }
0x45f: {  	v8 =	vld [tilespmem:s21+$0xFFFFF410];
	v3 =	vadd.f32 v5, v3;
	[tilespmem:s12+$0x1C0] =	vst v2  }
0x460: {  	v2 =	vld [tilespmem:s21+$0xFFFFF5E0]  }
0x461: {  	[tilespmem:s12+$0x0] =	vst v3;
	v1 =	vadd.f32 v7, v1;
	v3 =	vld [tilespmem:s10+$0xFFFFF5E0]  }
0x462: {  	v5 =	vld [tilespmem:s21+$0xFFFFFE50]  }
0x463: {  	v7 =	vld [tilespmem:s10+$0xFFFFFE50];
	[tilespmem:s12+$0x80] =	vst v1;
	v0 =	vadd.f32 v4, v0  }
0x464: {  	v1 =	vadd.f32 v6, v8;
	v4 =	vld [tilespmem:s21+$0xFFFFFE90]  }
0x465: {  	v6 =	vld [tilespmem:s10+$0xFFFFFE90];
	[tilespmem:s12+$0x100] =	vst v0  }
0x466: {  	[tilespmem:s12+$0xFFFFFE00] =	vst v1;
	v0 =	vld [tilespmem:s21+$0xFFFFFED0];
	v1 =	vadd.f32 v3, v2  }
0x467: {  	v2 =	vld [tilespmem:s21+$0xFFFFFE10]  }
0x468: {  	v3 =	vld [tilespmem:s10+$0xFFFFFE10];
	v5 =	vadd.f32 v7, v5;
	[tilespmem:s12+$0x190] =	vst v1  }
0x469: {  	v1 =	vld [tilespmem:s21+$0xFFFFFFE0]  }
0x46a: {  	[tilespmem:s12+$0xFFFFFEC0] =	vst v5;
	v4 =	vadd.f32 v6, v4;
	v5 =	vld [tilespmem:s10+$0xFFFFFFE0]  }
0x46b: {  	v6 =	vld [tilespmem:s10+$0xFFFFFED0]  }
0x46c: {  	[tilespmem:s12+$0xFFFFFF40] =	vst v4;
	v4 =	vld [tilespmem:s21+$0xFFFFFF10]  }
0x46d: {  	v2 =	vadd.f32 v3, v2;
	v3 =	vld [tilespmem:s10+$0xFFFFFF10]  }
0x46e: {  	v7 =	vld [tilespmem:s21+$0xFFFFFF50]  }
0x46f: {  	[tilespmem:s12+$0xFFFFFE40] =	vst v2;
	v2 =	vld [tilespmem:s10+$0xFFFFFF50];
	v1 =	vadd.f32 v5, v1  }
0x470: {  	v0 =	vadd.f32 v6, v0;
	v5 =	vld [tilespmem:s21+$0xFFFFFF90]  }
0x471: {  	v6 =	vld [tilespmem:s10+$0xFFFFFF90];
	[tilespmem:s12+$0x1D0] =	vst v1  }
0x472: {  	[tilespmem:s12+$0xFFFFFFC0] =	vst v0;
	v0 =	vadd.f32 v3, v4;
	v1 =	vld [tilespmem:s21+$0xFFFFF5F0]  }
0x473: {  	v3 =	vld [tilespmem:s10+$0xFFFFF5F0]  }
0x474: {  	v4 =	vld [tilespmem:s21+$0xFFFFF420];
	[tilespmem:s12+$0x40] =	vst v0;
	v0 =	vadd.f32 v2, v7  }
0x475: {  	v2 =	vld [tilespmem:s10+$0xFFFFF420]  }
0x476: {  	v7 =	vld [tilespmem:s21+$0xFFFFF460];
	[tilespmem:s12+$0xC0] =	vst v0;
	v0 =	vadd.f32 v6, v5  }
0x477: {  	v5 =	vld [tilespmem:s10+$0xFFFFF460]  }
0x478: {  	v6 =	vld [tilespmem:s21+$0xFFFFF4A0];
	[tilespmem:s12+$0x140] =	vst v0;
	v0 =	vadd.f32 v3, v1  }
0x479: {  	v1 =	vld [tilespmem:s10+$0xFFFFF4A0]  }
0x47a: {  	v2 =	vadd.f32 v2, v4;
	v3 =	vld [tilespmem:s21+$0xFFFFF4E0];
	[tilespmem:s12+$0x1A0] =	vst v0  }
0x47b: {  	v0 =	vld [tilespmem:s21+$0xFFFFFFF0]  }
0x47c: {  	[tilespmem:s12+$0xFFFFFE10] =	vst v2;
	v2 =	vadd.f32 v5, v7;
	v4 =	vld [tilespmem:s10+$0xFFFFFFF0]  }
0x47d: {  	v5 =	vld [tilespmem:s10+$0xFFFFF4E0]  }
0x47e: {  	[tilespmem:s12+$0xFFFFFE90] =	vst v2;
	v1 =	vadd.f32 v1, v6;
	v2 =	vld [tilespmem:s21+$0xFFFFF520]  }
0x47f: {  	v6 =	vld [tilespmem:s10+$0xFFFFF520]  }
0x480: {  	[tilespmem:s12+$0xFFFFFF10] =	vst v1;
	v1 =	vld [tilespmem:s21+$0xFFFFF560]  }
0x481: {  	v7 =	vld [tilespmem:s10+$0xFFFFF560];
	v0 =	vadd.f32 v4, v0  }
0x482: {  	v3 =	vadd.f32 v5, v3;
	v4 =	vld [tilespmem:s21+$0xFFFFF5A0]  }
0x483: {  	v5 =	vld [tilespmem:s10+$0xFFFFF5A0];
	[tilespmem:s12+$0x1E0] =	vst v0  }
0x484: {  	[tilespmem:s12+$0xFFFFFF90] =	vst v3;
	v0 =	vadd.f32 v6, v2;
	v2 =	vld [tilespmem:s21+$0xFFFFF600]  }
0x485: {  	v3 =	vld [tilespmem:s10+$0xFFFFF600]  }
0x486: {  	v6 =	vld [tilespmem:s21+$0xFFFFFE20];
	[tilespmem:s12+$0x10] =	vst v0;
	v0 =	vadd.f32 v7, v1  }
0x487: {  	v1 =	vld [tilespmem:s10+$0xFFFFFE20]  }
0x488: {  	v7 =	vld [tilespmem:s21+$0xFFFFFE60];
	[tilespmem:s12+$0x90] =	vst v0;
	v0 =	vadd.f32 v5, v4  }
0x489: {  	v4 =	vld [tilespmem:s10+$0xFFFFFE60]  }
0x48a: {  	v5 =	vld [tilespmem:s21+$0xFFFFFEA0];
	[tilespmem:s12+$0x110] =	vst v0;
	v0 =	vadd.f32 v3, v2  }
0x48b: {  	v2 =	vld [tilespmem:s10+$0xFFFFFEA0]  }
0x48c: {  	v1 =	vadd.f32 v1, v6;
	v3 =	vld [tilespmem:s21+$0xFFFFFEE0];
	[tilespmem:s12+$0x1B0] =	vst v0  }
0x48d: {  	v0 =	vld [tilespmem:s21+$0x0]  }
0x48e: {  	[tilespmem:s12+$0xFFFFFE50] =	vst v1;
	v1 =	vadd.f32 v4, v7;
	v4 =	vld [tilespmem:s10+$0x0]  }
0x48f: {  	v6 =	vld [tilespmem:s10+$0xFFFFFEE0]  }
0x490: {  	[tilespmem:s12+$0xFFFFFED0] =	vst v1;
	v1 =	vadd.f32 v2, v5;
	v2 =	vld [tilespmem:s21+$0xFFFFFF20]  }
0x491: {  	v5 =	vld [tilespmem:s10+$0xFFFFFF20]  }
0x492: {  	[tilespmem:s12+$0xFFFFFF50] =	vst v1;
	v1 =	vld [tilespmem:s21+$0xFFFFFF60]  }
0x493: {  	v7 =	vld [tilespmem:s10+$0xFFFFFF60];
	v0 =	vadd.f32 v4, v0  }
0x494: {  	v3 =	vadd.f32 v6, v3;
	v4 =	vld [tilespmem:s21+$0xFFFFFFA0]  }
0x495: {  	v6 =	vld [tilespmem:s10+$0xFFFFFFA0];
	[tilespmem:s12+$0x1F0] =	vst v0  }
0x496: {  	v0 =	vld [tilespmem:s21+$0xFFFFF430];
	[tilespmem:s12+$0xFFFFFFD0] =	vst v3;
	v2 =	vadd.f32 v5, v2  }
0x497: {  	v3 =	vld [tilespmem:s10+$0xFFFFF430]  }
0x498: {  	v5 =	vld [tilespmem:s21+$0xFFFFF470];
	[tilespmem:s12+$0x50] =	vst v2;
	v1 =	vadd.f32 v7, v1  }
0x499: {  	v2 =	vld [tilespmem:s10+$0xFFFFF470]  }
0x49a: {  	v7 =	vld [tilespmem:s21+$0xFFFFF4B0];
	[tilespmem:s12+$0xD0] =	vst v1;
	v1 =	vadd.f32 v6, v4  }
0x49b: {  	v4 =	vld [tilespmem:s10+$0xFFFFF4B0]  }
0x49c: {  	v0 =	vadd.f32 v3, v0;
	v3 =	vld [tilespmem:s21+$0xFFFFF4F0];
	[tilespmem:s12+$0x150] =	vst v1  }
0x49d: {  	v1 =	vld [tilespmem:s10+$0xFFFFF4F0]  }
0x49e: {  	[tilespmem:s12+$0xFFFFFE20] =	vst v0;
	v0 =	vadd.f32 v2, v5;
	v2 =	vld [tilespmem:s21+$0xFFFFF530]  }
0x49f: {  	v5 =	vld [tilespmem:s10+$0xFFFFF530]  }
0x4a0: {  	[tilespmem:s12+$0xFFFFFEA0] =	vst v0;
	v0 =	vadd.f32 v4, v7;
	v4 =	vld [tilespmem:s21+$0xFFFFF570]  }
0x4a1: {  	v6 =	vld [tilespmem:s10+$0xFFFFF570]  }
0x4a2: {  	[tilespmem:s12+$0xFFFFFF20] =	vst v0;
	v0 =	vadd.f32 v1, v3;
	v1 =	vld [tilespmem:s21+$0xFFFFF5B0]  }
0x4a3: {  	v3 =	vld [tilespmem:s10+$0xFFFFF5B0]  }
0x4a4: {  	v7 =	vld [tilespmem:s21+$0xFFFFFE30];
	[tilespmem:s12+$0xFFFFFFA0] =	vst v0;
	v0 =	vadd.f32 v5, v2  }
0x4a5: {  	v2 =	vld [tilespmem:s10+$0xFFFFFE30]  }
0x4a6: {  	v5 =	vld [tilespmem:s21+$0xFFFFFE70];
	[tilespmem:s12+$0x20] =	vst v0;
	v0 =	vadd.f32 v6, v4  }
0x4a7: {  	v4 =	vld [tilespmem:s10+$0xFFFFFE70]  }
0x4a8: {  	v6 =	vld [tilespmem:s21+$0xFFFFFEB0];
	[tilespmem:s12+$0xA0] =	vst v0;
	v0 =	vadd.f32 v3, v1  }
0x4a9: {  	v1 =	vld [tilespmem:s10+$0xFFFFFEB0]  }
0x4aa: {  	v2 =	vadd.f32 v2, v7;
	v3 =	vld [tilespmem:s21+$0xFFFFFEF0];
	[tilespmem:s12+$0x120] =	vst v0  }
0x4ab: {  	v0 =	vld [tilespmem:s10+$0xFFFFFEF0]  }
0x4ac: {  	[tilespmem:s12+$0xFFFFFE60] =	vst v2;
	v2 =	vadd.f32 v4, v5;
	v4 =	vld [tilespmem:s21+$0xFFFFFF30]  }
0x4ad: {  	v5 =	vld [tilespmem:s10+$0xFFFFFF30]  }
0x4ae: {  	[tilespmem:s12+$0xFFFFFEE0] =	vst v2;
	v1 =	vadd.f32 v1, v6;
	v2 =	vld [tilespmem:s21+$0xFFFFFF70]  }
0x4af: {  	v6 =	vld [tilespmem:s10+$0xFFFFFF70]  }
0x4b0: {  	[tilespmem:s12+$0xFFFFFF60] =	vst v1;
	v0 =	vadd.f32 v0, v3;
	v1 =	vld [tilespmem:s21+$0xFFFFFFB0]  }
0x4b1: {  	v3 =	vld [tilespmem:s10+$0xFFFFFFB0]  }
0x4b2: {  	v7 =	vld [tilespmem:s21+$0xFFFFF440];
	[tilespmem:s12+$0xFFFFFFE0] =	vst v0;
	v0 =	vadd.f32 v5, v4  }
0x4b3: {  	v4 =	vld [tilespmem:s10+$0xFFFFF440]  }
0x4b4: {  	v5 =	vld [tilespmem:s21+$0xFFFFF480];
	[tilespmem:s12+$0x60] =	vst v0;
	v0 =	vadd.f32 v6, v2  }
0x4b5: {  	v2 =	vld [tilespmem:s10+$0xFFFFF480]  }
0x4b6: {  	v6 =	vld [tilespmem:s21+$0xFFFFF4C0];
	[tilespmem:s12+$0xE0] =	vst v0;
	v0 =	vadd.f32 v3, v1  }
0x4b7: {  	v1 =	vld [tilespmem:s10+$0xFFFFF4C0]  }
0x4b8: {  	v3 =	vadd.f32 v4, v7;
	v4 =	vld [tilespmem:s21+$0xFFFFF500];
	[tilespmem:s12+$0x160] =	vst v0  }
0x4b9: {  	v0 =	vld [tilespmem:s10+$0xFFFFF500]  }
0x4ba: {  	[tilespmem:s12+$0xFFFFFE30] =	vst v3;
	v2 =	vadd.f32 v2, v5;
	v3 =	vld [tilespmem:s21+$0xFFFFF540]  }
0x4bb: {  	v5 =	vld [tilespmem:s10+$0xFFFFF540]  }
0x4bc: {  	[tilespmem:s12+$0xFFFFFEB0] =	vst v2;
	v1 =	vadd.f32 v1, v6;
	v2 =	vld [tilespmem:s21+$0xFFFFF580]  }
0x4bd: {  	v6 =	vld [tilespmem:s10+$0xFFFFF580]  }
0x4be: {  	[tilespmem:s12+$0xFFFFFF30] =	vst v1;
	v0 =	vadd.f32 v0, v4;
	v1 =	vld [tilespmem:s21+$0xFFFFF5C0]  }
0x4bf: {  	v4 =	vld [tilespmem:s10+$0xFFFFF5C0]  }
0x4c0: {  	v7 =	vld [tilespmem:s21+$0xFFFFFE40];
	[tilespmem:s12+$0xFFFFFFB0] =	vst v0;
	v0 =	vadd.f32 v5, v3  }
0x4c1: {  	v3 =	vld [tilespmem:s10+$0xFFFFFE40]  }
0x4c2: {  	v5 =	vld [tilespmem:s21+$0xFFFFFE80];
	[tilespmem:s12+$0x30] =	vst v0;
	v0 =	vadd.f32 v6, v2  }
0x4c3: {  	v2 =	vld [tilespmem:s10+$0xFFFFFE80]  }
0x4c4: {  	v6 =	vld [tilespmem:s21+$0xFFFFFEC0];
	[tilespmem:s12+$0xB0] =	vst v0;
	v0 =	vadd.f32 v4, v1  }
0x4c5: {  	v1 =	vld [tilespmem:s10+$0xFFFFFEC0]  }
0x4c6: {  	v3 =	vadd.f32 v3, v7;
	v7 =	vld [tilespmem:s21+$0xFFFFFF00];
	[tilespmem:s12+$0x130] =	vst v0  }
0x4c7: {  	v8 =	vld [tilespmem:s10+$0xFFFFFF00]  }
0x4c8: {  	[tilespmem:s12+$0xFFFFFE70] =	vst v3;
	v3 =	vadd.f32 v2, v5;
	v0 =	vld [tilespmem:s21+$0xFFFFFF40]  }
.Ltmp9:
0x4c9: {  	v2 =	vld [tilespmem:s10+$0xFFFFFF40];
	(pc) =	sbr.rel @p4 .LBB2_15-.Ltmp9, $4  }
0x4ca: {  	[tilespmem:s12+$0xFFFFFEF0] =	vst v3;
	v3 =	vadd.f32 v1, v6;
	v1 =	vld [tilespmem:s21+$0xFFFFFF80]  }
0x4cb: {  	v4 =	vld [tilespmem:s10+$0xFFFFFF80]  }
0x4cc: {  	[tilespmem:s12+$0xFFFFFF70] =	vst v3;
	v6 =	vadd.f32 v8, v7;
	v3 =	vld [tilespmem:s21+$0xFFFFFFC0]  }
0x4cd: {  	s21 =	sadd.s32 $0x200, s21;
	v5 =	vld [tilespmem:s10+$0xFFFFFFC0]  }
0x4ce: {  	_ =	sdelay $0x1  }
0x4cf: {  	v0 =	vadd.f32 v2, v0  }
0x4d0: {  	[tilespmem:s12+$0xFFFFFFF0] =	vst v6;
	v1 =	vadd.f32 v4, v1  }
0x4d1: {  	[tilespmem:s12+$0x70] =	vst v0;
	v63 =	vadd.f32 v5, v3  }
0x4d2: {  	[tilespmem:s12+$0xF0] =	vst v1  }
0x4d3: {  	[tilespmem:s12+$0x170] =	vst v63  }
0x4d4: {  	s10 =	rddreg [dreg:$0x7]  }
0x4d5: {  	[hbm4b:s10+s5] =	stream.linear.scatter [tilespmem:s19], [sflag:$0x5], $0x1400, $0x38;
	[tilespmem:$0x1B1C0] =	vst v63  }
0x4d6: {  	_ =	swait.ge [sflag:s22], $0x1400  }
0x4d7: {  	s3 =	sld [smem:$0x7C2];
	_ =	sdelay $0x2  }
0x4d8: {  	s30 =	rddreg [dreg:$0x8];
	s3 =	sadd.s32 $0x1, s3  }
0x4d9: {  	p4 =	sne.s32 s3, s30  }
.Ltmp10:
0x4da: {  	_ = 	snop;
	(pc) =	sbr.rel @p4 .LBB2_1-.Ltmp10, $3  }
0x4db: {  	_ =	sdelay $0x1  }
0x4dc: {  	[sflag:s22] =	ssyncset.done $0x0  }
0x4dd: {  	[sflag:s22] =	ssyncadd.s32 $0xFFFFEC00  }
0x4de: {  	_ =	sfence.sel $0x180000  }
0x4df: {  	[bflag:$0x0] =	sbarrier.arrive $0xFFFF  }
0x4e0: {  	_ =	strace $0x90000047  }
0x4e1: {  	s0 =	stileid.u32;
	[bflag:$0x2] =	sbarrier.arrive $0xFFFF  }
0x4e2: {  	p0 =	sne.s32 s0, $0x0;
	s0 =	rddreg [dreg:$0x4]  }
0x4e3: {  	s0 =	sadd.s32 @!p0 $0x100000, s0  }
0x4e4: {  	[sflag:s0] =	ssyncadd.tile.s32 @!p0 $0x1;
	_ =	shalt  }
.Lfunc_end2:
_tile_overlayer_lowered:
.L_overlay_start_2:
0x4e5: {  	(tag) =	ssettag $0x2  }
0x4e6: {  	s0 =	rddreg [dreg:$0x0];
	s2 =	stileid.u32  }
0x4e7: {  	s1 =	rddreg [dreg:$0x1];
	p0 =	sne.s32 s2, $0x0  }
0x4e8: {  	s3 =	rddreg [dreg:$0x2];
	[bflag:$0x3] =	sbarrier.arrive $0xFFFF;
	s2 =	simm.s32 @!p0 $0x1C06  }
0x4e9: {  	[timem:s3], [sflag:s2] =	dma.local @!p0 [hbm:s0], s1  }
0x4ea: {  	s0 =	simm.s32 @!p0 $0x6  }
0x4eb: {  	_ =	swait.ge @!p0 [sflag:s0], s1  }
0x4ec: {  	s1 =	ssub.s32 @!p0 $0x0, s1;
	[sflag:s0] =	ssyncset.done @!p0 $0x0  }
0x4ed: {  	[sflag:s0] =	ssyncadd.s32 @!p0 s1  }
0x4ee: {  	[bflag:$0x3] =	sbarrier.arrive $0xFFFF  }
0x4ef: {  	_ =	shalt  }

</sc_bundles>
